<compile_context>
chip_gen: v7x
topology: tpu7x:2x2x1
jax: 0.10.2.dev20260603
libtpu: 0.0.44.dev20260713+nightly
codegen_flags: <defaults>
</compile_context>

<pallas_src>
import functools

import jax
import jax.numpy as jnp
from jax import lax
from jax.experimental import pallas as pl
from jax.experimental.pallas import tpu as pltpu
from jax.experimental.pallas import tpu_sc as plsc

N = 10000
E = 320000
D1 = 16
D2P = 40
NC = 2
NS = 16
CH = 125
CPT = E // CH // (NC * NS)
BR = 1000
GRID = N // BR
RING = 8


def _sc_mesh():
    return plsc.VectorSubcoreMesh(
        core_axis_name="c", subcore_axis_name="s", num_cores=NC, num_subcores=NS
    )


_SC_PARAMS = pltpu.CompilerParams(use_tc_tiling_on_sc=False)


def _sc_degree(dst2d, ones_ch, zeros_n16):
    @functools.partial(
        pl.kernel,
        out_type=jax.ShapeDtypeStruct((NC, N, D1), jnp.float32),
        mesh=_sc_mesh(),
        compiler_params=_SC_PARAMS,
        scratch_types=[
            pltpu.VMEM((CPT, CH), jnp.int32),
            pltpu.VMEM((CH, D1), jnp.float32),
            pltpu.VMEM_SHARED((N, D1), jnp.float32),
            pltpu.SemaphoreType.DMA,
        ],
    )
    def body(dst_hbm, ones_hbm, zeros_hbm, out_hbm, idst, ones_v, acc, sem):
        cid = lax.axis_index("c")
        sid = lax.axis_index("s")
        wid = cid * NS + sid
        pltpu.sync_copy(dst_hbm.at[pl.ds(wid * CPT, CPT)], idst)
        pltpu.sync_copy(ones_hbm, ones_v)
        @pl.when(sid < 10)
        def _():
            pltpu.sync_copy(
                zeros_hbm.at[pl.ds(sid * 1000, 1000)], acc.at[pl.ds(sid * 1000, 1000)]
            )
        plsc.subcore_barrier()

        def step(j, carry):
            pltpu.async_copy(ones_v, acc.at[idst.at[j]], sem, add=True)
            return carry

        lax.fori_loop(0, CPT, step, 0)

        def drain(j, carry):
            pltpu.make_async_copy(ones_v, acc.at[idst.at[j]], sem).wait()
            return carry

        lax.fori_loop(0, CPT, drain, 0)
        plsc.subcore_barrier()

        @pl.when(sid < 10)
        def _():
            pltpu.sync_copy(
                acc.at[pl.ds(sid * 1000, 1000)],
                out_hbm.at[cid].at[pl.ds(sid * 1000, 1000)],
            )

    return body(dst2d, ones_ch, zeros_n16)


def _sc_agg(y, src2d, dst2d, zeros_nd, d):
    rpt = 1000

    @functools.partial(
        pl.kernel,
        out_type=jax.ShapeDtypeStruct((NC, N, d), jnp.float32),
        mesh=_sc_mesh(),
        compiler_params=_SC_PARAMS,
        scratch_types=[
            pltpu.VMEM((CPT, CH), jnp.int32),
            pltpu.VMEM((CPT, CH), jnp.int32),
            [pltpu.VMEM((CH, d), jnp.float32) for _ in range(RING)],
            [pltpu.SemaphoreType.DMA for _ in range(RING)],
            [pltpu.SemaphoreType.DMA for _ in range(RING)],
            pltpu.VMEM_SHARED((N, d), jnp.float32),
        ],
    )
    def body(
        y_hbm, src_hbm, dst_hbm, zeros_hbm, out_hbm, isrc, idst, bufs, gsems, ssems, acc
    ):
        cid = lax.axis_index("c")
        sid = lax.axis_index("s")
        wid = cid * NS + sid
        pltpu.sync_copy(src_hbm.at[pl.ds(wid * CPT, CPT)], isrc)
        pltpu.sync_copy(dst_hbm.at[pl.ds(wid * CPT, CPT)], idst)

        @pl.when(sid < 10)
        def _():
            pltpu.sync_copy(
                zeros_hbm.at[pl.ds(sid * rpt, rpt)], acc.at[pl.ds(sid * rpt, rpt)]
            )
        plsc.subcore_barrier()

        for b in range(RING):
            pltpu.async_copy(y_hbm.at[isrc.at[b]], bufs[b], gsems[b])

        def step(k, carry):
            base = k * RING
            for b in range(RING):
                j = base + b
                pltpu.make_async_copy(y_hbm.at[isrc.at[j]], bufs[b], gsems[b]).wait()
                pltpu.async_copy(bufs[b], acc.at[idst.at[j]], ssems[b], add=True)
            for b in range(RING):
                j = base + b

                @pl.when(j + RING < CPT)
                def _():
                    pltpu.make_async_copy(bufs[b], acc.at[idst.at[j]], ssems[b]).wait()
                    pltpu.async_copy(y_hbm.at[isrc.at[j + RING]], bufs[b], gsems[b])

            return carry

        lax.fori_loop(0, CPT // RING, step, 0)
        for b in range(RING):
            pltpu.make_async_copy(bufs[b], acc.at[idst.at[CPT - RING + b]], ssems[b]).wait()
        plsc.subcore_barrier()

        @pl.when(sid < 10)
        def _():
            pltpu.sync_copy(
                acc.at[pl.ds(sid * rpt, rpt)],
                out_hbm.at[cid].at[pl.ds(sid * rpt, rpt)],
            )

    return body(y, src2d, dst2d, zeros_nd)


def _dinv_of(degp_ref):
    deg = degp_ref[0] + degp_ref[1] + 1.0
    return lax.rsqrt(deg)


def _tc_xw(x, W1):
    def body(x_ref, w_ref, xw_ref):
        xw_ref[...] = jnp.dot(x_ref[...], w_ref[...], preferred_element_type=jnp.float32)

    return pl.pallas_call(
        body,
        out_shape=jax.ShapeDtypeStruct((N, D1), jnp.float32),
    )(x, W1)


def _tc_scale(xw, degp):
    def body(xw_ref, degp_ref, y1_ref):
        y1_ref[...] = xw_ref[...] * _dinv_of(degp_ref)

    return pl.pallas_call(
        body,
        out_shape=jax.ShapeDtypeStruct((N, D1), jnp.float32),
    )(xw, degp)


def _tc_mid(aggp, y1, degp, W2, b1):
    def body(aggp_ref, y1_ref, degp_ref, w_ref, b1_ref, y2_ref):
        dinv = _dinv_of(degp_ref)
        agg = aggp_ref[0] + aggp_ref[1] + y1_ref[...]
        pre = agg * dinv + b1_ref[...]
        h = jnp.where(pre > 0, pre, jnp.exp(jnp.minimum(pre, 0.0)) - 1.0)
        hw = jnp.dot(h, w_ref[...], preferred_element_type=jnp.float32)
        y2_ref[...] = hw * dinv[:, :1]

    return pl.pallas_call(
        body,
        out_shape=jax.ShapeDtypeStruct((N, D2P), jnp.float32),
    )(aggp, y1, degp, W2, b1)


def _tc_final(aggp2, y2, degp, b2p):
    def body(aggp_ref, y2_ref, degp_ref, b2_ref, out_ref):
        dinv = _dinv_of(degp_ref)
        agg = aggp_ref[0] + aggp_ref[1] + y2_ref[...]
        z = agg * dinv[:, :1] + b2_ref[...]
        lane = lax.broadcasted_iota(jnp.int32, (N, D2P), 1)
        zm = jnp.where(lane < 40, z, -1e30)
        m = jnp.max(zm, axis=1, keepdims=True)
        s = jnp.log(jnp.sum(jnp.exp(zm - m), axis=1, keepdims=True))
        out_ref[...] = (z - m - s)[:, :40]

    return pl.pallas_call(
        body,
        out_shape=jax.ShapeDtypeStruct((N, 40), jnp.float32),
    )(aggp2, y2, degp, b2p)


def kernel(node_feature, adj_mat, W1, b1, W2, b2):
    src2d = adj_mat[0].reshape(E // CH, CH)
    dst2d = adj_mat[1].reshape(E // CH, CH)
    ones_ch = jnp.ones((CH, D1), jnp.float32)
    zeros_n16 = jnp.zeros((N, D1), jnp.float32)
    zeros_n48 = jnp.zeros((N, D2P), jnp.float32)
    b1r = b1.reshape(1, D1)
    b2p = jnp.concatenate([b2, jnp.zeros((D2P - 40,), jnp.float32)]).reshape(1, D2P)

    xw = _tc_xw(node_feature, W1)
    degp = _sc_degree(dst2d, ones_ch, zeros_n16)
    y1 = _tc_scale(xw, degp)
    aggp1 = _sc_agg(y1, src2d, dst2d, zeros_n16, D1)
    y2 = _tc_mid(aggp1, y1, degp, W2, b1r)
    aggp2 = _sc_agg(y2, src2d, dst2d, zeros_n48, D2P)
    return _tc_final(aggp2, y2, degp, b2p)

# --- scband reference (transcript-rebuilt; emitter-appended) ---
"""Pipeline reference for scband-gcn-48524540510785 (READ-ONLY COPY).

The authoritative reference and input builder live on the scoring server;
editing this copy changes nothing except your own understanding.
"""

import jax, jax.numpy as jnp
import numpy as np

N = 10000
E = 320000
D_IN = 128
D_MID = 16
D_OUT = 40


def setup_inputs(seed: int = 0) -> dict:
    key = jax.random.key(seed)
    k1, k2, k3, k4, k5, k6 = jax.random.split(key, 6)
    node_feature = jax.random.normal(k1, (N, D_IN), dtype=jnp.float32)
    adj_mat = jax.random.randint(k2, (2, E), 0, N, dtype=jnp.int32)
    W1 = jax.random.normal(k3, (D_IN, D_MID), dtype=jnp.float32) * (1.0 / np.sqrt(D_IN))
    b1 = jnp.zeros((D_MID,), dtype=jnp.float32)
    W2 = jax.random.normal(k4, (D_MID, D_OUT), dtype=jnp.float32) * (1.0 / np.sqrt(D_MID))
    b2 = jnp.zeros((D_OUT,), dtype=jnp.float32)
    return {"node_feature": node_feature, "adj_mat": adj_mat, "W1": W1, "b1": b1, "W2": W2, "b2": b2}


def _gcn_conv(x, edge_index, W, b):
    # PyG-style GCNConv: x @ W, add self-loops, symmetric deg normalization,
    # scatter-add aggregation at dst, then + bias.
    n = x.shape[0]
    x = x @ W
    src = edge_index[0]
    dst = edge_index[1]
    loop = jnp.arange(n, dtype=src.dtype)
    src = jnp.concatenate([src, loop])
    dst = jnp.concatenate([dst, loop])
    deg = jnp.zeros((n,), dtype=x.dtype).at[dst].add(1.0)
    dinv = jnp.where(deg > 0, deg ** -0.5, 0.0)
    norm = dinv[src] * dinv[dst]
    msg = x[src] * norm[:, None]
    out = jnp.zeros((n, x.shape[1]), dtype=x.dtype).at[dst].add(msg)
    return out + b


def reference(node_feature, adj_mat, W1, b1, W2, b2):
    # Eval mode: F.dropout(training=False) is identity.
    h = _gcn_conv(node_feature, adj_mat, W1, b1)
    h = jax.nn.elu(h)
    out = _gcn_conv(h, adj_mat, W2, b2)
    return jax.nn.log_softmax(out, axis=1)

if __name__ == "__main__":
    import jax
    _d = setup_inputs()
    print(jax.jit(kernel)(*tuple(_d.values())))

</pallas_src>

<mosaic_0001>
#map = affine_map<(d0, d1) -> (0, 0)>
#map1 = affine_map<(d0, d1) -> (0, 0, 0)>
module attributes {stable_mosaic.version = 14 : i64} {
  func.func @body(%arg0: i32, %arg1: i32, %arg2: memref<2560x125xi32, #tpu.memory_space<hbm>>, %arg3: memref<125x16xf32, #tpu.memory_space<hbm>>, %arg4: memref<10000x16xf32, #tpu.memory_space<hbm>>, %arg5: memref<2x10000x16xf32, #tpu.memory_space<hbm>>, %arg6: memref<80x125xi32, #tpu.memory_space<vmem>>, %arg7: memref<125x16xf32, #tpu.memory_space<vmem>>, %arg8: memref<10000x16xf32, #tpu.memory_space<vmem_shared>>, %arg9: memref<!tpu.dma_semaphore, #tpu.memory_space<semaphore_mem>>) attributes {dimension_semantics = [#tpu.dimension_semantics<core_parallel>, #tpu.dimension_semantics<subcore_parallel>], iteration_bounds = array<i64: 2, 16>, scalar_prefetch = 0 : i64, scratch_operands = 4 : i64, tpu.core_type = #tpu.core_type<sc_vector_subcore>, window_params = [{transform_indices = #map}, {transform_indices = #map}, {transform_indices = #map}, {transform_indices = #map1}]} {
    %mul3A = arith.constant 16 : i32
    %mul3A_0 = arith.muli %arg0, %mul3A : i32
    %add3A = arith.addi %mul3A_0, %arg1 : i32
    %mul3A_1 = arith.constant 80 : i32
    %mul3A_2 = arith.muli %add3A, %mul3A_1 : i32
    "tpu.region"() ({
      %run_scoped3A = tpu.sem_alloc : memref<!tpu.dma_semaphore, #tpu.memory_space<semaphore_mem>>
      %dma_start3A = arith.constant 0 : i32
      %dma_start3A_22 = tpu.memref_slice %arg2[%mul3A_2, %dma_start3A] : memref<2560x125xi32, #tpu.memory_space<hbm>> -> memref<80x125xi32, #tpu.memory_space<hbm>>
      %dma_start3A_23 = arith.constant 0 : i32
      %dma_start3A_24 = tpu.memref_slice %arg2[%mul3A_2, %dma_start3A_23] : memref<2560x125xi32, #tpu.memory_space<hbm>> -> memref<80x125xi32, #tpu.memory_space<hbm>>
      tpu.enqueue_dma source(%dma_start3A_24 : memref<80x125xi32, #tpu.memory_space<hbm>>) target(%arg6 : memref<80x125xi32, #tpu.memory_space<vmem>>) target_semaphore(%run_scoped3A : memref<!tpu.dma_semaphore, #tpu.memory_space<semaphore_mem>>)
      %dma_wait3A = arith.constant 0 : i32
      %dma_wait3A_25 = tpu.memref_slice %arg2[%mul3A_2, %dma_wait3A] : memref<2560x125xi32, #tpu.memory_space<hbm>> -> memref<80x125xi32, #tpu.memory_space<hbm>>
      %dma_wait3A_26 = arith.constant 0 : i32
      %dma_wait3A_27 = tpu.memref_slice %arg2[%mul3A_2, %dma_wait3A_26] : memref<2560x125xi32, #tpu.memory_space<hbm>> -> memref<80x125xi32, #tpu.memory_space<hbm>>
      tpu.wait_dma2 semaphore(%run_scoped3A : memref<!tpu.dma_semaphore, #tpu.memory_space<semaphore_mem>>) src(%dma_wait3A_27 : memref<80x125xi32, #tpu.memory_space<hbm>>) dst(%arg6 : memref<80x125xi32, #tpu.memory_space<vmem>>)
      tpu.yield
    }) : () -> ()
    "tpu.region"() ({
      %run_scoped3A = tpu.sem_alloc : memref<!tpu.dma_semaphore, #tpu.memory_space<semaphore_mem>>
      tpu.enqueue_dma source(%arg3 : memref<125x16xf32, #tpu.memory_space<hbm>>) target(%arg7 : memref<125x16xf32, #tpu.memory_space<vmem>>) target_semaphore(%run_scoped3A : memref<!tpu.dma_semaphore, #tpu.memory_space<semaphore_mem>>)
      tpu.wait_dma2 semaphore(%run_scoped3A : memref<!tpu.dma_semaphore, #tpu.memory_space<semaphore_mem>>) src(%arg3 : memref<125x16xf32, #tpu.memory_space<hbm>>) dst(%arg7 : memref<125x16xf32, #tpu.memory_space<vmem>>)
      tpu.yield
    }) : () -> ()
    %lt3A = arith.constant 10 : i32
    %lt3A_3 = arith.cmpi slt, %arg1, %lt3A : i32
    %convert_element_type3A = arith.extui %lt3A_3 : i1 to i32
    %cond3A = arith.constant 0 : i32
    %cond3A_4 = arith.cmpi ne, %convert_element_type3A, %cond3A : i32
    scf.if %cond3A_4 {
      %mul3A_22 = arith.constant 1000 : i32
      %mul3A_23 = arith.muli %arg1, %mul3A_22 : i32
      %mul3A_24 = arith.constant 1000 : i32
      %mul3A_25 = arith.muli %arg1, %mul3A_24 : i32
      "tpu.region"() ({
        %run_scoped3A = tpu.sem_alloc : memref<!tpu.dma_semaphore, #tpu.memory_space<semaphore_mem>>
        %dma_start3A = arith.constant 0 : i32
        %dma_start3A_26 = tpu.memref_slice %arg8[%mul3A_25, %dma_start3A] : memref<10000x16xf32, #tpu.memory_space<vmem_shared>> -> memref<1000x16xf32, #tpu.memory_space<vmem_shared>>
        %dma_start3A_27 = arith.constant 0 : i32
        %dma_start3A_28 = tpu.memref_slice %arg4[%mul3A_23, %dma_start3A_27] : memref<10000x16xf32, #tpu.memory_space<hbm>> -> memref<1000x16xf32, #tpu.memory_space<hbm>>
        tpu.enqueue_dma source(%dma_start3A_28 : memref<1000x16xf32, #tpu.memory_space<hbm>>) target(%dma_start3A_26 : memref<1000x16xf32, #tpu.memory_space<vmem_shared>>) target_semaphore(%run_scoped3A : memref<!tpu.dma_semaphore, #tpu.memory_space<semaphore_mem>>)
        %dma_wait3A = arith.constant 0 : i32
        %dma_wait3A_29 = tpu.memref_slice %arg8[%mul3A_25, %dma_wait3A] : memref<10000x16xf32, #tpu.memory_space<vmem_shared>> -> memref<1000x16xf32, #tpu.memory_space<vmem_shared>>
        %dma_wait3A_30 = arith.constant 0 : i32
        %dma_wait3A_31 = tpu.memref_slice %arg4[%mul3A_23, %dma_wait3A_30] : memref<10000x16xf32, #tpu.memory_space<hbm>> -> memref<1000x16xf32, #tpu.memory_space<hbm>>
        tpu.wait_dma2 semaphore(%run_scoped3A : memref<!tpu.dma_semaphore, #tpu.memory_space<semaphore_mem>>) src(%dma_wait3A_31 : memref<1000x16xf32, #tpu.memory_space<hbm>>) dst(%dma_wait3A_29 : memref<1000x16xf32, #tpu.memory_space<vmem_shared>>)
        tpu.yield
      }) : () -> ()
    } else {
    }
    %barrier3A = arith.constant 0 : index
    tpu.barrier barrier_id(%barrier3A)
    %scan3A = arith.constant 0 : i32
    %scan3A_5 = arith.constant 0 : i32
    %scan3A_6 = arith.constant 80 : i32
    %scan3A_7 = arith.addi %scan3A_5, %scan3A_6 : i32
    %scan3A_8 = arith.constant 1 : i32
    scf.for %scan3A_22 = %scan3A_5 to %scan3A_7 step %scan3A_8  : i32 {
      %dma_start3A = arith.constant 0 : i32
      %dma_start3A_23 = tpu.memref_slice %arg6[%scan3A_22, %dma_start3A] : memref<80x125xi32, #tpu.memory_space<vmem>> -> memref<1x125xi32, #tpu.memory_space<vmem>>
      %dma_start3A_24 = tpu.memref_squeeze %dma_start3A_23 : memref<1x125xi32, #tpu.memory_space<vmem>> -> memref<125xi32, #tpu.memory_space<vmem>>
      %dma_start3A_25 = arith.constant 0 : i32
      %dma_start3A_26 = arith.constant 0 : i32
      %dma_start3A_27 = tpu.memref_slice %arg8[%dma_start3A_25, %dma_start3A_26] : memref<10000x16xf32, #tpu.memory_space<vmem_shared>> -> memref<10000x16xf32, #tpu.memory_space<vmem_shared>>
      tpu.enqueue_indirect_dma source(%arg7 : memref<125x16xf32, #tpu.memory_space<vmem>>) target(%dma_start3A_27 : memref<10000x16xf32, #tpu.memory_space<vmem_shared>>) offsets(%dma_start3A_24 : memref<125xi32, #tpu.memory_space<vmem>>) semaphore(%arg9 : memref<!tpu.dma_semaphore, #tpu.memory_space<semaphore_mem>>) {add = true}
    }
    %scan3A_9 = arith.constant 80 : i32
    %scan3A_10 = arith.constant 0 : i32
    %scan3A_11 = arith.constant 0 : i32
    %scan3A_12 = arith.constant 80 : i32
    %scan3A_13 = arith.addi %scan3A_11, %scan3A_12 : i32
    %scan3A_14 = arith.constant 1 : i32
    scf.for %scan3A_22 = %scan3A_11 to %scan3A_13 step %scan3A_14  : i32 {
      %dma_wait3A = arith.constant 0 : i32
      %dma_wait3A_23 = tpu.memref_slice %arg6[%scan3A_22, %dma_wait3A] : memref<80x125xi32, #tpu.memory_space<vmem>> -> memref<1x125xi32, #tpu.memory_space<vmem>>
      %dma_wait3A_24 = tpu.memref_squeeze %dma_wait3A_23 : memref<1x125xi32, #tpu.memory_space<vmem>> -> memref<125xi32, #tpu.memory_space<vmem>>
      %dma_wait3A_25 = arith.constant 0 : i32
      %dma_wait3A_26 = arith.constant 0 : i32
      %dma_wait3A_27 = tpu.memref_slice %arg8[%dma_wait3A_25, %dma_wait3A_26] : memref<10000x16xf32, #tpu.memory_space<vmem_shared>> -> memref<10000x16xf32, #tpu.memory_space<vmem_shared>>
      tpu.wait_indirect_dma semaphore(%arg9 : memref<!tpu.dma_semaphore, #tpu.memory_space<semaphore_mem>>) src(%arg7 : memref<125x16xf32, #tpu.memory_space<vmem>>) dst(%dma_wait3A_27 : memref<10000x16xf32, #tpu.memory_space<vmem_shared>>)
    }
    %scan3A_15 = arith.constant 80 : i32
    %barrier3A_16 = arith.constant 0 : index
    tpu.barrier barrier_id(%barrier3A_16)
    %lt3A_17 = arith.constant 10 : i32
    %lt3A_18 = arith.cmpi slt, %arg1, %lt3A_17 : i32
    %convert_element_type3A_19 = arith.extui %lt3A_18 : i1 to i32
    %cond3A_20 = arith.constant 0 : i32
    %cond3A_21 = arith.cmpi ne, %convert_element_type3A_19, %cond3A_20 : i32
    scf.if %cond3A_21 {
      %mul3A_22 = arith.constant 1000 : i32
      %mul3A_23 = arith.muli %arg1, %mul3A_22 : i32
      %mul3A_24 = arith.constant 1000 : i32
      %mul3A_25 = arith.muli %arg1, %mul3A_24 : i32
      "tpu.region"() ({
        %run_scoped3A = tpu.sem_alloc : memref<!tpu.dma_semaphore, #tpu.memory_space<semaphore_mem>>
        %dma_start3A = arith.constant 0 : i32
        %dma_start3A_26 = arith.constant 0 : i32
        %dma_start3A_27 = tpu.memref_slice %arg5[%arg0, %dma_start3A, %dma_start3A_26] : memref<2x10000x16xf32, #tpu.memory_space<hbm>> -> memref<1x10000x16xf32, #tpu.memory_space<hbm>>
        %dma_start3A_28 = tpu.memref_squeeze %dma_start3A_27 : memref<1x10000x16xf32, #tpu.memory_space<hbm>> -> memref<10000x16xf32, #tpu.memory_space<hbm>>
        %dma_start3A_29 = arith.constant 0 : i32
        %dma_start3A_30 = tpu.memref_slice %dma_start3A_28[%mul3A_25, %dma_start3A_29] : memref<10000x16xf32, #tpu.memory_space<hbm>> -> memref<1000x16xf32, #tpu.memory_space<hbm>>
        %dma_start3A_31 = arith.constant 0 : i32
        %dma_start3A_32 = tpu.memref_slice %arg8[%mul3A_23, %dma_start3A_31] : memref<10000x16xf32, #tpu.memory_space<vmem_shared>> -> memref<1000x16xf32, #tpu.memory_space<vmem_shared>>
        tpu.enqueue_dma source(%dma_start3A_32 : memref<1000x16xf32, #tpu.memory_space<vmem_shared>>) target(%dma_start3A_30 : memref<1000x16xf32, #tpu.memory_space<hbm>>) target_semaphore(%run_scoped3A : memref<!tpu.dma_semaphore, #tpu.memory_space<semaphore_mem>>)
        %dma_wait3A = arith.constant 0 : i32
        %dma_wait3A_33 = arith.constant 0 : i32
        %dma_wait3A_34 = tpu.memref_slice %arg5[%arg0, %dma_wait3A, %dma_wait3A_33] : memref<2x10000x16xf32, #tpu.memory_space<hbm>> -> memref<1x10000x16xf32, #tpu.memory_space<hbm>>
        %dma_wait3A_35 = tpu.memref_squeeze %dma_wait3A_34 : memref<1x10000x16xf32, #tpu.memory_space<hbm>> -> memref<10000x16xf32, #tpu.memory_space<hbm>>
        %dma_wait3A_36 = arith.constant 0 : i32
        %dma_wait3A_37 = tpu.memref_slice %dma_wait3A_35[%mul3A_25, %dma_wait3A_36] : memref<10000x16xf32, #tpu.memory_space<hbm>> -> memref<1000x16xf32, #tpu.memory_space<hbm>>
        %dma_wait3A_38 = arith.constant 0 : i32
        %dma_wait3A_39 = tpu.memref_slice %arg8[%mul3A_23, %dma_wait3A_38] : memref<10000x16xf32, #tpu.memory_space<vmem_shared>> -> memref<1000x16xf32, #tpu.memory_space<vmem_shared>>
        tpu.wait_dma2 semaphore(%run_scoped3A : memref<!tpu.dma_semaphore, #tpu.memory_space<semaphore_mem>>) src(%dma_wait3A_39 : memref<1000x16xf32, #tpu.memory_space<vmem_shared>>) dst(%dma_wait3A_37 : memref<1000x16xf32, #tpu.memory_space<hbm>>)
        tpu.yield
      }) : () -> ()
    } else {
    }
    return
  }
}

#map = affine_map<(d0, d1) -> (0, 0)>
#map1 = affine_map<(d0, d1) -> (0, 0, 0)>
module attributes {stable_mosaic.version = 14 : i64} {
  func.func @body(%arg0: i32, %arg1: i32, %arg2: memref<10000x16xf32, #tpu.memory_space<hbm>>, %arg3: memref<2560x125xi32, #tpu.memory_space<hbm>>, %arg4: memref<2560x125xi32, #tpu.memory_space<hbm>>, %arg5: memref<10000x16xf32, #tpu.memory_space<hbm>>, %arg6: memref<2x10000x16xf32, #tpu.memory_space<hbm>>, %arg7: memref<80x125xi32, #tpu.memory_space<vmem>>, %arg8: memref<80x125xi32, #tpu.memory_space<vmem>>, %arg9: memref<125x16xf32, #tpu.memory_space<vmem>>, %arg10: memref<125x16xf32, #tpu.memory_space<vmem>>, %arg11: memref<125x16xf32, #tpu.memory_space<vmem>>, %arg12: memref<125x16xf32, #tpu.memory_space<vmem>>, %arg13: memref<125x16xf32, #tpu.memory_space<vmem>>, %arg14: memref<125x16xf32, #tpu.memory_space<vmem>>, %arg15: memref<125x16xf32, #tpu.memory_space<vmem>>, %arg16: memref<125x16xf32, #tpu.memory_space<vmem>>, %arg17: memref<!tpu.dma_semaphore, #tpu.memory_space<semaphore_mem>>, %arg18: memref<!tpu.dma_semaphore, #tpu.memory_space<semaphore_mem>>, %arg19: memref<!tpu.dma_semaphore, #tpu.memory_space<semaphore_mem>>, %arg20: memref<!tpu.dma_semaphore, #tpu.memory_space<semaphore_mem>>, %arg21: memref<!tpu.dma_semaphore, #tpu.memory_space<semaphore_mem>>, %arg22: memref<!tpu.dma_semaphore, #tpu.memory_space<semaphore_mem>>, %arg23: memref<!tpu.dma_semaphore, #tpu.memory_space<semaphore_mem>>, %arg24: memref<!tpu.dma_semaphore, #tpu.memory_space<semaphore_mem>>, %arg25: memref<!tpu.dma_semaphore, #tpu.memory_space<semaphore_mem>>, %arg26: memref<!tpu.dma_semaphore, #tpu.memory_space<semaphore_mem>>, %arg27: memref<!tpu.dma_semaphore, #tpu.memory_space<semaphore_mem>>, %arg28: memref<!tpu.dma_semaphore, #tpu.memory_space<semaphore_mem>>, %arg29: memref<!tpu.dma_semaphore, #tpu.memory_space<semaphore_mem>>, %arg30: memref<!tpu.dma_semaphore, #tpu.memory_space<semaphore_mem>>, %arg31: memref<!tpu.dma_semaphore, #tpu.memory_space<semaphore_mem>>, %arg32: memref<!tpu.dma_semaphore, #tpu.memory_space<semaphore_mem>>, %arg33: memref<10000x16xf32, #tpu.memory_space<vmem_shared>>) attributes {dimension_semantics = [#tpu.dimension_semantics<core_parallel>, #tpu.dimension_semantics<subcore_parallel>], iteration_bounds = array<i64: 2, 16>, scalar_prefetch = 0 : i64, scratch_operands = 27 : i64, tpu.core_type = #tpu.core_type<sc_vector_subcore>, window_params = [{transform_indices = #map}, {transform_indices = #map}, {transform_indices = #map}, {transform_indices = #map}, {transform_indices = #map1}]} {
    %mul3A = arith.constant 16 : i32
    %mul3A_0 = arith.muli %arg0, %mul3A : i32
    %add3A = arith.addi %mul3A_0, %arg1 : i32
    %mul3A_1 = arith.constant 80 : i32
    %mul3A_2 = arith.muli %add3A, %mul3A_1 : i32
    "tpu.region"() ({
      %run_scoped3A = tpu.sem_alloc : memref<!tpu.dma_semaphore, #tpu.memory_space<semaphore_mem>>
      %dma_start3A_128 = arith.constant 0 : i32
      %dma_start3A_129 = tpu.memref_slice %arg3[%mul3A_2, %dma_start3A_128] : memref<2560x125xi32, #tpu.memory_space<hbm>> -> memref<80x125xi32, #tpu.memory_space<hbm>>
      %dma_start3A_130 = arith.constant 0 : i32
      %dma_start3A_131 = tpu.memref_slice %arg3[%mul3A_2, %dma_start3A_130] : memref<2560x125xi32, #tpu.memory_space<hbm>> -> memref<80x125xi32, #tpu.memory_space<hbm>>
      tpu.enqueue_dma source(%dma_start3A_131 : memref<80x125xi32, #tpu.memory_space<hbm>>) target(%arg7 : memref<80x125xi32, #tpu.memory_space<vmem>>) target_semaphore(%run_scoped3A : memref<!tpu.dma_semaphore, #tpu.memory_space<semaphore_mem>>)
      %dma_wait3A_132 = arith.constant 0 : i32
      %dma_wait3A_133 = tpu.memref_slice %arg3[%mul3A_2, %dma_wait3A_132] : memref<2560x125xi32, #tpu.memory_space<hbm>> -> memref<80x125xi32, #tpu.memory_space<hbm>>
      %dma_wait3A_134 = arith.constant 0 : i32
      %dma_wait3A_135 = tpu.memref_slice %arg3[%mul3A_2, %dma_wait3A_134] : memref<2560x125xi32, #tpu.memory_space<hbm>> -> memref<80x125xi32, #tpu.memory_space<hbm>>
      tpu.wait_dma2 semaphore(%run_scoped3A : memref<!tpu.dma_semaphore, #tpu.memory_space<semaphore_mem>>) src(%dma_wait3A_135 : memref<80x125xi32, #tpu.memory_space<hbm>>) dst(%arg7 : memref<80x125xi32, #tpu.memory_space<vmem>>)
      tpu.yield
    }) : () -> ()
    %mul3A_3 = arith.constant 80 : i32
    %mul3A_4 = arith.muli %add3A, %mul3A_3 : i32
    "tpu.region"() ({
      %run_scoped3A = tpu.sem_alloc : memref<!tpu.dma_semaphore, #tpu.memory_space<semaphore_mem>>
      %dma_start3A_128 = arith.constant 0 : i32
      %dma_start3A_129 = tpu.memref_slice %arg4[%mul3A_4, %dma_start3A_128] : memref<2560x125xi32, #tpu.memory_space<hbm>> -> memref<80x125xi32, #tpu.memory_space<hbm>>
      %dma_start3A_130 = arith.constant 0 : i32
      %dma_start3A_131 = tpu.memref_slice %arg4[%mul3A_4, %dma_start3A_130] : memref<2560x125xi32, #tpu.memory_space<hbm>> -> memref<80x125xi32, #tpu.memory_space<hbm>>
      tpu.enqueue_dma source(%dma_start3A_131 : memref<80x125xi32, #tpu.memory_space<hbm>>) target(%arg8 : memref<80x125xi32, #tpu.memory_space<vmem>>) target_semaphore(%run_scoped3A : memref<!tpu.dma_semaphore, #tpu.memory_space<semaphore_mem>>)
      %dma_wait3A_132 = arith.constant 0 : i32
      %dma_wait3A_133 = tpu.memref_slice %arg4[%mul3A_4, %dma_wait3A_132] : memref<2560x125xi32, #tpu.memory_space<hbm>> -> memref<80x125xi32, #tpu.memory_space<hbm>>
      %dma_wait3A_134 = arith.constant 0 : i32
      %dma_wait3A_135 = tpu.memref_slice %arg4[%mul3A_4, %dma_wait3A_134] : memref<2560x125xi32, #tpu.memory_space<hbm>> -> memref<80x125xi32, #tpu.memory_space<hbm>>
      tpu.wait_dma2 semaphore(%run_scoped3A : memref<!tpu.dma_semaphore, #tpu.memory_space<semaphore_mem>>) src(%dma_wait3A_135 : memref<80x125xi32, #tpu.memory_space<hbm>>) dst(%arg8 : memref<80x125xi32, #tpu.memory_space<vmem>>)
      tpu.yield
    }) : () -> ()
    %lt3A = arith.constant 10 : i32
    %lt3A_5 = arith.cmpi slt, %arg1, %lt3A : i32
    %convert_element_type3A = arith.extui %lt3A_5 : i1 to i32
    %cond3A = arith.constant 0 : i32
    %cond3A_6 = arith.cmpi ne, %convert_element_type3A, %cond3A : i32
    scf.if %cond3A_6 {
      %mul3A_128 = arith.constant 1000 : i32
      %mul3A_129 = arith.muli %arg1, %mul3A_128 : i32
      %mul3A_130 = arith.constant 1000 : i32
      %mul3A_131 = arith.muli %arg1, %mul3A_130 : i32
      "tpu.region"() ({
        %run_scoped3A = tpu.sem_alloc : memref<!tpu.dma_semaphore, #tpu.memory_space<semaphore_mem>>
        %dma_start3A_132 = arith.constant 0 : i32
        %dma_start3A_133 = tpu.memref_slice %arg33[%mul3A_131, %dma_start3A_132] : memref<10000x16xf32, #tpu.memory_space<vmem_shared>> -> memref<1000x16xf32, #tpu.memory_space<vmem_shared>>
        %dma_start3A_134 = arith.constant 0 : i32
        %dma_start3A_135 = tpu.memref_slice %arg5[%mul3A_129, %dma_start3A_134] : memref<10000x16xf32, #tpu.memory_space<hbm>> -> memref<1000x16xf32, #tpu.memory_space<hbm>>
        tpu.enqueue_dma source(%dma_start3A_135 : memref<1000x16xf32, #tpu.memory_space<hbm>>) target(%dma_start3A_133 : memref<1000x16xf32, #tpu.memory_space<vmem_shared>>) target_semaphore(%run_scoped3A : memref<!tpu.dma_semaphore, #tpu.memory_space<semaphore_mem>>)
        %dma_wait3A_136 = arith.constant 0 : i32
        %dma_wait3A_137 = tpu.memref_slice %arg33[%mul3A_131, %dma_wait3A_136] : memref<10000x16xf32, #tpu.memory_space<vmem_shared>> -> memref<1000x16xf32, #tpu.memory_space<vmem_shared>>
        %dma_wait3A_138 = arith.constant 0 : i32
        %dma_wait3A_139 = tpu.memref_slice %arg5[%mul3A_129, %dma_wait3A_138] : memref<10000x16xf32, #tpu.memory_space<hbm>> -> memref<1000x16xf32, #tpu.memory_space<hbm>>
        tpu.wait_dma2 semaphore(%run_scoped3A : memref<!tpu.dma_semaphore, #tpu.memory_space<semaphore_mem>>) src(%dma_wait3A_139 : memref<1000x16xf32, #tpu.memory_space<hbm>>) dst(%dma_wait3A_137 : memref<1000x16xf32, #tpu.memory_space<vmem_shared>>)
        tpu.yield
      }) : () -> ()
    } else {
    }
    %barrier3A = arith.constant 0 : index
    tpu.barrier barrier_id(%barrier3A)
    %dma_start3A = arith.constant 0 : i32
    %dma_start3A_7 = arith.constant 0 : i32
    %dma_start3A_8 = tpu.memref_slice %arg7[%dma_start3A, %dma_start3A_7] : memref<80x125xi32, #tpu.memory_space<vmem>> -> memref<1x125xi32, #tpu.memory_space<vmem>>
    %dma_start3A_9 = tpu.memref_squeeze %dma_start3A_8 : memref<1x125xi32, #tpu.memory_space<vmem>> -> memref<125xi32, #tpu.memory_space<vmem>>
    %dma_start3A_10 = arith.constant 0 : i32
    %dma_start3A_11 = arith.constant 0 : i32
    %dma_start3A_12 = tpu.memref_slice %arg2[%dma_start3A_10, %dma_start3A_11] : memref<10000x16xf32, #tpu.memory_space<hbm>> -> memref<10000x16xf32, #tpu.memory_space<hbm>>
    tpu.enqueue_indirect_dma source(%dma_start3A_12 : memref<10000x16xf32, #tpu.memory_space<hbm>>) target(%arg9 : memref<125x16xf32, #tpu.memory_space<vmem>>) offsets(%dma_start3A_9 : memref<125xi32, #tpu.memory_space<vmem>>) semaphore(%arg17 : memref<!tpu.dma_semaphore, #tpu.memory_space<semaphore_mem>>)
    %dma_start3A_13 = arith.constant 1 : i32
    %dma_start3A_14 = arith.constant 0 : i32
    %dma_start3A_15 = tpu.memref_slice %arg7[%dma_start3A_13, %dma_start3A_14] : memref<80x125xi32, #tpu.memory_space<vmem>> -> memref<1x125xi32, #tpu.memory_space<vmem>>
    %dma_start3A_16 = tpu.memref_squeeze %dma_start3A_15 : memref<1x125xi32, #tpu.memory_space<vmem>> -> memref<125xi32, #tpu.memory_space<vmem>>
    %dma_start3A_17 = arith.constant 0 : i32
    %dma_start3A_18 = arith.constant 0 : i32
    %dma_start3A_19 = tpu.memref_slice %arg2[%dma_start3A_17, %dma_start3A_18] : memref<10000x16xf32, #tpu.memory_space<hbm>> -> memref<10000x16xf32, #tpu.memory_space<hbm>>
    tpu.enqueue_indirect_dma source(%dma_start3A_19 : memref<10000x16xf32, #tpu.memory_space<hbm>>) target(%arg10 : memref<125x16xf32, #tpu.memory_space<vmem>>) offsets(%dma_start3A_16 : memref<125xi32, #tpu.memory_space<vmem>>) semaphore(%arg18 : memref<!tpu.dma_semaphore, #tpu.memory_space<semaphore_mem>>)
    %dma_start3A_20 = arith.constant 2 : i32
    %dma_start3A_21 = arith.constant 0 : i32
    %dma_start3A_22 = tpu.memref_slice %arg7[%dma_start3A_20, %dma_start3A_21] : memref<80x125xi32, #tpu.memory_space<vmem>> -> memref<1x125xi32, #tpu.memory_space<vmem>>
    %dma_start3A_23 = tpu.memref_squeeze %dma_start3A_22 : memref<1x125xi32, #tpu.memory_space<vmem>> -> memref<125xi32, #tpu.memory_space<vmem>>
    %dma_start3A_24 = arith.constant 0 : i32
    %dma_start3A_25 = arith.constant 0 : i32
    %dma_start3A_26 = tpu.memref_slice %arg2[%dma_start3A_24, %dma_start3A_25] : memref<10000x16xf32, #tpu.memory_space<hbm>> -> memref<10000x16xf32, #tpu.memory_space<hbm>>
    tpu.enqueue_indirect_dma source(%dma_start3A_26 : memref<10000x16xf32, #tpu.memory_space<hbm>>) target(%arg11 : memref<125x16xf32, #tpu.memory_space<vmem>>) offsets(%dma_start3A_23 : memref<125xi32, #tpu.memory_space<vmem>>) semaphore(%arg19 : memref<!tpu.dma_semaphore, #tpu.memory_space<semaphore_mem>>)
    %dma_start3A_27 = arith.constant 3 : i32
    %dma_start3A_28 = arith.constant 0 : i32
    %dma_start3A_29 = tpu.memref_slice %arg7[%dma_start3A_27, %dma_start3A_28] : memref<80x125xi32, #tpu.memory_space<vmem>> -> memref<1x125xi32, #tpu.memory_space<vmem>>
    %dma_start3A_30 = tpu.memref_squeeze %dma_start3A_29 : memref<1x125xi32, #tpu.memory_space<vmem>> -> memref<125xi32, #tpu.memory_space<vmem>>
    %dma_start3A_31 = arith.constant 0 : i32
    %dma_start3A_32 = arith.constant 0 : i32
    %dma_start3A_33 = tpu.memref_slice %arg2[%dma_start3A_31, %dma_start3A_32] : memref<10000x16xf32, #tpu.memory_space<hbm>> -> memref<10000x16xf32, #tpu.memory_space<hbm>>
    tpu.enqueue_indirect_dma source(%dma_start3A_33 : memref<10000x16xf32, #tpu.memory_space<hbm>>) target(%arg12 : memref<125x16xf32, #tpu.memory_space<vmem>>) offsets(%dma_start3A_30 : memref<125xi32, #tpu.memory_space<vmem>>) semaphore(%arg20 : memref<!tpu.dma_semaphore, #tpu.memory_space<semaphore_mem>>)
    %dma_start3A_34 = arith.constant 4 : i32
    %dma_start3A_35 = arith.constant 0 : i32
    %dma_start3A_36 = tpu.memref_slice %arg7[%dma_start3A_34, %dma_start3A_35] : memref<80x125xi32, #tpu.memory_space<vmem>> -> memref<1x125xi32, #tpu.memory_space<vmem>>
    %dma_start3A_37 = tpu.memref_squeeze %dma_start3A_36 : memref<1x125xi32, #tpu.memory_space<vmem>> -> memref<125xi32, #tpu.memory_space<vmem>>
    %dma_start3A_38 = arith.constant 0 : i32
    %dma_start3A_39 = arith.constant 0 : i32
    %dma_start3A_40 = tpu.memref_slice %arg2[%dma_start3A_38, %dma_start3A_39] : memref<10000x16xf32, #tpu.memory_space<hbm>> -> memref<10000x16xf32, #tpu.memory_space<hbm>>
    tpu.enqueue_indirect_dma source(%dma_start3A_40 : memref<10000x16xf32, #tpu.memory_space<hbm>>) target(%arg13 : memref<125x16xf32, #tpu.memory_space<vmem>>) offsets(%dma_start3A_37 : memref<125xi32, #tpu.memory_space<vmem>>) semaphore(%arg21 : memref<!tpu.dma_semaphore, #tpu.memory_space<semaphore_mem>>)
    %dma_start3A_41 = arith.constant 5 : i32
    %dma_start3A_42 = arith.constant 0 : i32
    %dma_start3A_43 = tpu.memref_slice %arg7[%dma_start3A_41, %dma_start3A_42] : memref<80x125xi32, #tpu.memory_space<vmem>> -> memref<1x125xi32, #tpu.memory_space<vmem>>
    %dma_start3A_44 = tpu.memref_squeeze %dma_start3A_43 : memref<1x125xi32, #tpu.memory_space<vmem>> -> memref<125xi32, #tpu.memory_space<vmem>>
    %dma_start3A_45 = arith.constant 0 : i32
    %dma_start3A_46 = arith.constant 0 : i32
    %dma_start3A_47 = tpu.memref_slice %arg2[%dma_start3A_45, %dma_start3A_46] : memref<10000x16xf32, #tpu.memory_space<hbm>> -> memref<10000x16xf32, #tpu.memory_space<hbm>>
    tpu.enqueue_indirect_dma source(%dma_start3A_47 : memref<10000x16xf32, #tpu.memory_space<hbm>>) target(%arg14 : memref<125x16xf32, #tpu.memory_space<vmem>>) offsets(%dma_start3A_44 : memref<125xi32, #tpu.memory_space<vmem>>) semaphore(%arg22 : memref<!tpu.dma_semaphore, #tpu.memory_space<semaphore_mem>>)
    %dma_start3A_48 = arith.constant 6 : i32
    %dma_start3A_49 = arith.constant 0 : i32
    %dma_start3A_50 = tpu.memref_slice %arg7[%dma_start3A_48, %dma_start3A_49] : memref<80x125xi32, #tpu.memory_space<vmem>> -> memref<1x125xi32, #tpu.memory_space<vmem>>
    %dma_start3A_51 = tpu.memref_squeeze %dma_start3A_50 : memref<1x125xi32, #tpu.memory_space<vmem>> -> memref<125xi32, #tpu.memory_space<vmem>>
    %dma_start3A_52 = arith.constant 0 : i32
    %dma_start3A_53 = arith.constant 0 : i32
    %dma_start3A_54 = tpu.memref_slice %arg2[%dma_start3A_52, %dma_start3A_53] : memref<10000x16xf32, #tpu.memory_space<hbm>> -> memref<10000x16xf32, #tpu.memory_space<hbm>>
    tpu.enqueue_indirect_dma source(%dma_start3A_54 : memref<10000x16xf32, #tpu.memory_space<hbm>>) target(%arg15 : memref<125x16xf32, #tpu.memory_space<vmem>>) offsets(%dma_start3A_51 : memref<125xi32, #tpu.memory_space<vmem>>) semaphore(%arg23 : memref<!tpu.dma_semaphore, #tpu.memory_space<semaphore_mem>>)
    %dma_start3A_55 = arith.constant 7 : i32
    %dma_start3A_56 = arith.constant 0 : i32
    %dma_start3A_57 = tpu.memref_slice %arg7[%dma_start3A_55, %dma_start3A_56] : memref<80x125xi32, #tpu.memory_space<vmem>> -> memref<1x125xi32, #tpu.memory_space<vmem>>
    %dma_start3A_58 = tpu.memref_squeeze %dma_start3A_57 : memref<1x125xi32, #tpu.memory_space<vmem>> -> memref<125xi32, #tpu.memory_space<vmem>>
    %dma_start3A_59 = arith.constant 0 : i32
    %dma_start3A_60 = arith.constant 0 : i32
    %dma_start3A_61 = tpu.memref_slice %arg2[%dma_start3A_59, %dma_start3A_60] : memref<10000x16xf32, #tpu.memory_space<hbm>> -> memref<10000x16xf32, #tpu.memory_space<hbm>>
    tpu.enqueue_indirect_dma source(%dma_start3A_61 : memref<10000x16xf32, #tpu.memory_space<hbm>>) target(%arg16 : memref<125x16xf32, #tpu.memory_space<vmem>>) offsets(%dma_start3A_58 : memref<125xi32, #tpu.memory_space<vmem>>) semaphore(%arg24 : memref<!tpu.dma_semaphore, #tpu.memory_space<semaphore_mem>>)
    %scan3A = arith.constant 0 : i32
    %scan3A_62 = arith.constant 0 : i32
    %scan3A_63 = arith.constant 10 : i32
    %scan3A_64 = arith.addi %scan3A_62, %scan3A_63 : i32
    %scan3A_65 = arith.constant 1 : i32
    scf.for %scan3A_128 = %scan3A_62 to %scan3A_64 step %scan3A_65  : i32 {
      %mul3A_129 = arith.constant 8 : i32
      %mul3A_130 = arith.muli %scan3A_128, %mul3A_129 : i32
      %add3A_131 = arith.constant 0 : i32
      %add3A_132 = arith.addi %mul3A_130, %add3A_131 : i32
      %dma_wait3A_133 = arith.constant 0 : i32
      %dma_wait3A_134 = tpu.memref_slice %arg7[%add3A_132, %dma_wait3A_133] : memref<80x125xi32, #tpu.memory_space<vmem>> -> memref<1x125xi32, #tpu.memory_space<vmem>>
      %dma_wait3A_135 = tpu.memref_squeeze %dma_wait3A_134 : memref<1x125xi32, #tpu.memory_space<vmem>> -> memref<125xi32, #tpu.memory_space<vmem>>
      %dma_wait3A_136 = arith.constant 0 : i32
      %dma_wait3A_137 = arith.constant 0 : i32
      %dma_wait3A_138 = tpu.memref_slice %arg2[%dma_wait3A_136, %dma_wait3A_137] : memref<10000x16xf32, #tpu.memory_space<hbm>> -> memref<10000x16xf32, #tpu.memory_space<hbm>>
      tpu.wait_indirect_dma semaphore(%arg17 : memref<!tpu.dma_semaphore, #tpu.memory_space<semaphore_mem>>) src(%dma_wait3A_138 : memref<10000x16xf32, #tpu.memory_space<hbm>>) dst(%arg9 : memref<125x16xf32, #tpu.memory_space<vmem>>)
      %dma_start3A_139 = arith.constant 0 : i32
      %dma_start3A_140 = tpu.memref_slice %arg8[%add3A_132, %dma_start3A_139] : memref<80x125xi32, #tpu.memory_space<vmem>> -> memref<1x125xi32, #tpu.memory_space<vmem>>
      %dma_start3A_141 = tpu.memref_squeeze %dma_start3A_140 : memref<1x125xi32, #tpu.memory_space<vmem>> -> memref<125xi32, #tpu.memory_space<vmem>>
      %dma_start3A_142 = arith.constant 0 : i32
      %dma_start3A_143 = arith.constant 0 : i32
      %dma_start3A_144 = tpu.memref_slice %arg33[%dma_start3A_142, %dma_start3A_143] : memref<10000x16xf32, #tpu.memory_space<vmem_shared>> -> memref<10000x16xf32, #tpu.memory_space<vmem_shared>>
      tpu.enqueue_indirect_dma source(%arg9 : memref<125x16xf32, #tpu.memory_space<vmem>>) target(%dma_start3A_144 : memref<10000x16xf32, #tpu.memory_space<vmem_shared>>) offsets(%dma_start3A_141 : memref<125xi32, #tpu.memory_space<vmem>>) semaphore(%arg25 : memref<!tpu.dma_semaphore, #tpu.memory_space<semaphore_mem>>) {add = true}
      %add3A_145 = arith.constant 1 : i32
      %add3A_146 = arith.addi %mul3A_130, %add3A_145 : i32
      %dma_wait3A_147 = arith.constant 0 : i32
      %dma_wait3A_148 = tpu.memref_slice %arg7[%add3A_146, %dma_wait3A_147] : memref<80x125xi32, #tpu.memory_space<vmem>> -> memref<1x125xi32, #tpu.memory_space<vmem>>
      %dma_wait3A_149 = tpu.memref_squeeze %dma_wait3A_148 : memref<1x125xi32, #tpu.memory_space<vmem>> -> memref<125xi32, #tpu.memory_space<vmem>>
      %dma_wait3A_150 = arith.constant 0 : i32
      %dma_wait3A_151 = arith.constant 0 : i32
      %dma_wait3A_152 = tpu.memref_slice %arg2[%dma_wait3A_150, %dma_wait3A_151] : memref<10000x16xf32, #tpu.memory_space<hbm>> -> memref<10000x16xf32, #tpu.memory_space<hbm>>
      tpu.wait_indirect_dma semaphore(%arg18 : memref<!tpu.dma_semaphore, #tpu.memory_space<semaphore_mem>>) src(%dma_wait3A_152 : memref<10000x16xf32, #tpu.memory_space<hbm>>) dst(%arg10 : memref<125x16xf32, #tpu.memory_space<vmem>>)
      %dma_start3A_153 = arith.constant 0 : i32
      %dma_start3A_154 = tpu.memref_slice %arg8[%add3A_146, %dma_start3A_153] : memref<80x125xi32, #tpu.memory_space<vmem>> -> memref<1x125xi32, #tpu.memory_space<vmem>>
      %dma_start3A_155 = tpu.memref_squeeze %dma_start3A_154 : memref<1x125xi32, #tpu.memory_space<vmem>> -> memref<125xi32, #tpu.memory_space<vmem>>
      %dma_start3A_156 = arith.constant 0 : i32
      %dma_start3A_157 = arith.constant 0 : i32
      %dma_start3A_158 = tpu.memref_slice %arg33[%dma_start3A_156, %dma_start3A_157] : memref<10000x16xf32, #tpu.memory_space<vmem_shared>> -> memref<10000x16xf32, #tpu.memory_space<vmem_shared>>
      tpu.enqueue_indirect_dma source(%arg10 : memref<125x16xf32, #tpu.memory_space<vmem>>) target(%dma_start3A_158 : memref<10000x16xf32, #tpu.memory_space<vmem_shared>>) offsets(%dma_start3A_155 : memref<125xi32, #tpu.memory_space<vmem>>) semaphore(%arg26 : memref<!tpu.dma_semaphore, #tpu.memory_space<semaphore_mem>>) {add = true}
      %add3A_159 = arith.constant 2 : i32
      %add3A_160 = arith.addi %mul3A_130, %add3A_159 : i32
      %dma_wait3A_161 = arith.constant 0 : i32
      %dma_wait3A_162 = tpu.memref_slice %arg7[%add3A_160, %dma_wait3A_161] : memref<80x125xi32, #tpu.memory_space<vmem>> -> memref<1x125xi32, #tpu.memory_space<vmem>>
      %dma_wait3A_163 = tpu.memref_squeeze %dma_wait3A_162 : memref<1x125xi32, #tpu.memory_space<vmem>> -> memref<125xi32, #tpu.memory_space<vmem>>
      %dma_wait3A_164 = arith.constant 0 : i32
      %dma_wait3A_165 = arith.constant 0 : i32
      %dma_wait3A_166 = tpu.memref_slice %arg2[%dma_wait3A_164, %dma_wait3A_165] : memref<10000x16xf32, #tpu.memory_space<hbm>> -> memref<10000x16xf32, #tpu.memory_space<hbm>>
      tpu.wait_indirect_dma semaphore(%arg19 : memref<!tpu.dma_semaphore, #tpu.memory_space<semaphore_mem>>) src(%dma_wait3A_166 : memref<10000x16xf32, #tpu.memory_space<hbm>>) dst(%arg11 : memref<125x16xf32, #tpu.memory_space<vmem>>)
      %dma_start3A_167 = arith.constant 0 : i32
      %dma_start3A_168 = tpu.memref_slice %arg8[%add3A_160, %dma_start3A_167] : memref<80x125xi32, #tpu.memory_space<vmem>> -> memref<1x125xi32, #tpu.memory_space<vmem>>
      %dma_start3A_169 = tpu.memref_squeeze %dma_start3A_168 : memref<1x125xi32, #tpu.memory_space<vmem>> -> memref<125xi32, #tpu.memory_space<vmem>>
      %dma_start3A_170 = arith.constant 0 : i32
      %dma_start3A_171 = arith.constant 0 : i32
      %dma_start3A_172 = tpu.memref_slice %arg33[%dma_start3A_170, %dma_start3A_171] : memref<10000x16xf32, #tpu.memory_space<vmem_shared>> -> memref<10000x16xf32, #tpu.memory_space<vmem_shared>>
      tpu.enqueue_indirect_dma source(%arg11 : memref<125x16xf32, #tpu.memory_space<vmem>>) target(%dma_start3A_172 : memref<10000x16xf32, #tpu.memory_space<vmem_shared>>) offsets(%dma_start3A_169 : memref<125xi32, #tpu.memory_space<vmem>>) semaphore(%arg27 : memref<!tpu.dma_semaphore, #tpu.memory_space<semaphore_mem>>) {add = true}
      %add3A_173 = arith.constant 3 : i32
      %add3A_174 = arith.addi %mul3A_130, %add3A_173 : i32
      %dma_wait3A_175 = arith.constant 0 : i32
      %dma_wait3A_176 = tpu.memref_slice %arg7[%add3A_174, %dma_wait3A_175] : memref<80x125xi32, #tpu.memory_space<vmem>> -> memref<1x125xi32, #tpu.memory_space<vmem>>
      %dma_wait3A_177 = tpu.memref_squeeze %dma_wait3A_176 : memref<1x125xi32, #tpu.memory_space<vmem>> -> memref<125xi32, #tpu.memory_space<vmem>>
      %dma_wait3A_178 = arith.constant 0 : i32
      %dma_wait3A_179 = arith.constant 0 : i32
      %dma_wait3A_180 = tpu.memref_slice %arg2[%dma_wait3A_178, %dma_wait3A_179] : memref<10000x16xf32, #tpu.memory_space<hbm>> -> memref<10000x16xf32, #tpu.memory_space<hbm>>
      tpu.wait_indirect_dma semaphore(%arg20 : memref<!tpu.dma_semaphore, #tpu.memory_space<semaphore_mem>>) src(%dma_wait3A_180 : memref<10000x16xf32, #tpu.memory_space<hbm>>) dst(%arg12 : memref<125x16xf32, #tpu.memory_space<vmem>>)
      %dma_start3A_181 = arith.constant 0 : i32
      %dma_start3A_182 = tpu.memref_slice %arg8[%add3A_174, %dma_start3A_181] : memref<80x125xi32, #tpu.memory_space<vmem>> -> memref<1x125xi32, #tpu.memory_space<vmem>>
      %dma_start3A_183 = tpu.memref_squeeze %dma_start3A_182 : memref<1x125xi32, #tpu.memory_space<vmem>> -> memref<125xi32, #tpu.memory_space<vmem>>
      %dma_start3A_184 = arith.constant 0 : i32
      %dma_start3A_185 = arith.constant 0 : i32
      %dma_start3A_186 = tpu.memref_slice %arg33[%dma_start3A_184, %dma_start3A_185] : memref<10000x16xf32, #tpu.memory_space<vmem_shared>> -> memref<10000x16xf32, #tpu.memory_space<vmem_shared>>
      tpu.enqueue_indirect_dma source(%arg12 : memref<125x16xf32, #tpu.memory_space<vmem>>) target(%dma_start3A_186 : memref<10000x16xf32, #tpu.memory_space<vmem_shared>>) offsets(%dma_start3A_183 : memref<125xi32, #tpu.memory_space<vmem>>) semaphore(%arg28 : memref<!tpu.dma_semaphore, #tpu.memory_space<semaphore_mem>>) {add = true}
      %add3A_187 = arith.constant 4 : i32
      %add3A_188 = arith.addi %mul3A_130, %add3A_187 : i32
      %dma_wait3A_189 = arith.constant 0 : i32
      %dma_wait3A_190 = tpu.memref_slice %arg7[%add3A_188, %dma_wait3A_189] : memref<80x125xi32, #tpu.memory_space<vmem>> -> memref<1x125xi32, #tpu.memory_space<vmem>>
      %dma_wait3A_191 = tpu.memref_squeeze %dma_wait3A_190 : memref<1x125xi32, #tpu.memory_space<vmem>> -> memref<125xi32, #tpu.memory_space<vmem>>
      %dma_wait3A_192 = arith.constant 0 : i32
      %dma_wait3A_193 = arith.constant 0 : i32
      %dma_wait3A_194 = tpu.memref_slice %arg2[%dma_wait3A_192, %dma_wait3A_193] : memref<10000x16xf32, #tpu.memory_space<hbm>> -> memref<10000x16xf32, #tpu.memory_space<hbm>>
      tpu.wait_indirect_dma semaphore(%arg21 : memref<!tpu.dma_semaphore, #tpu.memory_space<semaphore_mem>>) src(%dma_wait3A_194 : memref<10000x16xf32, #tpu.memory_space<hbm>>) dst(%arg13 : memref<125x16xf32, #tpu.memory_space<vmem>>)
      %dma_start3A_195 = arith.constant 0 : i32
      %dma_start3A_196 = tpu.memref_slice %arg8[%add3A_188, %dma_start3A_195] : memref<80x125xi32, #tpu.memory_space<vmem>> -> memref<1x125xi32, #tpu.memory_space<vmem>>
      %dma_start3A_197 = tpu.memref_squeeze %dma_start3A_196 : memref<1x125xi32, #tpu.memory_space<vmem>> -> memref<125xi32, #tpu.memory_space<vmem>>
      %dma_start3A_198 = arith.constant 0 : i32
      %dma_start3A_199 = arith.constant 0 : i32
      %dma_start3A_200 = tpu.memref_slice %arg33[%dma_start3A_198, %dma_start3A_199] : memref<10000x16xf32, #tpu.memory_space<vmem_shared>> -> memref<10000x16xf32, #tpu.memory_space<vmem_shared>>
      tpu.enqueue_indirect_dma source(%arg13 : memref<125x16xf32, #tpu.memory_space<vmem>>) target(%dma_start3A_200 : memref<10000x16xf32, #tpu.memory_space<vmem_shared>>) offsets(%dma_start3A_197 : memref<125xi32, #tpu.memory_space<vmem>>) semaphore(%arg29 : memref<!tpu.dma_semaphore, #tpu.memory_space<semaphore_mem>>) {add = true}
      %add3A_201 = arith.constant 5 : i32
      %add3A_202 = arith.addi %mul3A_130, %add3A_201 : i32
      %dma_wait3A_203 = arith.constant 0 : i32
      %dma_wait3A_204 = tpu.memref_slice %arg7[%add3A_202, %dma_wait3A_203] : memref<80x125xi32, #tpu.memory_space<vmem>> -> memref<1x125xi32, #tpu.memory_space<vmem>>
      %dma_wait3A_205 = tpu.memref_squeeze %dma_wait3A_204 : memref<1x125xi32, #tpu.memory_space<vmem>> -> memref<125xi32, #tpu.memory_space<vmem>>
      %dma_wait3A_206 = arith.constant 0 : i32
      %dma_wait3A_207 = arith.constant 0 : i32
      %dma_wait3A_208 = tpu.memref_slice %arg2[%dma_wait3A_206, %dma_wait3A_207] : memref<10000x16xf32, #tpu.memory_space<hbm>> -> memref<10000x16xf32, #tpu.memory_space<hbm>>
      tpu.wait_indirect_dma semaphore(%arg22 : memref<!tpu.dma_semaphore, #tpu.memory_space<semaphore_mem>>) src(%dma_wait3A_208 : memref<10000x16xf32, #tpu.memory_space<hbm>>) dst(%arg14 : memref<125x16xf32, #tpu.memory_space<vmem>>)
      %dma_start3A_209 = arith.constant 0 : i32
      %dma_start3A_210 = tpu.memref_slice %arg8[%add3A_202, %dma_start3A_209] : memref<80x125xi32, #tpu.memory_space<vmem>> -> memref<1x125xi32, #tpu.memory_space<vmem>>
      %dma_start3A_211 = tpu.memref_squeeze %dma_start3A_210 : memref<1x125xi32, #tpu.memory_space<vmem>> -> memref<125xi32, #tpu.memory_space<vmem>>
      %dma_start3A_212 = arith.constant 0 : i32
      %dma_start3A_213 = arith.constant 0 : i32
      %dma_start3A_214 = tpu.memref_slice %arg33[%dma_start3A_212, %dma_start3A_213] : memref<10000x16xf32, #tpu.memory_space<vmem_shared>> -> memref<10000x16xf32, #tpu.memory_space<vmem_shared>>
      tpu.enqueue_indirect_dma source(%arg14 : memref<125x16xf32, #tpu.memory_space<vmem>>) target(%dma_start3A_214 : memref<10000x16xf32, #tpu.memory_space<vmem_shared>>) offsets(%dma_start3A_211 : memref<125xi32, #tpu.memory_space<vmem>>) semaphore(%arg30 : memref<!tpu.dma_semaphore, #tpu.memory_space<semaphore_mem>>) {add = true}
      %add3A_215 = arith.constant 6 : i32
      %add3A_216 = arith.addi %mul3A_130, %add3A_215 : i32
      %dma_wait3A_217 = arith.constant 0 : i32
      %dma_wait3A_218 = tpu.memref_slice %arg7[%add3A_216, %dma_wait3A_217] : memref<80x125xi32, #tpu.memory_space<vmem>> -> memref<1x125xi32, #tpu.memory_space<vmem>>
      %dma_wait3A_219 = tpu.memref_squeeze %dma_wait3A_218 : memref<1x125xi32, #tpu.memory_space<vmem>> -> memref<125xi32, #tpu.memory_space<vmem>>
      %dma_wait3A_220 = arith.constant 0 : i32
      %dma_wait3A_221 = arith.constant 0 : i32
      %dma_wait3A_222 = tpu.memref_slice %arg2[%dma_wait3A_220, %dma_wait3A_221] : memref<10000x16xf32, #tpu.memory_space<hbm>> -> memref<10000x16xf32, #tpu.memory_space<hbm>>
      tpu.wait_indirect_dma semaphore(%arg23 : memref<!tpu.dma_semaphore, #tpu.memory_space<semaphore_mem>>) src(%dma_wait3A_222 : memref<10000x16xf32, #tpu.memory_space<hbm>>) dst(%arg15 : memref<125x16xf32, #tpu.memory_space<vmem>>)
      %dma_start3A_223 = arith.constant 0 : i32
      %dma_start3A_224 = tpu.memref_slice %arg8[%add3A_216, %dma_start3A_223] : memref<80x125xi32, #tpu.memory_space<vmem>> -> memref<1x125xi32, #tpu.memory_space<vmem>>
      %dma_start3A_225 = tpu.memref_squeeze %dma_start3A_224 : memref<1x125xi32, #tpu.memory_space<vmem>> -> memref<125xi32, #tpu.memory_space<vmem>>
      %dma_start3A_226 = arith.constant 0 : i32
      %dma_start3A_227 = arith.constant 0 : i32
      %dma_start3A_228 = tpu.memref_slice %arg33[%dma_start3A_226, %dma_start3A_227] : memref<10000x16xf32, #tpu.memory_space<vmem_shared>> -> memref<10000x16xf32, #tpu.memory_space<vmem_shared>>
      tpu.enqueue_indirect_dma source(%arg15 : memref<125x16xf32, #tpu.memory_space<vmem>>) target(%dma_start3A_228 : memref<10000x16xf32, #tpu.memory_space<vmem_shared>>) offsets(%dma_start3A_225 : memref<125xi32, #tpu.memory_space<vmem>>) semaphore(%arg31 : memref<!tpu.dma_semaphore, #tpu.memory_space<semaphore_mem>>) {add = true}
      %add3A_229 = arith.constant 7 : i32
      %add3A_230 = arith.addi %mul3A_130, %add3A_229 : i32
      %dma_wait3A_231 = arith.constant 0 : i32
      %dma_wait3A_232 = tpu.memref_slice %arg7[%add3A_230, %dma_wait3A_231] : memref<80x125xi32, #tpu.memory_space<vmem>> -> memref<1x125xi32, #tpu.memory_space<vmem>>
      %dma_wait3A_233 = tpu.memref_squeeze %dma_wait3A_232 : memref<1x125xi32, #tpu.memory_space<vmem>> -> memref<125xi32, #tpu.memory_space<vmem>>
      %dma_wait3A_234 = arith.constant 0 : i32
      %dma_wait3A_235 = arith.constant 0 : i32
      %dma_wait3A_236 = tpu.memref_slice %arg2[%dma_wait3A_234, %dma_wait3A_235] : memref<10000x16xf32, #tpu.memory_space<hbm>> -> memref<10000x16xf32, #tpu.memory_space<hbm>>
      tpu.wait_indirect_dma semaphore(%arg24 : memref<!tpu.dma_semaphore, #tpu.memory_space<semaphore_mem>>) src(%dma_wait3A_236 : memref<10000x16xf32, #tpu.memory_space<hbm>>) dst(%arg16 : memref<125x16xf32, #tpu.memory_space<vmem>>)
      %dma_start3A_237 = arith.constant 0 : i32
      %dma_start3A_238 = tpu.memref_slice %arg8[%add3A_230, %dma_start3A_237] : memref<80x125xi32, #tpu.memory_space<vmem>> -> memref<1x125xi32, #tpu.memory_space<vmem>>
      %dma_start3A_239 = tpu.memref_squeeze %dma_start3A_238 : memref<1x125xi32, #tpu.memory_space<vmem>> -> memref<125xi32, #tpu.memory_space<vmem>>
      %dma_start3A_240 = arith.constant 0 : i32
      %dma_start3A_241 = arith.constant 0 : i32
      %dma_start3A_242 = tpu.memref_slice %arg33[%dma_start3A_240, %dma_start3A_241] : memref<10000x16xf32, #tpu.memory_space<vmem_shared>> -> memref<10000x16xf32, #tpu.memory_space<vmem_shared>>
      tpu.enqueue_indirect_dma source(%arg16 : memref<125x16xf32, #tpu.memory_space<vmem>>) target(%dma_start3A_242 : memref<10000x16xf32, #tpu.memory_space<vmem_shared>>) offsets(%dma_start3A_239 : memref<125xi32, #tpu.memory_space<vmem>>) semaphore(%arg32 : memref<!tpu.dma_semaphore, #tpu.memory_space<semaphore_mem>>) {add = true}
      %add3A_243 = arith.constant 0 : i32
      %add3A_244 = arith.addi %mul3A_130, %add3A_243 : i32
      %add3A_245 = arith.constant 8 : i32
      %add3A_246 = arith.addi %add3A_244, %add3A_245 : i32
      %lt3A_247 = arith.constant 80 : i32
      %lt3A_248 = arith.cmpi slt, %add3A_246, %lt3A_247 : i32
      %convert_element_type3A_249 = arith.extui %lt3A_248 : i1 to i32
      %cond3A_250 = arith.constant 0 : i32
      %cond3A_251 = arith.cmpi ne, %convert_element_type3A_249, %cond3A_250 : i32
      scf.if %cond3A_251 {
        %dma_wait3A_315 = arith.constant 0 : i32
        %dma_wait3A_316 = tpu.memref_slice %arg8[%add3A_244, %dma_wait3A_315] : memref<80x125xi32, #tpu.memory_space<vmem>> -> memref<1x125xi32, #tpu.memory_space<vmem>>
        %dma_wait3A_317 = tpu.memref_squeeze %dma_wait3A_316 : memref<1x125xi32, #tpu.memory_space<vmem>> -> memref<125xi32, #tpu.memory_space<vmem>>
        %dma_wait3A_318 = arith.constant 0 : i32
        %dma_wait3A_319 = arith.constant 0 : i32
        %dma_wait3A_320 = tpu.memref_slice %arg33[%dma_wait3A_318, %dma_wait3A_319] : memref<10000x16xf32, #tpu.memory_space<vmem_shared>> -> memref<10000x16xf32, #tpu.memory_space<vmem_shared>>
        tpu.wait_indirect_dma semaphore(%arg25 : memref<!tpu.dma_semaphore, #tpu.memory_space<semaphore_mem>>) src(%arg9 : memref<125x16xf32, #tpu.memory_space<vmem>>) dst(%dma_wait3A_320 : memref<10000x16xf32, #tpu.memory_space<vmem_shared>>)
        %add3A_321 = arith.constant 8 : i32
        %add3A_322 = arith.addi %add3A_244, %add3A_321 : i32
        %dma_start3A_323 = arith.constant 0 : i32
        %dma_start3A_324 = tpu.memref_slice %arg7[%add3A_322, %dma_start3A_323] : memref<80x125xi32, #tpu.memory_space<vmem>> -> memref<1x125xi32, #tpu.memory_space<vmem>>
        %dma_start3A_325 = tpu.memref_squeeze %dma_start3A_324 : memref<1x125xi32, #tpu.memory_space<vmem>> -> memref<125xi32, #tpu.memory_space<vmem>>
        %dma_start3A_326 = arith.constant 0 : i32
        %dma_start3A_327 = arith.constant 0 : i32
        %dma_start3A_328 = tpu.memref_slice %arg2[%dma_start3A_326, %dma_start3A_327] : memref<10000x16xf32, #tpu.memory_space<hbm>> -> memref<10000x16xf32, #tpu.memory_space<hbm>>
        tpu.enqueue_indirect_dma source(%dma_start3A_328 : memref<10000x16xf32, #tpu.memory_space<hbm>>) target(%arg9 : memref<125x16xf32, #tpu.memory_space<vmem>>) offsets(%dma_start3A_325 : memref<125xi32, #tpu.memory_space<vmem>>) semaphore(%arg17 : memref<!tpu.dma_semaphore, #tpu.memory_space<semaphore_mem>>)
      } else {
      }
      %add3A_252 = arith.constant 1 : i32
      %add3A_253 = arith.addi %mul3A_130, %add3A_252 : i32
      %add3A_254 = arith.constant 8 : i32
      %add3A_255 = arith.addi %add3A_253, %add3A_254 : i32
      %lt3A_256 = arith.constant 80 : i32
      %lt3A_257 = arith.cmpi slt, %add3A_255, %lt3A_256 : i32
      %convert_element_type3A_258 = arith.extui %lt3A_257 : i1 to i32
      %cond3A_259 = arith.constant 0 : i32
      %cond3A_260 = arith.cmpi ne, %convert_element_type3A_258, %cond3A_259 : i32
      scf.if %cond3A_260 {
        %dma_wait3A_315 = arith.constant 0 : i32
        %dma_wait3A_316 = tpu.memref_slice %arg8[%add3A_253, %dma_wait3A_315] : memref<80x125xi32, #tpu.memory_space<vmem>> -> memref<1x125xi32, #tpu.memory_space<vmem>>
        %dma_wait3A_317 = tpu.memref_squeeze %dma_wait3A_316 : memref<1x125xi32, #tpu.memory_space<vmem>> -> memref<125xi32, #tpu.memory_space<vmem>>
        %dma_wait3A_318 = arith.constant 0 : i32
        %dma_wait3A_319 = arith.constant 0 : i32
        %dma_wait3A_320 = tpu.memref_slice %arg33[%dma_wait3A_318, %dma_wait3A_319] : memref<10000x16xf32, #tpu.memory_space<vmem_shared>> -> memref<10000x16xf32, #tpu.memory_space<vmem_shared>>
        tpu.wait_indirect_dma semaphore(%arg26 : memref<!tpu.dma_semaphore, #tpu.memory_space<semaphore_mem>>) src(%arg10 : memref<125x16xf32, #tpu.memory_space<vmem>>) dst(%dma_wait3A_320 : memref<10000x16xf32, #tpu.memory_space<vmem_shared>>)
        %add3A_321 = arith.constant 8 : i32
        %add3A_322 = arith.addi %add3A_253, %add3A_321 : i32
        %dma_start3A_323 = arith.constant 0 : i32
        %dma_start3A_324 = tpu.memref_slice %arg7[%add3A_322, %dma_start3A_323] : memref<80x125xi32, #tpu.memory_space<vmem>> -> memref<1x125xi32, #tpu.memory_space<vmem>>
        %dma_start3A_325 = tpu.memref_squeeze %dma_start3A_324 : memref<1x125xi32, #tpu.memory_space<vmem>> -> memref<125xi32, #tpu.memory_space<vmem>>
        %dma_start3A_326 = arith.constant 0 : i32
        %dma_start3A_327 = arith.constant 0 : i32
        %dma_start3A_328 = tpu.memref_slice %arg2[%dma_start3A_326, %dma_start3A_327] : memref<10000x16xf32, #tpu.memory_space<hbm>> -> memref<10000x16xf32, #tpu.memory_space<hbm>>
        tpu.enqueue_indirect_dma source(%dma_start3A_328 : memref<10000x16xf32, #tpu.memory_space<hbm>>) target(%arg10 : memref<125x16xf32, #tpu.memory_space<vmem>>) offsets(%dma_start3A_325 : memref<125xi32, #tpu.memory_space<vmem>>) semaphore(%arg18 : memref<!tpu.dma_semaphore, #tpu.memory_space<semaphore_mem>>)
      } else {
      }
      %add3A_261 = arith.constant 2 : i32
      %add3A_262 = arith.addi %mul3A_130, %add3A_261 : i32
      %add3A_263 = arith.constant 8 : i32
      %add3A_264 = arith.addi %add3A_262, %add3A_263 : i32
      %lt3A_265 = arith.constant 80 : i32
      %lt3A_266 = arith.cmpi slt, %add3A_264, %lt3A_265 : i32
      %convert_element_type3A_267 = arith.extui %lt3A_266 : i1 to i32
      %cond3A_268 = arith.constant 0 : i32
      %cond3A_269 = arith.cmpi ne, %convert_element_type3A_267, %cond3A_268 : i32
      scf.if %cond3A_269 {
        %dma_wait3A_315 = arith.constant 0 : i32
        %dma_wait3A_316 = tpu.memref_slice %arg8[%add3A_262, %dma_wait3A_315] : memref<80x125xi32, #tpu.memory_space<vmem>> -> memref<1x125xi32, #tpu.memory_space<vmem>>
        %dma_wait3A_317 = tpu.memref_squeeze %dma_wait3A_316 : memref<1x125xi32, #tpu.memory_space<vmem>> -> memref<125xi32, #tpu.memory_space<vmem>>
        %dma_wait3A_318 = arith.constant 0 : i32
        %dma_wait3A_319 = arith.constant 0 : i32
        %dma_wait3A_320 = tpu.memref_slice %arg33[%dma_wait3A_318, %dma_wait3A_319] : memref<10000x16xf32, #tpu.memory_space<vmem_shared>> -> memref<10000x16xf32, #tpu.memory_space<vmem_shared>>
        tpu.wait_indirect_dma semaphore(%arg27 : memref<!tpu.dma_semaphore, #tpu.memory_space<semaphore_mem>>) src(%arg11 : memref<125x16xf32, #tpu.memory_space<vmem>>) dst(%dma_wait3A_320 : memref<10000x16xf32, #tpu.memory_space<vmem_shared>>)
        %add3A_321 = arith.constant 8 : i32
        %add3A_322 = arith.addi %add3A_262, %add3A_321 : i32
        %dma_start3A_323 = arith.constant 0 : i32
        %dma_start3A_324 = tpu.memref_slice %arg7[%add3A_322, %dma_start3A_323] : memref<80x125xi32, #tpu.memory_space<vmem>> -> memref<1x125xi32, #tpu.memory_space<vmem>>
        %dma_start3A_325 = tpu.memref_squeeze %dma_start3A_324 : memref<1x125xi32, #tpu.memory_space<vmem>> -> memref<125xi32, #tpu.memory_space<vmem>>
        %dma_start3A_326 = arith.constant 0 : i32
        %dma_start3A_327 = arith.constant 0 : i32
        %dma_start3A_328 = tpu.memref_slice %arg2[%dma_start3A_326, %dma_start3A_327] : memref<10000x16xf32, #tpu.memory_space<hbm>> -> memref<10000x16xf32, #tpu.memory_space<hbm>>
        tpu.enqueue_indirect_dma source(%dma_start3A_328 : memref<10000x16xf32, #tpu.memory_space<hbm>>) target(%arg11 : memref<125x16xf32, #tpu.memory_space<vmem>>) offsets(%dma_start3A_325 : memref<125xi32, #tpu.memory_space<vmem>>) semaphore(%arg19 : memref<!tpu.dma_semaphore, #tpu.memory_space<semaphore_mem>>)
      } else {
      }
      %add3A_270 = arith.constant 3 : i32
      %add3A_271 = arith.addi %mul3A_130, %add3A_270 : i32
      %add3A_272 = arith.constant 8 : i32
      %add3A_273 = arith.addi %add3A_271, %add3A_272 : i32
      %lt3A_274 = arith.constant 80 : i32
      %lt3A_275 = arith.cmpi slt, %add3A_273, %lt3A_274 : i32
      %convert_element_type3A_276 = arith.extui %lt3A_275 : i1 to i32
      %cond3A_277 = arith.constant 0 : i32
      %cond3A_278 = arith.cmpi ne, %convert_element_type3A_276, %cond3A_277 : i32
      scf.if %cond3A_278 {
        %dma_wait3A_315 = arith.constant 0 : i32
        %dma_wait3A_316 = tpu.memref_slice %arg8[%add3A_271, %dma_wait3A_315] : memref<80x125xi32, #tpu.memory_space<vmem>> -> memref<1x125xi32, #tpu.memory_space<vmem>>
        %dma_wait3A_317 = tpu.memref_squeeze %dma_wait3A_316 : memref<1x125xi32, #tpu.memory_space<vmem>> -> memref<125xi32, #tpu.memory_space<vmem>>
        %dma_wait3A_318 = arith.constant 0 : i32
        %dma_wait3A_319 = arith.constant 0 : i32
        %dma_wait3A_320 = tpu.memref_slice %arg33[%dma_wait3A_318, %dma_wait3A_319] : memref<10000x16xf32, #tpu.memory_space<vmem_shared>> -> memref<10000x16xf32, #tpu.memory_space<vmem_shared>>
        tpu.wait_indirect_dma semaphore(%arg28 : memref<!tpu.dma_semaphore, #tpu.memory_space<semaphore_mem>>) src(%arg12 : memref<125x16xf32, #tpu.memory_space<vmem>>) dst(%dma_wait3A_320 : memref<10000x16xf32, #tpu.memory_space<vmem_shared>>)
        %add3A_321 = arith.constant 8 : i32
        %add3A_322 = arith.addi %add3A_271, %add3A_321 : i32
        %dma_start3A_323 = arith.constant 0 : i32
        %dma_start3A_324 = tpu.memref_slice %arg7[%add3A_322, %dma_start3A_323] : memref<80x125xi32, #tpu.memory_space<vmem>> -> memref<1x125xi32, #tpu.memory_space<vmem>>
        %dma_start3A_325 = tpu.memref_squeeze %dma_start3A_324 : memref<1x125xi32, #tpu.memory_space<vmem>> -> memref<125xi32, #tpu.memory_space<vmem>>
        %dma_start3A_326 = arith.constant 0 : i32
        %dma_start3A_327 = arith.constant 0 : i32
        %dma_start3A_328 = tpu.memref_slice %arg2[%dma_start3A_326, %dma_start3A_327] : memref<10000x16xf32, #tpu.memory_space<hbm>> -> memref<10000x16xf32, #tpu.memory_space<hbm>>
        tpu.enqueue_indirect_dma source(%dma_start3A_328 : memref<10000x16xf32, #tpu.memory_space<hbm>>) target(%arg12 : memref<125x16xf32, #tpu.memory_space<vmem>>) offsets(%dma_start3A_325 : memref<125xi32, #tpu.memory_space<vmem>>) semaphore(%arg20 : memref<!tpu.dma_semaphore, #tpu.memory_space<semaphore_mem>>)
      } else {
      }
      %add3A_279 = arith.constant 4 : i32
      %add3A_280 = arith.addi %mul3A_130, %add3A_279 : i32
      %add3A_281 = arith.constant 8 : i32
      %add3A_282 = arith.addi %add3A_280, %add3A_281 : i32
      %lt3A_283 = arith.constant 80 : i32
      %lt3A_284 = arith.cmpi slt, %add3A_282, %lt3A_283 : i32
      %convert_element_type3A_285 = arith.extui %lt3A_284 : i1 to i32
      %cond3A_286 = arith.constant 0 : i32
      %cond3A_287 = arith.cmpi ne, %convert_element_type3A_285, %cond3A_286 : i32
      scf.if %cond3A_287 {
        %dma_wait3A_315 = arith.constant 0 : i32
        %dma_wait3A_316 = tpu.memref_slice %arg8[%add3A_280, %dma_wait3A_315] : memref<80x125xi32, #tpu.memory_space<vmem>> -> memref<1x125xi32, #tpu.memory_space<vmem>>
        %dma_wait3A_317 = tpu.memref_squeeze %dma_wait3A_316 : memref<1x125xi32, #tpu.memory_space<vmem>> -> memref<125xi32, #tpu.memory_space<vmem>>
        %dma_wait3A_318 = arith.constant 0 : i32
        %dma_wait3A_319 = arith.constant 0 : i32
        %dma_wait3A_320 = tpu.memref_slice %arg33[%dma_wait3A_318, %dma_wait3A_319] : memref<10000x16xf32, #tpu.memory_space<vmem_shared>> -> memref<10000x16xf32, #tpu.memory_space<vmem_shared>>
        tpu.wait_indirect_dma semaphore(%arg29 : memref<!tpu.dma_semaphore, #tpu.memory_space<semaphore_mem>>) src(%arg13 : memref<125x16xf32, #tpu.memory_space<vmem>>) dst(%dma_wait3A_320 : memref<10000x16xf32, #tpu.memory_space<vmem_shared>>)
        %add3A_321 = arith.constant 8 : i32
        %add3A_322 = arith.addi %add3A_280, %add3A_321 : i32
        %dma_start3A_323 = arith.constant 0 : i32
        %dma_start3A_324 = tpu.memref_slice %arg7[%add3A_322, %dma_start3A_323] : memref<80x125xi32, #tpu.memory_space<vmem>> -> memref<1x125xi32, #tpu.memory_space<vmem>>
        %dma_start3A_325 = tpu.memref_squeeze %dma_start3A_324 : memref<1x125xi32, #tpu.memory_space<vmem>> -> memref<125xi32, #tpu.memory_space<vmem>>
        %dma_start3A_326 = arith.constant 0 : i32
        %dma_start3A_327 = arith.constant 0 : i32
        %dma_start3A_328 = tpu.memref_slice %arg2[%dma_start3A_326, %dma_start3A_327] : memref<10000x16xf32, #tpu.memory_space<hbm>> -> memref<10000x16xf32, #tpu.memory_space<hbm>>
        tpu.enqueue_indirect_dma source(%dma_start3A_328 : memref<10000x16xf32, #tpu.memory_space<hbm>>) target(%arg13 : memref<125x16xf32, #tpu.memory_space<vmem>>) offsets(%dma_start3A_325 : memref<125xi32, #tpu.memory_space<vmem>>) semaphore(%arg21 : memref<!tpu.dma_semaphore, #tpu.memory_space<semaphore_mem>>)
      } else {
      }
      %add3A_288 = arith.constant 5 : i32
      %add3A_289 = arith.addi %mul3A_130, %add3A_288 : i32
      %add3A_290 = arith.constant 8 : i32
      %add3A_291 = arith.addi %add3A_289, %add3A_290 : i32
      %lt3A_292 = arith.constant 80 : i32
      %lt3A_293 = arith.cmpi slt, %add3A_291, %lt3A_292 : i32
      %convert_element_type3A_294 = arith.extui %lt3A_293 : i1 to i32
      %cond3A_295 = arith.constant 0 : i32
      %cond3A_296 = arith.cmpi ne, %convert_element_type3A_294, %cond3A_295 : i32
      scf.if %cond3A_296 {
        %dma_wait3A_315 = arith.constant 0 : i32
        %dma_wait3A_316 = tpu.memref_slice %arg8[%add3A_289, %dma_wait3A_315] : memref<80x125xi32, #tpu.memory_space<vmem>> -> memref<1x125xi32, #tpu.memory_space<vmem>>
        %dma_wait3A_317 = tpu.memref_squeeze %dma_wait3A_316 : memref<1x125xi32, #tpu.memory_space<vmem>> -> memref<125xi32, #tpu.memory_space<vmem>>
        %dma_wait3A_318 = arith.constant 0 : i32
        %dma_wait3A_319 = arith.constant 0 : i32
        %dma_wait3A_320 = tpu.memref_slice %arg33[%dma_wait3A_318, %dma_wait3A_319] : memref<10000x16xf32, #tpu.memory_space<vmem_shared>> -> memref<10000x16xf32, #tpu.memory_space<vmem_shared>>
        tpu.wait_indirect_dma semaphore(%arg30 : memref<!tpu.dma_semaphore, #tpu.memory_space<semaphore_mem>>) src(%arg14 : memref<125x16xf32, #tpu.memory_space<vmem>>) dst(%dma_wait3A_320 : memref<10000x16xf32, #tpu.memory_space<vmem_shared>>)
        %add3A_321 = arith.constant 8 : i32
        %add3A_322 = arith.addi %add3A_289, %add3A_321 : i32
        %dma_start3A_323 = arith.constant 0 : i32
        %dma_start3A_324 = tpu.memref_slice %arg7[%add3A_322, %dma_start3A_323] : memref<80x125xi32, #tpu.memory_space<vmem>> -> memref<1x125xi32, #tpu.memory_space<vmem>>
        %dma_start3A_325 = tpu.memref_squeeze %dma_start3A_324 : memref<1x125xi32, #tpu.memory_space<vmem>> -> memref<125xi32, #tpu.memory_space<vmem>>
        %dma_start3A_326 = arith.constant 0 : i32
        %dma_start3A_327 = arith.constant 0 : i32
        %dma_start3A_328 = tpu.memref_slice %arg2[%dma_start3A_326, %dma_start3A_327] : memref<10000x16xf32, #tpu.memory_space<hbm>> -> memref<10000x16xf32, #tpu.memory_space<hbm>>
        tpu.enqueue_indirect_dma source(%dma_start3A_328 : memref<10000x16xf32, #tpu.memory_space<hbm>>) target(%arg14 : memref<125x16xf32, #tpu.memory_space<vmem>>) offsets(%dma_start3A_325 : memref<125xi32, #tpu.memory_space<vmem>>) semaphore(%arg22 : memref<!tpu.dma_semaphore, #tpu.memory_space<semaphore_mem>>)
      } else {
      }
      %add3A_297 = arith.constant 6 : i32
      %add3A_298 = arith.addi %mul3A_130, %add3A_297 : i32
      %add3A_299 = arith.constant 8 : i32
      %add3A_300 = arith.addi %add3A_298, %add3A_299 : i32
      %lt3A_301 = arith.constant 80 : i32
      %lt3A_302 = arith.cmpi slt, %add3A_300, %lt3A_301 : i32
      %convert_element_type3A_303 = arith.extui %lt3A_302 : i1 to i32
      %cond3A_304 = arith.constant 0 : i32
      %cond3A_305 = arith.cmpi ne, %convert_element_type3A_303, %cond3A_304 : i32
      scf.if %cond3A_305 {
        %dma_wait3A_315 = arith.constant 0 : i32
        %dma_wait3A_316 = tpu.memref_slice %arg8[%add3A_298, %dma_wait3A_315] : memref<80x125xi32, #tpu.memory_space<vmem>> -> memref<1x125xi32, #tpu.memory_space<vmem>>
        %dma_wait3A_317 = tpu.memref_squeeze %dma_wait3A_316 : memref<1x125xi32, #tpu.memory_space<vmem>> -> memref<125xi32, #tpu.memory_space<vmem>>
        %dma_wait3A_318 = arith.constant 0 : i32
        %dma_wait3A_319 = arith.constant 0 : i32
        %dma_wait3A_320 = tpu.memref_slice %arg33[%dma_wait3A_318, %dma_wait3A_319] : memref<10000x16xf32, #tpu.memory_space<vmem_shared>> -> memref<10000x16xf32, #tpu.memory_space<vmem_shared>>
        tpu.wait_indirect_dma semaphore(%arg31 : memref<!tpu.dma_semaphore, #tpu.memory_space<semaphore_mem>>) src(%arg15 : memref<125x16xf32, #tpu.memory_space<vmem>>) dst(%dma_wait3A_320 : memref<10000x16xf32, #tpu.memory_space<vmem_shared>>)
        %add3A_321 = arith.constant 8 : i32
        %add3A_322 = arith.addi %add3A_298, %add3A_321 : i32
        %dma_start3A_323 = arith.constant 0 : i32
        %dma_start3A_324 = tpu.memref_slice %arg7[%add3A_322, %dma_start3A_323] : memref<80x125xi32, #tpu.memory_space<vmem>> -> memref<1x125xi32, #tpu.memory_space<vmem>>
        %dma_start3A_325 = tpu.memref_squeeze %dma_start3A_324 : memref<1x125xi32, #tpu.memory_space<vmem>> -> memref<125xi32, #tpu.memory_space<vmem>>
        %dma_start3A_326 = arith.constant 0 : i32
        %dma_start3A_327 = arith.constant 0 : i32
        %dma_start3A_328 = tpu.memref_slice %arg2[%dma_start3A_326, %dma_start3A_327] : memref<10000x16xf32, #tpu.memory_space<hbm>> -> memref<10000x16xf32, #tpu.memory_space<hbm>>
        tpu.enqueue_indirect_dma source(%dma_start3A_328 : memref<10000x16xf32, #tpu.memory_space<hbm>>) target(%arg15 : memref<125x16xf32, #tpu.memory_space<vmem>>) offsets(%dma_start3A_325 : memref<125xi32, #tpu.memory_space<vmem>>) semaphore(%arg23 : memref<!tpu.dma_semaphore, #tpu.memory_space<semaphore_mem>>)
      } else {
      }
      %add3A_306 = arith.constant 7 : i32
      %add3A_307 = arith.addi %mul3A_130, %add3A_306 : i32
      %add3A_308 = arith.constant 8 : i32
      %add3A_309 = arith.addi %add3A_307, %add3A_308 : i32
      %lt3A_310 = arith.constant 80 : i32
      %lt3A_311 = arith.cmpi slt, %add3A_309, %lt3A_310 : i32
      %convert_element_type3A_312 = arith.extui %lt3A_311 : i1 to i32
      %cond3A_313 = arith.constant 0 : i32
      %cond3A_314 = arith.cmpi ne, %convert_element_type3A_312, %cond3A_313 : i32
      scf.if %cond3A_314 {
        %dma_wait3A_315 = arith.constant 0 : i32
        %dma_wait3A_316 = tpu.memref_slice %arg8[%add3A_307, %dma_wait3A_315] : memref<80x125xi32, #tpu.memory_space<vmem>> -> memref<1x125xi32, #tpu.memory_space<vmem>>
        %dma_wait3A_317 = tpu.memref_squeeze %dma_wait3A_316 : memref<1x125xi32, #tpu.memory_space<vmem>> -> memref<125xi32, #tpu.memory_space<vmem>>
        %dma_wait3A_318 = arith.constant 0 : i32
        %dma_wait3A_319 = arith.constant 0 : i32
        %dma_wait3A_320 = tpu.memref_slice %arg33[%dma_wait3A_318, %dma_wait3A_319] : memref<10000x16xf32, #tpu.memory_space<vmem_shared>> -> memref<10000x16xf32, #tpu.memory_space<vmem_shared>>
        tpu.wait_indirect_dma semaphore(%arg32 : memref<!tpu.dma_semaphore, #tpu.memory_space<semaphore_mem>>) src(%arg16 : memref<125x16xf32, #tpu.memory_space<vmem>>) dst(%dma_wait3A_320 : memref<10000x16xf32, #tpu.memory_space<vmem_shared>>)
        %add3A_321 = arith.constant 8 : i32
        %add3A_322 = arith.addi %add3A_307, %add3A_321 : i32
        %dma_start3A_323 = arith.constant 0 : i32
        %dma_start3A_324 = tpu.memref_slice %arg7[%add3A_322, %dma_start3A_323] : memref<80x125xi32, #tpu.memory_space<vmem>> -> memref<1x125xi32, #tpu.memory_space<vmem>>
        %dma_start3A_325 = tpu.memref_squeeze %dma_start3A_324 : memref<1x125xi32, #tpu.memory_space<vmem>> -> memref<125xi32, #tpu.memory_space<vmem>>
        %dma_start3A_326 = arith.constant 0 : i32
        %dma_start3A_327 = arith.constant 0 : i32
        %dma_start3A_328 = tpu.memref_slice %arg2[%dma_start3A_326, %dma_start3A_327] : memref<10000x16xf32, #tpu.memory_space<hbm>> -> memref<10000x16xf32, #tpu.memory_space<hbm>>
        tpu.enqueue_indirect_dma source(%dma_start3A_328 : memref<10000x16xf32, #tpu.memory_space<hbm>>) target(%arg16 : memref<125x16xf32, #tpu.memory_space<vmem>>) offsets(%dma_start3A_325 : memref<125xi32, #tpu.memory_space<vmem>>) semaphore(%arg24 : memref<!tpu.dma_semaphore, #tpu.memory_space<semaphore_mem>>)
      } else {
      }
    }
    %scan3A_66 = arith.constant 10 : i32
    %dma_wait3A = arith.constant 72 : i32
    %dma_wait3A_67 = arith.constant 0 : i32
    %dma_wait3A_68 = tpu.memref_slice %arg8[%dma_wait3A, %dma_wait3A_67] : memref<80x125xi32, #tpu.memory_space<vmem>> -> memref<1x125xi32, #tpu.memory_space<vmem>>
    %dma_wait3A_69 = tpu.memref_squeeze %dma_wait3A_68 : memref<1x125xi32, #tpu.memory_space<vmem>> -> memref<125xi32, #tpu.memory_space<vmem>>
    %dma_wait3A_70 = arith.constant 0 : i32
    %dma_wait3A_71 = arith.constant 0 : i32
    %dma_wait3A_72 = tpu.memref_slice %arg33[%dma_wait3A_70, %dma_wait3A_71] : memref<10000x16xf32, #tpu.memory_space<vmem_shared>> -> memref<10000x16xf32, #tpu.memory_space<vmem_shared>>
    tpu.wait_indirect_dma semaphore(%arg25 : memref<!tpu.dma_semaphore, #tpu.memory_space<semaphore_mem>>) src(%arg9 : memref<125x16xf32, #tpu.memory_space<vmem>>) dst(%dma_wait3A_72 : memref<10000x16xf32, #tpu.memory_space<vmem_shared>>)
    %dma_wait3A_73 = arith.constant 73 : i32
    %dma_wait3A_74 = arith.constant 0 : i32
    %dma_wait3A_75 = tpu.memref_slice %arg8[%dma_wait3A_73, %dma_wait3A_74] : memref<80x125xi32, #tpu.memory_space<vmem>> -> memref<1x125xi32, #tpu.memory_space<vmem>>
    %dma_wait3A_76 = tpu.memref_squeeze %dma_wait3A_75 : memref<1x125xi32, #tpu.memory_space<vmem>> -> memref<125xi32, #tpu.memory_space<vmem>>
    %dma_wait3A_77 = arith.constant 0 : i32
    %dma_wait3A_78 = arith.constant 0 : i32
    %dma_wait3A_79 = tpu.memref_slice %arg33[%dma_wait3A_77, %dma_wait3A_78] : memref<10000x16xf32, #tpu.memory_space<vmem_shared>> -> memref<10000x16xf32, #tpu.memory_space<vmem_shared>>
    tpu.wait_indirect_dma semaphore(%arg26 : memref<!tpu.dma_semaphore, #tpu.memory_space<semaphore_mem>>) src(%arg10 : memref<125x16xf32, #tpu.memory_space<vmem>>) dst(%dma_wait3A_79 : memref<10000x16xf32, #tpu.memory_space<vmem_shared>>)
    %dma_wait3A_80 = arith.constant 74 : i32
    %dma_wait3A_81 = arith.constant 0 : i32
    %dma_wait3A_82 = tpu.memref_slice %arg8[%dma_wait3A_80, %dma_wait3A_81] : memref<80x125xi32, #tpu.memory_space<vmem>> -> memref<1x125xi32, #tpu.memory_space<vmem>>
    %dma_wait3A_83 = tpu.memref_squeeze %dma_wait3A_82 : memref<1x125xi32, #tpu.memory_space<vmem>> -> memref<125xi32, #tpu.memory_space<vmem>>
    %dma_wait3A_84 = arith.constant 0 : i32
    %dma_wait3A_85 = arith.constant 0 : i32
    %dma_wait3A_86 = tpu.memref_slice %arg33[%dma_wait3A_84, %dma_wait3A_85] : memref<10000x16xf32, #tpu.memory_space<vmem_shared>> -> memref<10000x16xf32, #tpu.memory_space<vmem_shared>>
    tpu.wait_indirect_dma semaphore(%arg27 : memref<!tpu.dma_semaphore, #tpu.memory_space<semaphore_mem>>) src(%arg11 : memref<125x16xf32, #tpu.memory_space<vmem>>) dst(%dma_wait3A_86 : memref<10000x16xf32, #tpu.memory_space<vmem_shared>>)
    %dma_wait3A_87 = arith.constant 75 : i32
    %dma_wait3A_88 = arith.constant 0 : i32
    %dma_wait3A_89 = tpu.memref_slice %arg8[%dma_wait3A_87, %dma_wait3A_88] : memref<80x125xi32, #tpu.memory_space<vmem>> -> memref<1x125xi32, #tpu.memory_space<vmem>>
    %dma_wait3A_90 = tpu.memref_squeeze %dma_wait3A_89 : memref<1x125xi32, #tpu.memory_space<vmem>> -> memref<125xi32, #tpu.memory_space<vmem>>
    %dma_wait3A_91 = arith.constant 0 : i32
    %dma_wait3A_92 = arith.constant 0 : i32
    %dma_wait3A_93 = tpu.memref_slice %arg33[%dma_wait3A_91, %dma_wait3A_92] : memref<10000x16xf32, #tpu.memory_space<vmem_shared>> -> memref<10000x16xf32, #tpu.memory_space<vmem_shared>>
    tpu.wait_indirect_dma semaphore(%arg28 : memref<!tpu.dma_semaphore, #tpu.memory_space<semaphore_mem>>) src(%arg12 : memref<125x16xf32, #tpu.memory_space<vmem>>) dst(%dma_wait3A_93 : memref<10000x16xf32, #tpu.memory_space<vmem_shared>>)
    %dma_wait3A_94 = arith.constant 76 : i32
    %dma_wait3A_95 = arith.constant 0 : i32
    %dma_wait3A_96 = tpu.memref_slice %arg8[%dma_wait3A_94, %dma_wait3A_95] : memref<80x125xi32, #tpu.memory_space<vmem>> -> memref<1x125xi32, #tpu.memory_space<vmem>>
    %dma_wait3A_97 = tpu.memref_squeeze %dma_wait3A_96 : memref<1x125xi32, #tpu.memory_space<vmem>> -> memref<125xi32, #tpu.memory_space<vmem>>
    %dma_wait3A_98 = arith.constant 0 : i32
    %dma_wait3A_99 = arith.constant 0 : i32
    %dma_wait3A_100 = tpu.memref_slice %arg33[%dma_wait3A_98, %dma_wait3A_99] : memref<10000x16xf32, #tpu.memory_space<vmem_shared>> -> memref<10000x16xf32, #tpu.memory_space<vmem_shared>>
    tpu.wait_indirect_dma semaphore(%arg29 : memref<!tpu.dma_semaphore, #tpu.memory_space<semaphore_mem>>) src(%arg13 : memref<125x16xf32, #tpu.memory_space<vmem>>) dst(%dma_wait3A_100 : memref<10000x16xf32, #tpu.memory_space<vmem_shared>>)
    %dma_wait3A_101 = arith.constant 77 : i32
    %dma_wait3A_102 = arith.constant 0 : i32
    %dma_wait3A_103 = tpu.memref_slice %arg8[%dma_wait3A_101, %dma_wait3A_102] : memref<80x125xi32, #tpu.memory_space<vmem>> -> memref<1x125xi32, #tpu.memory_space<vmem>>
    %dma_wait3A_104 = tpu.memref_squeeze %dma_wait3A_103 : memref<1x125xi32, #tpu.memory_space<vmem>> -> memref<125xi32, #tpu.memory_space<vmem>>
    %dma_wait3A_105 = arith.constant 0 : i32
    %dma_wait3A_106 = arith.constant 0 : i32
    %dma_wait3A_107 = tpu.memref_slice %arg33[%dma_wait3A_105, %dma_wait3A_106] : memref<10000x16xf32, #tpu.memory_space<vmem_shared>> -> memref<10000x16xf32, #tpu.memory_space<vmem_shared>>
    tpu.wait_indirect_dma semaphore(%arg30 : memref<!tpu.dma_semaphore, #tpu.memory_space<semaphore_mem>>) src(%arg14 : memref<125x16xf32, #tpu.memory_space<vmem>>) dst(%dma_wait3A_107 : memref<10000x16xf32, #tpu.memory_space<vmem_shared>>)
    %dma_wait3A_108 = arith.constant 78 : i32
    %dma_wait3A_109 = arith.constant 0 : i32
    %dma_wait3A_110 = tpu.memref_slice %arg8[%dma_wait3A_108, %dma_wait3A_109] : memref<80x125xi32, #tpu.memory_space<vmem>> -> memref<1x125xi32, #tpu.memory_space<vmem>>
    %dma_wait3A_111 = tpu.memref_squeeze %dma_wait3A_110 : memref<1x125xi32, #tpu.memory_space<vmem>> -> memref<125xi32, #tpu.memory_space<vmem>>
    %dma_wait3A_112 = arith.constant 0 : i32
    %dma_wait3A_113 = arith.constant 0 : i32
    %dma_wait3A_114 = tpu.memref_slice %arg33[%dma_wait3A_112, %dma_wait3A_113] : memref<10000x16xf32, #tpu.memory_space<vmem_shared>> -> memref<10000x16xf32, #tpu.memory_space<vmem_shared>>
    tpu.wait_indirect_dma semaphore(%arg31 : memref<!tpu.dma_semaphore, #tpu.memory_space<semaphore_mem>>) src(%arg15 : memref<125x16xf32, #tpu.memory_space<vmem>>) dst(%dma_wait3A_114 : memref<10000x16xf32, #tpu.memory_space<vmem_shared>>)
    %dma_wait3A_115 = arith.constant 79 : i32
    %dma_wait3A_116 = arith.constant 0 : i32
    %dma_wait3A_117 = tpu.memref_slice %arg8[%dma_wait3A_115, %dma_wait3A_116] : memref<80x125xi32, #tpu.memory_space<vmem>> -> memref<1x125xi32, #tpu.memory_space<vmem>>
    %dma_wait3A_118 = tpu.memref_squeeze %dma_wait3A_117 : memref<1x125xi32, #tpu.memory_space<vmem>> -> memref<125xi32, #tpu.memory_space<vmem>>
    %dma_wait3A_119 = arith.constant 0 : i32
    %dma_wait3A_120 = arith.constant 0 : i32
    %dma_wait3A_121 = tpu.memref_slice %arg33[%dma_wait3A_119, %dma_wait3A_120] : memref<10000x16xf32, #tpu.memory_space<vmem_shared>> -> memref<10000x16xf32, #tpu.memory_space<vmem_shared>>
    tpu.wait_indirect_dma semaphore(%arg32 : memref<!tpu.dma_semaphore, #tpu.memory_space<semaphore_mem>>) src(%arg16 : memref<125x16xf32, #tpu.memory_space<vmem>>) dst(%dma_wait3A_121 : memref<10000x16xf32, #tpu.memory_space<vmem_shared>>)
    %barrier3A_122 = arith.constant 0 : index
    tpu.barrier barrier_id(%barrier3A_122)
    %lt3A_123 = arith.constant 10 : i32
    %lt3A_124 = arith.cmpi slt, %arg1, %lt3A_123 : i32
    %convert_element_type3A_125 = arith.extui %lt3A_124 : i1 to i32
    %cond3A_126 = arith.constant 0 : i32
    %cond3A_127 = arith.cmpi ne, %convert_element_type3A_125, %cond3A_126 : i32
    scf.if %cond3A_127 {
      %mul3A_128 = arith.constant 1000 : i32
      %mul3A_129 = arith.muli %arg1, %mul3A_128 : i32
      %mul3A_130 = arith.constant 1000 : i32
      %mul3A_131 = arith.muli %arg1, %mul3A_130 : i32
      "tpu.region"() ({
        %run_scoped3A = tpu.sem_alloc : memref<!tpu.dma_semaphore, #tpu.memory_space<semaphore_mem>>
        %dma_start3A_132 = arith.constant 0 : i32
        %dma_start3A_133 = arith.constant 0 : i32
        %dma_start3A_134 = tpu.memref_slice %arg6[%arg0, %dma_start3A_132, %dma_start3A_133] : memref<2x10000x16xf32, #tpu.memory_space<hbm>> -> memref<1x10000x16xf32, #tpu.memory_space<hbm>>
        %dma_start3A_135 = tpu.memref_squeeze %dma_start3A_134 : memref<1x10000x16xf32, #tpu.memory_space<hbm>> -> memref<10000x16xf32, #tpu.memory_space<hbm>>
        %dma_start3A_136 = arith.constant 0 : i32
        %dma_start3A_137 = tpu.memref_slice %dma_start3A_135[%mul3A_131, %dma_start3A_136] : memref<10000x16xf32, #tpu.memory_space<hbm>> -> memref<1000x16xf32, #tpu.memory_space<hbm>>
        %dma_start3A_138 = arith.constant 0 : i32
        %dma_start3A_139 = tpu.memref_slice %arg33[%mul3A_129, %dma_start3A_138] : memref<10000x16xf32, #tpu.memory_space<vmem_shared>> -> memref<1000x16xf32, #tpu.memory_space<vmem_shared>>
        tpu.enqueue_dma source(%dma_start3A_139 : memref<1000x16xf32, #tpu.memory_space<vmem_shared>>) target(%dma_start3A_137 : memref<1000x16xf32, #tpu.memory_space<hbm>>) target_semaphore(%run_scoped3A : memref<!tpu.dma_semaphore, #tpu.memory_space<semaphore_mem>>)
        %dma_wait3A_140 = arith.constant 0 : i32
        %dma_wait3A_141 = arith.constant 0 : i32
        %dma_wait3A_142 = tpu.memref_slice %arg6[%arg0, %dma_wait3A_140, %dma_wait3A_141] : memref<2x10000x16xf32, #tpu.memory_space<hbm>> -> memref<1x10000x16xf32, #tpu.memory_space<hbm>>
        %dma_wait3A_143 = tpu.memref_squeeze %dma_wait3A_142 : memref<1x10000x16xf32, #tpu.memory_space<hbm>> -> memref<10000x16xf32, #tpu.memory_space<hbm>>
        %dma_wait3A_144 = arith.constant 0 : i32
        %dma_wait3A_145 = tpu.memref_slice %dma_wait3A_143[%mul3A_131, %dma_wait3A_144] : memref<10000x16xf32, #tpu.memory_space<hbm>> -> memref<1000x16xf32, #tpu.memory_space<hbm>>
        %dma_wait3A_146 = arith.constant 0 : i32
        %dma_wait3A_147 = tpu.memref_slice %arg33[%mul3A_129, %dma_wait3A_146] : memref<10000x16xf32, #tpu.memory_space<vmem_shared>> -> memref<1000x16xf32, #tpu.memory_space<vmem_shared>>
        tpu.wait_dma2 semaphore(%run_scoped3A : memref<!tpu.dma_semaphore, #tpu.memory_space<semaphore_mem>>) src(%dma_wait3A_147 : memref<1000x16xf32, #tpu.memory_space<vmem_shared>>) dst(%dma_wait3A_145 : memref<1000x16xf32, #tpu.memory_space<hbm>>)
        tpu.yield
      }) : () -> ()
    } else {
    }
    return
  }
}

#map = affine_map<(d0, d1) -> (0, 0)>
#map1 = affine_map<(d0, d1) -> (0, 0, 0)>
module attributes {stable_mosaic.version = 14 : i64} {
  func.func @body(%arg0: i32, %arg1: i32, %arg2: memref<10000x40xf32, #tpu.memory_space<hbm>>, %arg3: memref<2560x125xi32, #tpu.memory_space<hbm>>, %arg4: memref<2560x125xi32, #tpu.memory_space<hbm>>, %arg5: memref<10000x40xf32, #tpu.memory_space<hbm>>, %arg6: memref<2x10000x40xf32, #tpu.memory_space<hbm>>, %arg7: memref<80x125xi32, #tpu.memory_space<vmem>>, %arg8: memref<80x125xi32, #tpu.memory_space<vmem>>, %arg9: memref<125x40xf32, #tpu.memory_space<vmem>>, %arg10: memref<125x40xf32, #tpu.memory_space<vmem>>, %arg11: memref<125x40xf32, #tpu.memory_space<vmem>>, %arg12: memref<125x40xf32, #tpu.memory_space<vmem>>, %arg13: memref<125x40xf32, #tpu.memory_space<vmem>>, %arg14: memref<125x40xf32, #tpu.memory_space<vmem>>, %arg15: memref<125x40xf32, #tpu.memory_space<vmem>>, %arg16: memref<125x40xf32, #tpu.memory_space<vmem>>, %arg17: memref<!tpu.dma_semaphore, #tpu.memory_space<semaphore_mem>>, %arg18: memref<!tpu.dma_semaphore, #tpu.memory_space<semaphore_mem>>, %arg19: memref<!tpu.dma_semaphore, #tpu.memory_space<semaphore_mem>>, %arg20: memref<!tpu.dma_semaphore, #tpu.memory_space<semaphore_mem>>, %arg21: memref<!tpu.dma_semaphore, #tpu.memory_space<semaphore_mem>>, %arg22: memref<!tpu.dma_semaphore, #tpu.memory_space<semaphore_mem>>, %arg23: memref<!tpu.dma_semaphore, #tpu.memory_space<semaphore_mem>>, %arg24: memref<!tpu.dma_semaphore, #tpu.memory_space<semaphore_mem>>, %arg25: memref<!tpu.dma_semaphore, #tpu.memory_space<semaphore_mem>>, %arg26: memref<!tpu.dma_semaphore, #tpu.memory_space<semaphore_mem>>, %arg27: memref<!tpu.dma_semaphore, #tpu.memory_space<semaphore_mem>>, %arg28: memref<!tpu.dma_semaphore, #tpu.memory_space<semaphore_mem>>, %arg29: memref<!tpu.dma_semaphore, #tpu.memory_space<semaphore_mem>>, %arg30: memref<!tpu.dma_semaphore, #tpu.memory_space<semaphore_mem>>, %arg31: memref<!tpu.dma_semaphore, #tpu.memory_space<semaphore_mem>>, %arg32: memref<!tpu.dma_semaphore, #tpu.memory_space<semaphore_mem>>, %arg33: memref<10000x40xf32, #tpu.memory_space<vmem_shared>>) attributes {dimension_semantics = [#tpu.dimension_semantics<core_parallel>, #tpu.dimension_semantics<subcore_parallel>], iteration_bounds = array<i64: 2, 16>, scalar_prefetch = 0 : i64, scratch_operands = 27 : i64, tpu.core_type = #tpu.core_type<sc_vector_subcore>, window_params = [{transform_indices = #map}, {transform_indices = #map}, {transform_indices = #map}, {transform_indices = #map}, {transform_indices = #map1}]} {
    %mul3A = arith.constant 16 : i32
    %mul3A_0 = arith.muli %arg0, %mul3A : i32
    %add3A = arith.addi %mul3A_0, %arg1 : i32
    %mul3A_1 = arith.constant 80 : i32
    %mul3A_2 = arith.muli %add3A, %mul3A_1 : i32
    "tpu.region"() ({
      %run_scoped3A = tpu.sem_alloc : memref<!tpu.dma_semaphore, #tpu.memory_space<semaphore_mem>>
      %dma_start3A_128 = arith.constant 0 : i32
      %dma_start3A_129 = tpu.memref_slice %arg3[%mul3A_2, %dma_start3A_128] : memref<2560x125xi32, #tpu.memory_space<hbm>> -> memref<80x125xi32, #tpu.memory_space<hbm>>
      %dma_start3A_130 = arith.constant 0 : i32
      %dma_start3A_131 = tpu.memref_slice %arg3[%mul3A_2, %dma_start3A_130] : memref<2560x125xi32, #tpu.memory_space<hbm>> -> memref<80x125xi32, #tpu.memory_space<hbm>>
      tpu.enqueue_dma source(%dma_start3A_131 : memref<80x125xi32, #tpu.memory_space<hbm>>) target(%arg7 : memref<80x125xi32, #tpu.memory_space<vmem>>) target_semaphore(%run_scoped3A : memref<!tpu.dma_semaphore, #tpu.memory_space<semaphore_mem>>)
      %dma_wait3A_132 = arith.constant 0 : i32
      %dma_wait3A_133 = tpu.memref_slice %arg3[%mul3A_2, %dma_wait3A_132] : memref<2560x125xi32, #tpu.memory_space<hbm>> -> memref<80x125xi32, #tpu.memory_space<hbm>>
      %dma_wait3A_134 = arith.constant 0 : i32
      %dma_wait3A_135 = tpu.memref_slice %arg3[%mul3A_2, %dma_wait3A_134] : memref<2560x125xi32, #tpu.memory_space<hbm>> -> memref<80x125xi32, #tpu.memory_space<hbm>>
      tpu.wait_dma2 semaphore(%run_scoped3A : memref<!tpu.dma_semaphore, #tpu.memory_space<semaphore_mem>>) src(%dma_wait3A_135 : memref<80x125xi32, #tpu.memory_space<hbm>>) dst(%arg7 : memref<80x125xi32, #tpu.memory_space<vmem>>)
      tpu.yield
    }) : () -> ()
    %mul3A_3 = arith.constant 80 : i32
    %mul3A_4 = arith.muli %add3A, %mul3A_3 : i32
    "tpu.region"() ({
      %run_scoped3A = tpu.sem_alloc : memref<!tpu.dma_semaphore, #tpu.memory_space<semaphore_mem>>
      %dma_start3A_128 = arith.constant 0 : i32
      %dma_start3A_129 = tpu.memref_slice %arg4[%mul3A_4, %dma_start3A_128] : memref<2560x125xi32, #tpu.memory_space<hbm>> -> memref<80x125xi32, #tpu.memory_space<hbm>>
      %dma_start3A_130 = arith.constant 0 : i32
      %dma_start3A_131 = tpu.memref_slice %arg4[%mul3A_4, %dma_start3A_130] : memref<2560x125xi32, #tpu.memory_space<hbm>> -> memref<80x125xi32, #tpu.memory_space<hbm>>
      tpu.enqueue_dma source(%dma_start3A_131 : memref<80x125xi32, #tpu.memory_space<hbm>>) target(%arg8 : memref<80x125xi32, #tpu.memory_space<vmem>>) target_semaphore(%run_scoped3A : memref<!tpu.dma_semaphore, #tpu.memory_space<semaphore_mem>>)
      %dma_wait3A_132 = arith.constant 0 : i32
      %dma_wait3A_133 = tpu.memref_slice %arg4[%mul3A_4, %dma_wait3A_132] : memref<2560x125xi32, #tpu.memory_space<hbm>> -> memref<80x125xi32, #tpu.memory_space<hbm>>
      %dma_wait3A_134 = arith.constant 0 : i32
      %dma_wait3A_135 = tpu.memref_slice %arg4[%mul3A_4, %dma_wait3A_134] : memref<2560x125xi32, #tpu.memory_space<hbm>> -> memref<80x125xi32, #tpu.memory_space<hbm>>
      tpu.wait_dma2 semaphore(%run_scoped3A : memref<!tpu.dma_semaphore, #tpu.memory_space<semaphore_mem>>) src(%dma_wait3A_135 : memref<80x125xi32, #tpu.memory_space<hbm>>) dst(%arg8 : memref<80x125xi32, #tpu.memory_space<vmem>>)
      tpu.yield
    }) : () -> ()
    %lt3A = arith.constant 10 : i32
    %lt3A_5 = arith.cmpi slt, %arg1, %lt3A : i32
    %convert_element_type3A = arith.extui %lt3A_5 : i1 to i32
    %cond3A = arith.constant 0 : i32
    %cond3A_6 = arith.cmpi ne, %convert_element_type3A, %cond3A : i32
    scf.if %cond3A_6 {
      %mul3A_128 = arith.constant 1000 : i32
      %mul3A_129 = arith.muli %arg1, %mul3A_128 : i32
      %mul3A_130 = arith.constant 1000 : i32
      %mul3A_131 = arith.muli %arg1, %mul3A_130 : i32
      "tpu.region"() ({
        %run_scoped3A = tpu.sem_alloc : memref<!tpu.dma_semaphore, #tpu.memory_space<semaphore_mem>>
        %dma_start3A_132 = arith.constant 0 : i32
        %dma_start3A_133 = tpu.memref_slice %arg33[%mul3A_131, %dma_start3A_132] : memref<10000x40xf32, #tpu.memory_space<vmem_shared>> -> memref<1000x40xf32, #tpu.memory_space<vmem_shared>>
        %dma_start3A_134 = arith.constant 0 : i32
        %dma_start3A_135 = tpu.memref_slice %arg5[%mul3A_129, %dma_start3A_134] : memref<10000x40xf32, #tpu.memory_space<hbm>> -> memref<1000x40xf32, #tpu.memory_space<hbm>>
        tpu.enqueue_dma source(%dma_start3A_135 : memref<1000x40xf32, #tpu.memory_space<hbm>>) target(%dma_start3A_133 : memref<1000x40xf32, #tpu.memory_space<vmem_shared>>) target_semaphore(%run_scoped3A : memref<!tpu.dma_semaphore, #tpu.memory_space<semaphore_mem>>)
        %dma_wait3A_136 = arith.constant 0 : i32
        %dma_wait3A_137 = tpu.memref_slice %arg33[%mul3A_131, %dma_wait3A_136] : memref<10000x40xf32, #tpu.memory_space<vmem_shared>> -> memref<1000x40xf32, #tpu.memory_space<vmem_shared>>
        %dma_wait3A_138 = arith.constant 0 : i32
        %dma_wait3A_139 = tpu.memref_slice %arg5[%mul3A_129, %dma_wait3A_138] : memref<10000x40xf32, #tpu.memory_space<hbm>> -> memref<1000x40xf32, #tpu.memory_space<hbm>>
        tpu.wait_dma2 semaphore(%run_scoped3A : memref<!tpu.dma_semaphore, #tpu.memory_space<semaphore_mem>>) src(%dma_wait3A_139 : memref<1000x40xf32, #tpu.memory_space<hbm>>) dst(%dma_wait3A_137 : memref<1000x40xf32, #tpu.memory_space<vmem_shared>>)
        tpu.yield
      }) : () -> ()
    } else {
    }
    %barrier3A = arith.constant 0 : index
    tpu.barrier barrier_id(%barrier3A)
    %dma_start3A = arith.constant 0 : i32
    %dma_start3A_7 = arith.constant 0 : i32
    %dma_start3A_8 = tpu.memref_slice %arg7[%dma_start3A, %dma_start3A_7] : memref<80x125xi32, #tpu.memory_space<vmem>> -> memref<1x125xi32, #tpu.memory_space<vmem>>
    %dma_start3A_9 = tpu.memref_squeeze %dma_start3A_8 : memref<1x125xi32, #tpu.memory_space<vmem>> -> memref<125xi32, #tpu.memory_space<vmem>>
    %dma_start3A_10 = arith.constant 0 : i32
    %dma_start3A_11 = arith.constant 0 : i32
    %dma_start3A_12 = tpu.memref_slice %arg2[%dma_start3A_10, %dma_start3A_11] : memref<10000x40xf32, #tpu.memory_space<hbm>> -> memref<10000x40xf32, #tpu.memory_space<hbm>>
    tpu.enqueue_indirect_dma source(%dma_start3A_12 : memref<10000x40xf32, #tpu.memory_space<hbm>>) target(%arg9 : memref<125x40xf32, #tpu.memory_space<vmem>>) offsets(%dma_start3A_9 : memref<125xi32, #tpu.memory_space<vmem>>) semaphore(%arg17 : memref<!tpu.dma_semaphore, #tpu.memory_space<semaphore_mem>>)
    %dma_start3A_13 = arith.constant 1 : i32
    %dma_start3A_14 = arith.constant 0 : i32
    %dma_start3A_15 = tpu.memref_slice %arg7[%dma_start3A_13, %dma_start3A_14] : memref<80x125xi32, #tpu.memory_space<vmem>> -> memref<1x125xi32, #tpu.memory_space<vmem>>
    %dma_start3A_16 = tpu.memref_squeeze %dma_start3A_15 : memref<1x125xi32, #tpu.memory_space<vmem>> -> memref<125xi32, #tpu.memory_space<vmem>>
    %dma_start3A_17 = arith.constant 0 : i32
    %dma_start3A_18 = arith.constant 0 : i32
    %dma_start3A_19 = tpu.memref_slice %arg2[%dma_start3A_17, %dma_start3A_18] : memref<10000x40xf32, #tpu.memory_space<hbm>> -> memref<10000x40xf32, #tpu.memory_space<hbm>>
    tpu.enqueue_indirect_dma source(%dma_start3A_19 : memref<10000x40xf32, #tpu.memory_space<hbm>>) target(%arg10 : memref<125x40xf32, #tpu.memory_space<vmem>>) offsets(%dma_start3A_16 : memref<125xi32, #tpu.memory_space<vmem>>) semaphore(%arg18 : memref<!tpu.dma_semaphore, #tpu.memory_space<semaphore_mem>>)
    %dma_start3A_20 = arith.constant 2 : i32
    %dma_start3A_21 = arith.constant 0 : i32
    %dma_start3A_22 = tpu.memref_slice %arg7[%dma_start3A_20, %dma_start3A_21] : memref<80x125xi32, #tpu.memory_space<vmem>> -> memref<1x125xi32, #tpu.memory_space<vmem>>
    %dma_start3A_23 = tpu.memref_squeeze %dma_start3A_22 : memref<1x125xi32, #tpu.memory_space<vmem>> -> memref<125xi32, #tpu.memory_space<vmem>>
    %dma_start3A_24 = arith.constant 0 : i32
    %dma_start3A_25 = arith.constant 0 : i32
    %dma_start3A_26 = tpu.memref_slice %arg2[%dma_start3A_24, %dma_start3A_25] : memref<10000x40xf32, #tpu.memory_space<hbm>> -> memref<10000x40xf32, #tpu.memory_space<hbm>>
    tpu.enqueue_indirect_dma source(%dma_start3A_26 : memref<10000x40xf32, #tpu.memory_space<hbm>>) target(%arg11 : memref<125x40xf32, #tpu.memory_space<vmem>>) offsets(%dma_start3A_23 : memref<125xi32, #tpu.memory_space<vmem>>) semaphore(%arg19 : memref<!tpu.dma_semaphore, #tpu.memory_space<semaphore_mem>>)
    %dma_start3A_27 = arith.constant 3 : i32
    %dma_start3A_28 = arith.constant 0 : i32
    %dma_start3A_29 = tpu.memref_slice %arg7[%dma_start3A_27, %dma_start3A_28] : memref<80x125xi32, #tpu.memory_space<vmem>> -> memref<1x125xi32, #tpu.memory_space<vmem>>
    %dma_start3A_30 = tpu.memref_squeeze %dma_start3A_29 : memref<1x125xi32, #tpu.memory_space<vmem>> -> memref<125xi32, #tpu.memory_space<vmem>>
    %dma_start3A_31 = arith.constant 0 : i32
    %dma_start3A_32 = arith.constant 0 : i32
    %dma_start3A_33 = tpu.memref_slice %arg2[%dma_start3A_31, %dma_start3A_32] : memref<10000x40xf32, #tpu.memory_space<hbm>> -> memref<10000x40xf32, #tpu.memory_space<hbm>>
    tpu.enqueue_indirect_dma source(%dma_start3A_33 : memref<10000x40xf32, #tpu.memory_space<hbm>>) target(%arg12 : memref<125x40xf32, #tpu.memory_space<vmem>>) offsets(%dma_start3A_30 : memref<125xi32, #tpu.memory_space<vmem>>) semaphore(%arg20 : memref<!tpu.dma_semaphore, #tpu.memory_space<semaphore_mem>>)
    %dma_start3A_34 = arith.constant 4 : i32
    %dma_start3A_35 = arith.constant 0 : i32
    %dma_start3A_36 = tpu.memref_slice %arg7[%dma_start3A_34, %dma_start3A_35] : memref<80x125xi32, #tpu.memory_space<vmem>> -> memref<1x125xi32, #tpu.memory_space<vmem>>
    %dma_start3A_37 = tpu.memref_squeeze %dma_start3A_36 : memref<1x125xi32, #tpu.memory_space<vmem>> -> memref<125xi32, #tpu.memory_space<vmem>>
    %dma_start3A_38 = arith.constant 0 : i32
    %dma_start3A_39 = arith.constant 0 : i32
    %dma_start3A_40 = tpu.memref_slice %arg2[%dma_start3A_38, %dma_start3A_39] : memref<10000x40xf32, #tpu.memory_space<hbm>> -> memref<10000x40xf32, #tpu.memory_space<hbm>>
    tpu.enqueue_indirect_dma source(%dma_start3A_40 : memref<10000x40xf32, #tpu.memory_space<hbm>>) target(%arg13 : memref<125x40xf32, #tpu.memory_space<vmem>>) offsets(%dma_start3A_37 : memref<125xi32, #tpu.memory_space<vmem>>) semaphore(%arg21 : memref<!tpu.dma_semaphore, #tpu.memory_space<semaphore_mem>>)
    %dma_start3A_41 = arith.constant 5 : i32
    %dma_start3A_42 = arith.constant 0 : i32
    %dma_start3A_43 = tpu.memref_slice %arg7[%dma_start3A_41, %dma_start3A_42] : memref<80x125xi32, #tpu.memory_space<vmem>> -> memref<1x125xi32, #tpu.memory_space<vmem>>
    %dma_start3A_44 = tpu.memref_squeeze %dma_start3A_43 : memref<1x125xi32, #tpu.memory_space<vmem>> -> memref<125xi32, #tpu.memory_space<vmem>>
    %dma_start3A_45 = arith.constant 0 : i32
    %dma_start3A_46 = arith.constant 0 : i32
    %dma_start3A_47 = tpu.memref_slice %arg2[%dma_start3A_45, %dma_start3A_46] : memref<10000x40xf32, #tpu.memory_space<hbm>> -> memref<10000x40xf32, #tpu.memory_space<hbm>>
    tpu.enqueue_indirect_dma source(%dma_start3A_47 : memref<10000x40xf32, #tpu.memory_space<hbm>>) target(%arg14 : memref<125x40xf32, #tpu.memory_space<vmem>>) offsets(%dma_start3A_44 : memref<125xi32, #tpu.memory_space<vmem>>) semaphore(%arg22 : memref<!tpu.dma_semaphore, #tpu.memory_space<semaphore_mem>>)
    %dma_start3A_48 = arith.constant 6 : i32
    %dma_start3A_49 = arith.constant 0 : i32
    %dma_start3A_50 = tpu.memref_slice %arg7[%dma_start3A_48, %dma_start3A_49] : memref<80x125xi32, #tpu.memory_space<vmem>> -> memref<1x125xi32, #tpu.memory_space<vmem>>
    %dma_start3A_51 = tpu.memref_squeeze %dma_start3A_50 : memref<1x125xi32, #tpu.memory_space<vmem>> -> memref<125xi32, #tpu.memory_space<vmem>>
    %dma_start3A_52 = arith.constant 0 : i32
    %dma_start3A_53 = arith.constant 0 : i32
    %dma_start3A_54 = tpu.memref_slice %arg2[%dma_start3A_52, %dma_start3A_53] : memref<10000x40xf32, #tpu.memory_space<hbm>> -> memref<10000x40xf32, #tpu.memory_space<hbm>>
    tpu.enqueue_indirect_dma source(%dma_start3A_54 : memref<10000x40xf32, #tpu.memory_space<hbm>>) target(%arg15 : memref<125x40xf32, #tpu.memory_space<vmem>>) offsets(%dma_start3A_51 : memref<125xi32, #tpu.memory_space<vmem>>) semaphore(%arg23 : memref<!tpu.dma_semaphore, #tpu.memory_space<semaphore_mem>>)
    %dma_start3A_55 = arith.constant 7 : i32
    %dma_start3A_56 = arith.constant 0 : i32
    %dma_start3A_57 = tpu.memref_slice %arg7[%dma_start3A_55, %dma_start3A_56] : memref<80x125xi32, #tpu.memory_space<vmem>> -> memref<1x125xi32, #tpu.memory_space<vmem>>
    %dma_start3A_58 = tpu.memref_squeeze %dma_start3A_57 : memref<1x125xi32, #tpu.memory_space<vmem>> -> memref<125xi32, #tpu.memory_space<vmem>>
    %dma_start3A_59 = arith.constant 0 : i32
    %dma_start3A_60 = arith.constant 0 : i32
    %dma_start3A_61 = tpu.memref_slice %arg2[%dma_start3A_59, %dma_start3A_60] : memref<10000x40xf32, #tpu.memory_space<hbm>> -> memref<10000x40xf32, #tpu.memory_space<hbm>>
    tpu.enqueue_indirect_dma source(%dma_start3A_61 : memref<10000x40xf32, #tpu.memory_space<hbm>>) target(%arg16 : memref<125x40xf32, #tpu.memory_space<vmem>>) offsets(%dma_start3A_58 : memref<125xi32, #tpu.memory_space<vmem>>) semaphore(%arg24 : memref<!tpu.dma_semaphore, #tpu.memory_space<semaphore_mem>>)
    %scan3A = arith.constant 0 : i32
    %scan3A_62 = arith.constant 0 : i32
    %scan3A_63 = arith.constant 10 : i32
    %scan3A_64 = arith.addi %scan3A_62, %scan3A_63 : i32
    %scan3A_65 = arith.constant 1 : i32
    scf.for %scan3A_128 = %scan3A_62 to %scan3A_64 step %scan3A_65  : i32 {
      %mul3A_129 = arith.constant 8 : i32
      %mul3A_130 = arith.muli %scan3A_128, %mul3A_129 : i32
      %add3A_131 = arith.constant 0 : i32
      %add3A_132 = arith.addi %mul3A_130, %add3A_131 : i32
      %dma_wait3A_133 = arith.constant 0 : i32
      %dma_wait3A_134 = tpu.memref_slice %arg7[%add3A_132, %dma_wait3A_133] : memref<80x125xi32, #tpu.memory_space<vmem>> -> memref<1x125xi32, #tpu.memory_space<vmem>>
      %dma_wait3A_135 = tpu.memref_squeeze %dma_wait3A_134 : memref<1x125xi32, #tpu.memory_space<vmem>> -> memref<125xi32, #tpu.memory_space<vmem>>
      %dma_wait3A_136 = arith.constant 0 : i32
      %dma_wait3A_137 = arith.constant 0 : i32
      %dma_wait3A_138 = tpu.memref_slice %arg2[%dma_wait3A_136, %dma_wait3A_137] : memref<10000x40xf32, #tpu.memory_space<hbm>> -> memref<10000x40xf32, #tpu.memory_space<hbm>>
      tpu.wait_indirect_dma semaphore(%arg17 : memref<!tpu.dma_semaphore, #tpu.memory_space<semaphore_mem>>) src(%dma_wait3A_138 : memref<10000x40xf32, #tpu.memory_space<hbm>>) dst(%arg9 : memref<125x40xf32, #tpu.memory_space<vmem>>)
      %dma_start3A_139 = arith.constant 0 : i32
      %dma_start3A_140 = tpu.memref_slice %arg8[%add3A_132, %dma_start3A_139] : memref<80x125xi32, #tpu.memory_space<vmem>> -> memref<1x125xi32, #tpu.memory_space<vmem>>
      %dma_start3A_141 = tpu.memref_squeeze %dma_start3A_140 : memref<1x125xi32, #tpu.memory_space<vmem>> -> memref<125xi32, #tpu.memory_space<vmem>>
      %dma_start3A_142 = arith.constant 0 : i32
      %dma_start3A_143 = arith.constant 0 : i32
      %dma_start3A_144 = tpu.memref_slice %arg33[%dma_start3A_142, %dma_start3A_143] : memref<10000x40xf32, #tpu.memory_space<vmem_shared>> -> memref<10000x40xf32, #tpu.memory_space<vmem_shared>>
      tpu.enqueue_indirect_dma source(%arg9 : memref<125x40xf32, #tpu.memory_space<vmem>>) target(%dma_start3A_144 : memref<10000x40xf32, #tpu.memory_space<vmem_shared>>) offsets(%dma_start3A_141 : memref<125xi32, #tpu.memory_space<vmem>>) semaphore(%arg25 : memref<!tpu.dma_semaphore, #tpu.memory_space<semaphore_mem>>) {add = true}
      %add3A_145 = arith.constant 1 : i32
      %add3A_146 = arith.addi %mul3A_130, %add3A_145 : i32
      %dma_wait3A_147 = arith.constant 0 : i32
      %dma_wait3A_148 = tpu.memref_slice %arg7[%add3A_146, %dma_wait3A_147] : memref<80x125xi32, #tpu.memory_space<vmem>> -> memref<1x125xi32, #tpu.memory_space<vmem>>
      %dma_wait3A_149 = tpu.memref_squeeze %dma_wait3A_148 : memref<1x125xi32, #tpu.memory_space<vmem>> -> memref<125xi32, #tpu.memory_space<vmem>>
      %dma_wait3A_150 = arith.constant 0 : i32
      %dma_wait3A_151 = arith.constant 0 : i32
      %dma_wait3A_152 = tpu.memref_slice %arg2[%dma_wait3A_150, %dma_wait3A_151] : memref<10000x40xf32, #tpu.memory_space<hbm>> -> memref<10000x40xf32, #tpu.memory_space<hbm>>
      tpu.wait_indirect_dma semaphore(%arg18 : memref<!tpu.dma_semaphore, #tpu.memory_space<semaphore_mem>>) src(%dma_wait3A_152 : memref<10000x40xf32, #tpu.memory_space<hbm>>) dst(%arg10 : memref<125x40xf32, #tpu.memory_space<vmem>>)
      %dma_start3A_153 = arith.constant 0 : i32
      %dma_start3A_154 = tpu.memref_slice %arg8[%add3A_146, %dma_start3A_153] : memref<80x125xi32, #tpu.memory_space<vmem>> -> memref<1x125xi32, #tpu.memory_space<vmem>>
      %dma_start3A_155 = tpu.memref_squeeze %dma_start3A_154 : memref<1x125xi32, #tpu.memory_space<vmem>> -> memref<125xi32, #tpu.memory_space<vmem>>
      %dma_start3A_156 = arith.constant 0 : i32
      %dma_start3A_157 = arith.constant 0 : i32
      %dma_start3A_158 = tpu.memref_slice %arg33[%dma_start3A_156, %dma_start3A_157] : memref<10000x40xf32, #tpu.memory_space<vmem_shared>> -> memref<10000x40xf32, #tpu.memory_space<vmem_shared>>
      tpu.enqueue_indirect_dma source(%arg10 : memref<125x40xf32, #tpu.memory_space<vmem>>) target(%dma_start3A_158 : memref<10000x40xf32, #tpu.memory_space<vmem_shared>>) offsets(%dma_start3A_155 : memref<125xi32, #tpu.memory_space<vmem>>) semaphore(%arg26 : memref<!tpu.dma_semaphore, #tpu.memory_space<semaphore_mem>>) {add = true}
      %add3A_159 = arith.constant 2 : i32
      %add3A_160 = arith.addi %mul3A_130, %add3A_159 : i32
      %dma_wait3A_161 = arith.constant 0 : i32
      %dma_wait3A_162 = tpu.memref_slice %arg7[%add3A_160, %dma_wait3A_161] : memref<80x125xi32, #tpu.memory_space<vmem>> -> memref<1x125xi32, #tpu.memory_space<vmem>>
      %dma_wait3A_163 = tpu.memref_squeeze %dma_wait3A_162 : memref<1x125xi32, #tpu.memory_space<vmem>> -> memref<125xi32, #tpu.memory_space<vmem>>
      %dma_wait3A_164 = arith.constant 0 : i32
      %dma_wait3A_165 = arith.constant 0 : i32
      %dma_wait3A_166 = tpu.memref_slice %arg2[%dma_wait3A_164, %dma_wait3A_165] : memref<10000x40xf32, #tpu.memory_space<hbm>> -> memref<10000x40xf32, #tpu.memory_space<hbm>>
      tpu.wait_indirect_dma semaphore(%arg19 : memref<!tpu.dma_semaphore, #tpu.memory_space<semaphore_mem>>) src(%dma_wait3A_166 : memref<10000x40xf32, #tpu.memory_space<hbm>>) dst(%arg11 : memref<125x40xf32, #tpu.memory_space<vmem>>)
      %dma_start3A_167 = arith.constant 0 : i32
      %dma_start3A_168 = tpu.memref_slice %arg8[%add3A_160, %dma_start3A_167] : memref<80x125xi32, #tpu.memory_space<vmem>> -> memref<1x125xi32, #tpu.memory_space<vmem>>
      %dma_start3A_169 = tpu.memref_squeeze %dma_start3A_168 : memref<1x125xi32, #tpu.memory_space<vmem>> -> memref<125xi32, #tpu.memory_space<vmem>>
      %dma_start3A_170 = arith.constant 0 : i32
      %dma_start3A_171 = arith.constant 0 : i32
      %dma_start3A_172 = tpu.memref_slice %arg33[%dma_start3A_170, %dma_start3A_171] : memref<10000x40xf32, #tpu.memory_space<vmem_shared>> -> memref<10000x40xf32, #tpu.memory_space<vmem_shared>>
      tpu.enqueue_indirect_dma source(%arg11 : memref<125x40xf32, #tpu.memory_space<vmem>>) target(%dma_start3A_172 : memref<10000x40xf32, #tpu.memory_space<vmem_shared>>) offsets(%dma_start3A_169 : memref<125xi32, #tpu.memory_space<vmem>>) semaphore(%arg27 : memref<!tpu.dma_semaphore, #tpu.memory_space<semaphore_mem>>) {add = true}
      %add3A_173 = arith.constant 3 : i32
      %add3A_174 = arith.addi %mul3A_130, %add3A_173 : i32
      %dma_wait3A_175 = arith.constant 0 : i32
      %dma_wait3A_176 = tpu.memref_slice %arg7[%add3A_174, %dma_wait3A_175] : memref<80x125xi32, #tpu.memory_space<vmem>> -> memref<1x125xi32, #tpu.memory_space<vmem>>
      %dma_wait3A_177 = tpu.memref_squeeze %dma_wait3A_176 : memref<1x125xi32, #tpu.memory_space<vmem>> -> memref<125xi32, #tpu.memory_space<vmem>>
      %dma_wait3A_178 = arith.constant 0 : i32
      %dma_wait3A_179 = arith.constant 0 : i32
      %dma_wait3A_180 = tpu.memref_slice %arg2[%dma_wait3A_178, %dma_wait3A_179] : memref<10000x40xf32, #tpu.memory_space<hbm>> -> memref<10000x40xf32, #tpu.memory_space<hbm>>
      tpu.wait_indirect_dma semaphore(%arg20 : memref<!tpu.dma_semaphore, #tpu.memory_space<semaphore_mem>>) src(%dma_wait3A_180 : memref<10000x40xf32, #tpu.memory_space<hbm>>) dst(%arg12 : memref<125x40xf32, #tpu.memory_space<vmem>>)
      %dma_start3A_181 = arith.constant 0 : i32
      %dma_start3A_182 = tpu.memref_slice %arg8[%add3A_174, %dma_start3A_181] : memref<80x125xi32, #tpu.memory_space<vmem>> -> memref<1x125xi32, #tpu.memory_space<vmem>>
      %dma_start3A_183 = tpu.memref_squeeze %dma_start3A_182 : memref<1x125xi32, #tpu.memory_space<vmem>> -> memref<125xi32, #tpu.memory_space<vmem>>
      %dma_start3A_184 = arith.constant 0 : i32
      %dma_start3A_185 = arith.constant 0 : i32
      %dma_start3A_186 = tpu.memref_slice %arg33[%dma_start3A_184, %dma_start3A_185] : memref<10000x40xf32, #tpu.memory_space<vmem_shared>> -> memref<10000x40xf32, #tpu.memory_space<vmem_shared>>
      tpu.enqueue_indirect_dma source(%arg12 : memref<125x40xf32, #tpu.memory_space<vmem>>) target(%dma_start3A_186 : memref<10000x40xf32, #tpu.memory_space<vmem_shared>>) offsets(%dma_start3A_183 : memref<125xi32, #tpu.memory_space<vmem>>) semaphore(%arg28 : memref<!tpu.dma_semaphore, #tpu.memory_space<semaphore_mem>>) {add = true}
      %add3A_187 = arith.constant 4 : i32
      %add3A_188 = arith.addi %mul3A_130, %add3A_187 : i32
      %dma_wait3A_189 = arith.constant 0 : i32
      %dma_wait3A_190 = tpu.memref_slice %arg7[%add3A_188, %dma_wait3A_189] : memref<80x125xi32, #tpu.memory_space<vmem>> -> memref<1x125xi32, #tpu.memory_space<vmem>>
      %dma_wait3A_191 = tpu.memref_squeeze %dma_wait3A_190 : memref<1x125xi32, #tpu.memory_space<vmem>> -> memref<125xi32, #tpu.memory_space<vmem>>
      %dma_wait3A_192 = arith.constant 0 : i32
      %dma_wait3A_193 = arith.constant 0 : i32
      %dma_wait3A_194 = tpu.memref_slice %arg2[%dma_wait3A_192, %dma_wait3A_193] : memref<10000x40xf32, #tpu.memory_space<hbm>> -> memref<10000x40xf32, #tpu.memory_space<hbm>>
      tpu.wait_indirect_dma semaphore(%arg21 : memref<!tpu.dma_semaphore, #tpu.memory_space<semaphore_mem>>) src(%dma_wait3A_194 : memref<10000x40xf32, #tpu.memory_space<hbm>>) dst(%arg13 : memref<125x40xf32, #tpu.memory_space<vmem>>)
      %dma_start3A_195 = arith.constant 0 : i32
      %dma_start3A_196 = tpu.memref_slice %arg8[%add3A_188, %dma_start3A_195] : memref<80x125xi32, #tpu.memory_space<vmem>> -> memref<1x125xi32, #tpu.memory_space<vmem>>
      %dma_start3A_197 = tpu.memref_squeeze %dma_start3A_196 : memref<1x125xi32, #tpu.memory_space<vmem>> -> memref<125xi32, #tpu.memory_space<vmem>>
      %dma_start3A_198 = arith.constant 0 : i32
      %dma_start3A_199 = arith.constant 0 : i32
      %dma_start3A_200 = tpu.memref_slice %arg33[%dma_start3A_198, %dma_start3A_199] : memref<10000x40xf32, #tpu.memory_space<vmem_shared>> -> memref<10000x40xf32, #tpu.memory_space<vmem_shared>>
      tpu.enqueue_indirect_dma source(%arg13 : memref<125x40xf32, #tpu.memory_space<vmem>>) target(%dma_start3A_200 : memref<10000x40xf32, #tpu.memory_space<vmem_shared>>) offsets(%dma_start3A_197 : memref<125xi32, #tpu.memory_space<vmem>>) semaphore(%arg29 : memref<!tpu.dma_semaphore, #tpu.memory_space<semaphore_mem>>) {add = true}
      %add3A_201 = arith.constant 5 : i32
      %add3A_202 = arith.addi %mul3A_130, %add3A_201 : i32
      %dma_wait3A_203 = arith.constant 0 : i32
      %dma_wait3A_204 = tpu.memref_slice %arg7[%add3A_202, %dma_wait3A_203] : memref<80x125xi32, #tpu.memory_space<vmem>> -> memref<1x125xi32, #tpu.memory_space<vmem>>
      %dma_wait3A_205 = tpu.memref_squeeze %dma_wait3A_204 : memref<1x125xi32, #tpu.memory_space<vmem>> -> memref<125xi32, #tpu.memory_space<vmem>>
      %dma_wait3A_206 = arith.constant 0 : i32
      %dma_wait3A_207 = arith.constant 0 : i32
      %dma_wait3A_208 = tpu.memref_slice %arg2[%dma_wait3A_206, %dma_wait3A_207] : memref<10000x40xf32, #tpu.memory_space<hbm>> -> memref<10000x40xf32, #tpu.memory_space<hbm>>
      tpu.wait_indirect_dma semaphore(%arg22 : memref<!tpu.dma_semaphore, #tpu.memory_space<semaphore_mem>>) src(%dma_wait3A_208 : memref<10000x40xf32, #tpu.memory_space<hbm>>) dst(%arg14 : memref<125x40xf32, #tpu.memory_space<vmem>>)
      %dma_start3A_209 = arith.constant 0 : i32
      %dma_start3A_210 = tpu.memref_slice %arg8[%add3A_202, %dma_start3A_209] : memref<80x125xi32, #tpu.memory_space<vmem>> -> memref<1x125xi32, #tpu.memory_space<vmem>>
      %dma_start3A_211 = tpu.memref_squeeze %dma_start3A_210 : memref<1x125xi32, #tpu.memory_space<vmem>> -> memref<125xi32, #tpu.memory_space<vmem>>
      %dma_start3A_212 = arith.constant 0 : i32
      %dma_start3A_213 = arith.constant 0 : i32
      %dma_start3A_214 = tpu.memref_slice %arg33[%dma_start3A_212, %dma_start3A_213] : memref<10000x40xf32, #tpu.memory_space<vmem_shared>> -> memref<10000x40xf32, #tpu.memory_space<vmem_shared>>
      tpu.enqueue_indirect_dma source(%arg14 : memref<125x40xf32, #tpu.memory_space<vmem>>) target(%dma_start3A_214 : memref<10000x40xf32, #tpu.memory_space<vmem_shared>>) offsets(%dma_start3A_211 : memref<125xi32, #tpu.memory_space<vmem>>) semaphore(%arg30 : memref<!tpu.dma_semaphore, #tpu.memory_space<semaphore_mem>>) {add = true}
      %add3A_215 = arith.constant 6 : i32
      %add3A_216 = arith.addi %mul3A_130, %add3A_215 : i32
      %dma_wait3A_217 = arith.constant 0 : i32
      %dma_wait3A_218 = tpu.memref_slice %arg7[%add3A_216, %dma_wait3A_217] : memref<80x125xi32, #tpu.memory_space<vmem>> -> memref<1x125xi32, #tpu.memory_space<vmem>>
      %dma_wait3A_219 = tpu.memref_squeeze %dma_wait3A_218 : memref<1x125xi32, #tpu.memory_space<vmem>> -> memref<125xi32, #tpu.memory_space<vmem>>
      %dma_wait3A_220 = arith.constant 0 : i32
      %dma_wait3A_221 = arith.constant 0 : i32
      %dma_wait3A_222 = tpu.memref_slice %arg2[%dma_wait3A_220, %dma_wait3A_221] : memref<10000x40xf32, #tpu.memory_space<hbm>> -> memref<10000x40xf32, #tpu.memory_space<hbm>>
      tpu.wait_indirect_dma semaphore(%arg23 : memref<!tpu.dma_semaphore, #tpu.memory_space<semaphore_mem>>) src(%dma_wait3A_222 : memref<10000x40xf32, #tpu.memory_space<hbm>>) dst(%arg15 : memref<125x40xf32, #tpu.memory_space<vmem>>)
      %dma_start3A_223 = arith.constant 0 : i32
      %dma_start3A_224 = tpu.memref_slice %arg8[%add3A_216, %dma_start3A_223] : memref<80x125xi32, #tpu.memory_space<vmem>> -> memref<1x125xi32, #tpu.memory_space<vmem>>
      %dma_start3A_225 = tpu.memref_squeeze %dma_start3A_224 : memref<1x125xi32, #tpu.memory_space<vmem>> -> memref<125xi32, #tpu.memory_space<vmem>>
      %dma_start3A_226 = arith.constant 0 : i32
      %dma_start3A_227 = arith.constant 0 : i32
      %dma_start3A_228 = tpu.memref_slice %arg33[%dma_start3A_226, %dma_start3A_227] : memref<10000x40xf32, #tpu.memory_space<vmem_shared>> -> memref<10000x40xf32, #tpu.memory_space<vmem_shared>>
      tpu.enqueue_indirect_dma source(%arg15 : memref<125x40xf32, #tpu.memory_space<vmem>>) target(%dma_start3A_228 : memref<10000x40xf32, #tpu.memory_space<vmem_shared>>) offsets(%dma_start3A_225 : memref<125xi32, #tpu.memory_space<vmem>>) semaphore(%arg31 : memref<!tpu.dma_semaphore, #tpu.memory_space<semaphore_mem>>) {add = true}
      %add3A_229 = arith.constant 7 : i32
      %add3A_230 = arith.addi %mul3A_130, %add3A_229 : i32
      %dma_wait3A_231 = arith.constant 0 : i32
      %dma_wait3A_232 = tpu.memref_slice %arg7[%add3A_230, %dma_wait3A_231] : memref<80x125xi32, #tpu.memory_space<vmem>> -> memref<1x125xi32, #tpu.memory_space<vmem>>
      %dma_wait3A_233 = tpu.memref_squeeze %dma_wait3A_232 : memref<1x125xi32, #tpu.memory_space<vmem>> -> memref<125xi32, #tpu.memory_space<vmem>>
      %dma_wait3A_234 = arith.constant 0 : i32
      %dma_wait3A_235 = arith.constant 0 : i32
      %dma_wait3A_236 = tpu.memref_slice %arg2[%dma_wait3A_234, %dma_wait3A_235] : memref<10000x40xf32, #tpu.memory_space<hbm>> -> memref<10000x40xf32, #tpu.memory_space<hbm>>
      tpu.wait_indirect_dma semaphore(%arg24 : memref<!tpu.dma_semaphore, #tpu.memory_space<semaphore_mem>>) src(%dma_wait3A_236 : memref<10000x40xf32, #tpu.memory_space<hbm>>) dst(%arg16 : memref<125x40xf32, #tpu.memory_space<vmem>>)
      %dma_start3A_237 = arith.constant 0 : i32
      %dma_start3A_238 = tpu.memref_slice %arg8[%add3A_230, %dma_start3A_237] : memref<80x125xi32, #tpu.memory_space<vmem>> -> memref<1x125xi32, #tpu.memory_space<vmem>>
      %dma_start3A_239 = tpu.memref_squeeze %dma_start3A_238 : memref<1x125xi32, #tpu.memory_space<vmem>> -> memref<125xi32, #tpu.memory_space<vmem>>
      %dma_start3A_240 = arith.constant 0 : i32
      %dma_start3A_241 = arith.constant 0 : i32
      %dma_start3A_242 = tpu.memref_slice %arg33[%dma_start3A_240, %dma_start3A_241] : memref<10000x40xf32, #tpu.memory_space<vmem_shared>> -> memref<10000x40xf32, #tpu.memory_space<vmem_shared>>
      tpu.enqueue_indirect_dma source(%arg16 : memref<125x40xf32, #tpu.memory_space<vmem>>) target(%dma_start3A_242 : memref<10000x40xf32, #tpu.memory_space<vmem_shared>>) offsets(%dma_start3A_239 : memref<125xi32, #tpu.memory_space<vmem>>) semaphore(%arg32 : memref<!tpu.dma_semaphore, #tpu.memory_space<semaphore_mem>>) {add = true}
      %add3A_243 = arith.constant 0 : i32
      %add3A_244 = arith.addi %mul3A_130, %add3A_243 : i32
      %add3A_245 = arith.constant 8 : i32
      %add3A_246 = arith.addi %add3A_244, %add3A_245 : i32
      %lt3A_247 = arith.constant 80 : i32
      %lt3A_248 = arith.cmpi slt, %add3A_246, %lt3A_247 : i32
      %convert_element_type3A_249 = arith.extui %lt3A_248 : i1 to i32
      %cond3A_250 = arith.constant 0 : i32
      %cond3A_251 = arith.cmpi ne, %convert_element_type3A_249, %cond3A_250 : i32
      scf.if %cond3A_251 {
        %dma_wait3A_315 = arith.constant 0 : i32
        %dma_wait3A_316 = tpu.memref_slice %arg8[%add3A_244, %dma_wait3A_315] : memref<80x125xi32, #tpu.memory_space<vmem>> -> memref<1x125xi32, #tpu.memory_space<vmem>>
        %dma_wait3A_317 = tpu.memref_squeeze %dma_wait3A_316 : memref<1x125xi32, #tpu.memory_space<vmem>> -> memref<125xi32, #tpu.memory_space<vmem>>
        %dma_wait3A_318 = arith.constant 0 : i32
        %dma_wait3A_319 = arith.constant 0 : i32
        %dma_wait3A_320 = tpu.memref_slice %arg33[%dma_wait3A_318, %dma_wait3A_319] : memref<10000x40xf32, #tpu.memory_space<vmem_shared>> -> memref<10000x40xf32, #tpu.memory_space<vmem_shared>>
        tpu.wait_indirect_dma semaphore(%arg25 : memref<!tpu.dma_semaphore, #tpu.memory_space<semaphore_mem>>) src(%arg9 : memref<125x40xf32, #tpu.memory_space<vmem>>) dst(%dma_wait3A_320 : memref<10000x40xf32, #tpu.memory_space<vmem_shared>>)
        %add3A_321 = arith.constant 8 : i32
        %add3A_322 = arith.addi %add3A_244, %add3A_321 : i32
        %dma_start3A_323 = arith.constant 0 : i32
        %dma_start3A_324 = tpu.memref_slice %arg7[%add3A_322, %dma_start3A_323] : memref<80x125xi32, #tpu.memory_space<vmem>> -> memref<1x125xi32, #tpu.memory_space<vmem>>
        %dma_start3A_325 = tpu.memref_squeeze %dma_start3A_324 : memref<1x125xi32, #tpu.memory_space<vmem>> -> memref<125xi32, #tpu.memory_space<vmem>>
        %dma_start3A_326 = arith.constant 0 : i32
        %dma_start3A_327 = arith.constant 0 : i32
        %dma_start3A_328 = tpu.memref_slice %arg2[%dma_start3A_326, %dma_start3A_327] : memref<10000x40xf32, #tpu.memory_space<hbm>> -> memref<10000x40xf32, #tpu.memory_space<hbm>>
        tpu.enqueue_indirect_dma source(%dma_start3A_328 : memref<10000x40xf32, #tpu.memory_space<hbm>>) target(%arg9 : memref<125x40xf32, #tpu.memory_space<vmem>>) offsets(%dma_start3A_325 : memref<125xi32, #tpu.memory_space<vmem>>) semaphore(%arg17 : memref<!tpu.dma_semaphore, #tpu.memory_space<semaphore_mem>>)
      } else {
      }
      %add3A_252 = arith.constant 1 : i32
      %add3A_253 = arith.addi %mul3A_130, %add3A_252 : i32
      %add3A_254 = arith.constant 8 : i32
      %add3A_255 = arith.addi %add3A_253, %add3A_254 : i32
      %lt3A_256 = arith.constant 80 : i32
      %lt3A_257 = arith.cmpi slt, %add3A_255, %lt3A_256 : i32
      %convert_element_type3A_258 = arith.extui %lt3A_257 : i1 to i32
      %cond3A_259 = arith.constant 0 : i32
      %cond3A_260 = arith.cmpi ne, %convert_element_type3A_258, %cond3A_259 : i32
      scf.if %cond3A_260 {
        %dma_wait3A_315 = arith.constant 0 : i32
        %dma_wait3A_316 = tpu.memref_slice %arg8[%add3A_253, %dma_wait3A_315] : memref<80x125xi32, #tpu.memory_space<vmem>> -> memref<1x125xi32, #tpu.memory_space<vmem>>
        %dma_wait3A_317 = tpu.memref_squeeze %dma_wait3A_316 : memref<1x125xi32, #tpu.memory_space<vmem>> -> memref<125xi32, #tpu.memory_space<vmem>>
        %dma_wait3A_318 = arith.constant 0 : i32
        %dma_wait3A_319 = arith.constant 0 : i32
        %dma_wait3A_320 = tpu.memref_slice %arg33[%dma_wait3A_318, %dma_wait3A_319] : memref<10000x40xf32, #tpu.memory_space<vmem_shared>> -> memref<10000x40xf32, #tpu.memory_space<vmem_shared>>
        tpu.wait_indirect_dma semaphore(%arg26 : memref<!tpu.dma_semaphore, #tpu.memory_space<semaphore_mem>>) src(%arg10 : memref<125x40xf32, #tpu.memory_space<vmem>>) dst(%dma_wait3A_320 : memref<10000x40xf32, #tpu.memory_space<vmem_shared>>)
        %add3A_321 = arith.constant 8 : i32
        %add3A_322 = arith.addi %add3A_253, %add3A_321 : i32
        %dma_start3A_323 = arith.constant 0 : i32
        %dma_start3A_324 = tpu.memref_slice %arg7[%add3A_322, %dma_start3A_323] : memref<80x125xi32, #tpu.memory_space<vmem>> -> memref<1x125xi32, #tpu.memory_space<vmem>>
        %dma_start3A_325 = tpu.memref_squeeze %dma_start3A_324 : memref<1x125xi32, #tpu.memory_space<vmem>> -> memref<125xi32, #tpu.memory_space<vmem>>
        %dma_start3A_326 = arith.constant 0 : i32
        %dma_start3A_327 = arith.constant 0 : i32
        %dma_start3A_328 = tpu.memref_slice %arg2[%dma_start3A_326, %dma_start3A_327] : memref<10000x40xf32, #tpu.memory_space<hbm>> -> memref<10000x40xf32, #tpu.memory_space<hbm>>
        tpu.enqueue_indirect_dma source(%dma_start3A_328 : memref<10000x40xf32, #tpu.memory_space<hbm>>) target(%arg10 : memref<125x40xf32, #tpu.memory_space<vmem>>) offsets(%dma_start3A_325 : memref<125xi32, #tpu.memory_space<vmem>>) semaphore(%arg18 : memref<!tpu.dma_semaphore, #tpu.memory_space<semaphore_mem>>)
      } else {
      }
      %add3A_261 = arith.constant 2 : i32
      %add3A_262 = arith.addi %mul3A_130, %add3A_261 : i32
      %add3A_263 = arith.constant 8 : i32
      %add3A_264 = arith.addi %add3A_262, %add3A_263 : i32
      %lt3A_265 = arith.constant 80 : i32
      %lt3A_266 = arith.cmpi slt, %add3A_264, %lt3A_265 : i32
      %convert_element_type3A_267 = arith.extui %lt3A_266 : i1 to i32
      %cond3A_268 = arith.constant 0 : i32
      %cond3A_269 = arith.cmpi ne, %convert_element_type3A_267, %cond3A_268 : i32
      scf.if %cond3A_269 {
        %dma_wait3A_315 = arith.constant 0 : i32
        %dma_wait3A_316 = tpu.memref_slice %arg8[%add3A_262, %dma_wait3A_315] : memref<80x125xi32, #tpu.memory_space<vmem>> -> memref<1x125xi32, #tpu.memory_space<vmem>>
        %dma_wait3A_317 = tpu.memref_squeeze %dma_wait3A_316 : memref<1x125xi32, #tpu.memory_space<vmem>> -> memref<125xi32, #tpu.memory_space<vmem>>
        %dma_wait3A_318 = arith.constant 0 : i32
        %dma_wait3A_319 = arith.constant 0 : i32
        %dma_wait3A_320 = tpu.memref_slice %arg33[%dma_wait3A_318, %dma_wait3A_319] : memref<10000x40xf32, #tpu.memory_space<vmem_shared>> -> memref<10000x40xf32, #tpu.memory_space<vmem_shared>>
        tpu.wait_indirect_dma semaphore(%arg27 : memref<!tpu.dma_semaphore, #tpu.memory_space<semaphore_mem>>) src(%arg11 : memref<125x40xf32, #tpu.memory_space<vmem>>) dst(%dma_wait3A_320 : memref<10000x40xf32, #tpu.memory_space<vmem_shared>>)
        %add3A_321 = arith.constant 8 : i32
        %add3A_322 = arith.addi %add3A_262, %add3A_321 : i32
        %dma_start3A_323 = arith.constant 0 : i32
        %dma_start3A_324 = tpu.memref_slice %arg7[%add3A_322, %dma_start3A_323] : memref<80x125xi32, #tpu.memory_space<vmem>> -> memref<1x125xi32, #tpu.memory_space<vmem>>
        %dma_start3A_325 = tpu.memref_squeeze %dma_start3A_324 : memref<1x125xi32, #tpu.memory_space<vmem>> -> memref<125xi32, #tpu.memory_space<vmem>>
        %dma_start3A_326 = arith.constant 0 : i32
        %dma_start3A_327 = arith.constant 0 : i32
        %dma_start3A_328 = tpu.memref_slice %arg2[%dma_start3A_326, %dma_start3A_327] : memref<10000x40xf32, #tpu.memory_space<hbm>> -> memref<10000x40xf32, #tpu.memory_space<hbm>>
        tpu.enqueue_indirect_dma source(%dma_start3A_328 : memref<10000x40xf32, #tpu.memory_space<hbm>>) target(%arg11 : memref<125x40xf32, #tpu.memory_space<vmem>>) offsets(%dma_start3A_325 : memref<125xi32, #tpu.memory_space<vmem>>) semaphore(%arg19 : memref<!tpu.dma_semaphore, #tpu.memory_space<semaphore_mem>>)
      } else {
      }
      %add3A_270 = arith.constant 3 : i32
      %add3A_271 = arith.addi %mul3A_130, %add3A_270 : i32
      %add3A_272 = arith.constant 8 : i32
      %add3A_273 = arith.addi %add3A_271, %add3A_272 : i32
      %lt3A_274 = arith.constant 80 : i32
      %lt3A_275 = arith.cmpi slt, %add3A_273, %lt3A_274 : i32
      %convert_element_type3A_276 = arith.extui %lt3A_275 : i1 to i32
      %cond3A_277 = arith.constant 0 : i32
      %cond3A_278 = arith.cmpi ne, %convert_element_type3A_276, %cond3A_277 : i32
      scf.if %cond3A_278 {
        %dma_wait3A_315 = arith.constant 0 : i32
        %dma_wait3A_316 = tpu.memref_slice %arg8[%add3A_271, %dma_wait3A_315] : memref<80x125xi32, #tpu.memory_space<vmem>> -> memref<1x125xi32, #tpu.memory_space<vmem>>
        %dma_wait3A_317 = tpu.memref_squeeze %dma_wait3A_316 : memref<1x125xi32, #tpu.memory_space<vmem>> -> memref<125xi32, #tpu.memory_space<vmem>>
        %dma_wait3A_318 = arith.constant 0 : i32
        %dma_wait3A_319 = arith.constant 0 : i32
        %dma_wait3A_320 = tpu.memref_slice %arg33[%dma_wait3A_318, %dma_wait3A_319] : memref<10000x40xf32, #tpu.memory_space<vmem_shared>> -> memref<10000x40xf32, #tpu.memory_space<vmem_shared>>
        tpu.wait_indirect_dma semaphore(%arg28 : memref<!tpu.dma_semaphore, #tpu.memory_space<semaphore_mem>>) src(%arg12 : memref<125x40xf32, #tpu.memory_space<vmem>>) dst(%dma_wait3A_320 : memref<10000x40xf32, #tpu.memory_space<vmem_shared>>)
        %add3A_321 = arith.constant 8 : i32
        %add3A_322 = arith.addi %add3A_271, %add3A_321 : i32
        %dma_start3A_323 = arith.constant 0 : i32
        %dma_start3A_324 = tpu.memref_slice %arg7[%add3A_322, %dma_start3A_323] : memref<80x125xi32, #tpu.memory_space<vmem>> -> memref<1x125xi32, #tpu.memory_space<vmem>>
        %dma_start3A_325 = tpu.memref_squeeze %dma_start3A_324 : memref<1x125xi32, #tpu.memory_space<vmem>> -> memref<125xi32, #tpu.memory_space<vmem>>
        %dma_start3A_326 = arith.constant 0 : i32
        %dma_start3A_327 = arith.constant 0 : i32
        %dma_start3A_328 = tpu.memref_slice %arg2[%dma_start3A_326, %dma_start3A_327] : memref<10000x40xf32, #tpu.memory_space<hbm>> -> memref<10000x40xf32, #tpu.memory_space<hbm>>
        tpu.enqueue_indirect_dma source(%dma_start3A_328 : memref<10000x40xf32, #tpu.memory_space<hbm>>) target(%arg12 : memref<125x40xf32, #tpu.memory_space<vmem>>) offsets(%dma_start3A_325 : memref<125xi32, #tpu.memory_space<vmem>>) semaphore(%arg20 : memref<!tpu.dma_semaphore, #tpu.memory_space<semaphore_mem>>)
      } else {
      }
      %add3A_279 = arith.constant 4 : i32
      %add3A_280 = arith.addi %mul3A_130, %add3A_279 : i32
      %add3A_281 = arith.constant 8 : i32
      %add3A_282 = arith.addi %add3A_280, %add3A_281 : i32
      %lt3A_283 = arith.constant 80 : i32
      %lt3A_284 = arith.cmpi slt, %add3A_282, %lt3A_283 : i32
      %convert_element_type3A_285 = arith.extui %lt3A_284 : i1 to i32
      %cond3A_286 = arith.constant 0 : i32
      %cond3A_287 = arith.cmpi ne, %convert_element_type3A_285, %cond3A_286 : i32
      scf.if %cond3A_287 {
        %dma_wait3A_315 = arith.constant 0 : i32
        %dma_wait3A_316 = tpu.memref_slice %arg8[%add3A_280, %dma_wait3A_315] : memref<80x125xi32, #tpu.memory_space<vmem>> -> memref<1x125xi32, #tpu.memory_space<vmem>>
        %dma_wait3A_317 = tpu.memref_squeeze %dma_wait3A_316 : memref<1x125xi32, #tpu.memory_space<vmem>> -> memref<125xi32, #tpu.memory_space<vmem>>
        %dma_wait3A_318 = arith.constant 0 : i32
        %dma_wait3A_319 = arith.constant 0 : i32
        %dma_wait3A_320 = tpu.memref_slice %arg33[%dma_wait3A_318, %dma_wait3A_319] : memref<10000x40xf32, #tpu.memory_space<vmem_shared>> -> memref<10000x40xf32, #tpu.memory_space<vmem_shared>>
        tpu.wait_indirect_dma semaphore(%arg29 : memref<!tpu.dma_semaphore, #tpu.memory_space<semaphore_mem>>) src(%arg13 : memref<125x40xf32, #tpu.memory_space<vmem>>) dst(%dma_wait3A_320 : memref<10000x40xf32, #tpu.memory_space<vmem_shared>>)
        %add3A_321 = arith.constant 8 : i32
        %add3A_322 = arith.addi %add3A_280, %add3A_321 : i32
        %dma_start3A_323 = arith.constant 0 : i32
        %dma_start3A_324 = tpu.memref_slice %arg7[%add3A_322, %dma_start3A_323] : memref<80x125xi32, #tpu.memory_space<vmem>> -> memref<1x125xi32, #tpu.memory_space<vmem>>
        %dma_start3A_325 = tpu.memref_squeeze %dma_start3A_324 : memref<1x125xi32, #tpu.memory_space<vmem>> -> memref<125xi32, #tpu.memory_space<vmem>>
        %dma_start3A_326 = arith.constant 0 : i32
        %dma_start3A_327 = arith.constant 0 : i32
        %dma_start3A_328 = tpu.memref_slice %arg2[%dma_start3A_326, %dma_start3A_327] : memref<10000x40xf32, #tpu.memory_space<hbm>> -> memref<10000x40xf32, #tpu.memory_space<hbm>>
        tpu.enqueue_indirect_dma source(%dma_start3A_328 : memref<10000x40xf32, #tpu.memory_space<hbm>>) target(%arg13 : memref<125x40xf32, #tpu.memory_space<vmem>>) offsets(%dma_start3A_325 : memref<125xi32, #tpu.memory_space<vmem>>) semaphore(%arg21 : memref<!tpu.dma_semaphore, #tpu.memory_space<semaphore_mem>>)
      } else {
      }
      %add3A_288 = arith.constant 5 : i32
      %add3A_289 = arith.addi %mul3A_130, %add3A_288 : i32
      %add3A_290 = arith.constant 8 : i32
      %add3A_291 = arith.addi %add3A_289, %add3A_290 : i32
      %lt3A_292 = arith.constant 80 : i32
      %lt3A_293 = arith.cmpi slt, %add3A_291, %lt3A_292 : i32
      %convert_element_type3A_294 = arith.extui %lt3A_293 : i1 to i32
      %cond3A_295 = arith.constant 0 : i32
      %cond3A_296 = arith.cmpi ne, %convert_element_type3A_294, %cond3A_295 : i32
      scf.if %cond3A_296 {
        %dma_wait3A_315 = arith.constant 0 : i32
        %dma_wait3A_316 = tpu.memref_slice %arg8[%add3A_289, %dma_wait3A_315] : memref<80x125xi32, #tpu.memory_space<vmem>> -> memref<1x125xi32, #tpu.memory_space<vmem>>
        %dma_wait3A_317 = tpu.memref_squeeze %dma_wait3A_316 : memref<1x125xi32, #tpu.memory_space<vmem>> -> memref<125xi32, #tpu.memory_space<vmem>>
        %dma_wait3A_318 = arith.constant 0 : i32
        %dma_wait3A_319 = arith.constant 0 : i32
        %dma_wait3A_320 = tpu.memref_slice %arg33[%dma_wait3A_318, %dma_wait3A_319] : memref<10000x40xf32, #tpu.memory_space<vmem_shared>> -> memref<10000x40xf32, #tpu.memory_space<vmem_shared>>
        tpu.wait_indirect_dma semaphore(%arg30 : memref<!tpu.dma_semaphore, #tpu.memory_space<semaphore_mem>>) src(%arg14 : memref<125x40xf32, #tpu.memory_space<vmem>>) dst(%dma_wait3A_320 : memref<10000x40xf32, #tpu.memory_space<vmem_shared>>)
        %add3A_321 = arith.constant 8 : i32
        %add3A_322 = arith.addi %add3A_289, %add3A_321 : i32
        %dma_start3A_323 = arith.constant 0 : i32
        %dma_start3A_324 = tpu.memref_slice %arg7[%add3A_322, %dma_start3A_323] : memref<80x125xi32, #tpu.memory_space<vmem>> -> memref<1x125xi32, #tpu.memory_space<vmem>>
        %dma_start3A_325 = tpu.memref_squeeze %dma_start3A_324 : memref<1x125xi32, #tpu.memory_space<vmem>> -> memref<125xi32, #tpu.memory_space<vmem>>
        %dma_start3A_326 = arith.constant 0 : i32
        %dma_start3A_327 = arith.constant 0 : i32
        %dma_start3A_328 = tpu.memref_slice %arg2[%dma_start3A_326, %dma_start3A_327] : memref<10000x40xf32, #tpu.memory_space<hbm>> -> memref<10000x40xf32, #tpu.memory_space<hbm>>
        tpu.enqueue_indirect_dma source(%dma_start3A_328 : memref<10000x40xf32, #tpu.memory_space<hbm>>) target(%arg14 : memref<125x40xf32, #tpu.memory_space<vmem>>) offsets(%dma_start3A_325 : memref<125xi32, #tpu.memory_space<vmem>>) semaphore(%arg22 : memref<!tpu.dma_semaphore, #tpu.memory_space<semaphore_mem>>)
      } else {
      }
      %add3A_297 = arith.constant 6 : i32
      %add3A_298 = arith.addi %mul3A_130, %add3A_297 : i32
      %add3A_299 = arith.constant 8 : i32
      %add3A_300 = arith.addi %add3A_298, %add3A_299 : i32
      %lt3A_301 = arith.constant 80 : i32
      %lt3A_302 = arith.cmpi slt, %add3A_300, %lt3A_301 : i32
      %convert_element_type3A_303 = arith.extui %lt3A_302 : i1 to i32
      %cond3A_304 = arith.constant 0 : i32
      %cond3A_305 = arith.cmpi ne, %convert_element_type3A_303, %cond3A_304 : i32
      scf.if %cond3A_305 {
        %dma_wait3A_315 = arith.constant 0 : i32
        %dma_wait3A_316 = tpu.memref_slice %arg8[%add3A_298, %dma_wait3A_315] : memref<80x125xi32, #tpu.memory_space<vmem>> -> memref<1x125xi32, #tpu.memory_space<vmem>>
        %dma_wait3A_317 = tpu.memref_squeeze %dma_wait3A_316 : memref<1x125xi32, #tpu.memory_space<vmem>> -> memref<125xi32, #tpu.memory_space<vmem>>
        %dma_wait3A_318 = arith.constant 0 : i32
        %dma_wait3A_319 = arith.constant 0 : i32
        %dma_wait3A_320 = tpu.memref_slice %arg33[%dma_wait3A_318, %dma_wait3A_319] : memref<10000x40xf32, #tpu.memory_space<vmem_shared>> -> memref<10000x40xf32, #tpu.memory_space<vmem_shared>>
        tpu.wait_indirect_dma semaphore(%arg31 : memref<!tpu.dma_semaphore, #tpu.memory_space<semaphore_mem>>) src(%arg15 : memref<125x40xf32, #tpu.memory_space<vmem>>) dst(%dma_wait3A_320 : memref<10000x40xf32, #tpu.memory_space<vmem_shared>>)
        %add3A_321 = arith.constant 8 : i32
        %add3A_322 = arith.addi %add3A_298, %add3A_321 : i32
        %dma_start3A_323 = arith.constant 0 : i32
        %dma_start3A_324 = tpu.memref_slice %arg7[%add3A_322, %dma_start3A_323] : memref<80x125xi32, #tpu.memory_space<vmem>> -> memref<1x125xi32, #tpu.memory_space<vmem>>
        %dma_start3A_325 = tpu.memref_squeeze %dma_start3A_324 : memref<1x125xi32, #tpu.memory_space<vmem>> -> memref<125xi32, #tpu.memory_space<vmem>>
        %dma_start3A_326 = arith.constant 0 : i32
        %dma_start3A_327 = arith.constant 0 : i32
        %dma_start3A_328 = tpu.memref_slice %arg2[%dma_start3A_326, %dma_start3A_327] : memref<10000x40xf32, #tpu.memory_space<hbm>> -> memref<10000x40xf32, #tpu.memory_space<hbm>>
        tpu.enqueue_indirect_dma source(%dma_start3A_328 : memref<10000x40xf32, #tpu.memory_space<hbm>>) target(%arg15 : memref<125x40xf32, #tpu.memory_space<vmem>>) offsets(%dma_start3A_325 : memref<125xi32, #tpu.memory_space<vmem>>) semaphore(%arg23 : memref<!tpu.dma_semaphore, #tpu.memory_space<semaphore_mem>>)
      } else {
      }
      %add3A_306 = arith.constant 7 : i32
      %add3A_307 = arith.addi %mul3A_130, %add3A_306 : i32
      %add3A_308 = arith.constant 8 : i32
      %add3A_309 = arith.addi %add3A_307, %add3A_308 : i32
      %lt3A_310 = arith.constant 80 : i32
      %lt3A_311 = arith.cmpi slt, %add3A_309, %lt3A_310 : i32
      %convert_element_type3A_312 = arith.extui %lt3A_311 : i1 to i32
      %cond3A_313 = arith.constant 0 : i32
      %cond3A_314 = arith.cmpi ne, %convert_element_type3A_312, %cond3A_313 : i32
      scf.if %cond3A_314 {
        %dma_wait3A_315 = arith.constant 0 : i32
        %dma_wait3A_316 = tpu.memref_slice %arg8[%add3A_307, %dma_wait3A_315] : memref<80x125xi32, #tpu.memory_space<vmem>> -> memref<1x125xi32, #tpu.memory_space<vmem>>
        %dma_wait3A_317 = tpu.memref_squeeze %dma_wait3A_316 : memref<1x125xi32, #tpu.memory_space<vmem>> -> memref<125xi32, #tpu.memory_space<vmem>>
        %dma_wait3A_318 = arith.constant 0 : i32
        %dma_wait3A_319 = arith.constant 0 : i32
        %dma_wait3A_320 = tpu.memref_slice %arg33[%dma_wait3A_318, %dma_wait3A_319] : memref<10000x40xf32, #tpu.memory_space<vmem_shared>> -> memref<10000x40xf32, #tpu.memory_space<vmem_shared>>
        tpu.wait_indirect_dma semaphore(%arg32 : memref<!tpu.dma_semaphore, #tpu.memory_space<semaphore_mem>>) src(%arg16 : memref<125x40xf32, #tpu.memory_space<vmem>>) dst(%dma_wait3A_320 : memref<10000x40xf32, #tpu.memory_space<vmem_shared>>)
        %add3A_321 = arith.constant 8 : i32
        %add3A_322 = arith.addi %add3A_307, %add3A_321 : i32
        %dma_start3A_323 = arith.constant 0 : i32
        %dma_start3A_324 = tpu.memref_slice %arg7[%add3A_322, %dma_start3A_323] : memref<80x125xi32, #tpu.memory_space<vmem>> -> memref<1x125xi32, #tpu.memory_space<vmem>>
        %dma_start3A_325 = tpu.memref_squeeze %dma_start3A_324 : memref<1x125xi32, #tpu.memory_space<vmem>> -> memref<125xi32, #tpu.memory_space<vmem>>
        %dma_start3A_326 = arith.constant 0 : i32
        %dma_start3A_327 = arith.constant 0 : i32
        %dma_start3A_328 = tpu.memref_slice %arg2[%dma_start3A_326, %dma_start3A_327] : memref<10000x40xf32, #tpu.memory_space<hbm>> -> memref<10000x40xf32, #tpu.memory_space<hbm>>
        tpu.enqueue_indirect_dma source(%dma_start3A_328 : memref<10000x40xf32, #tpu.memory_space<hbm>>) target(%arg16 : memref<125x40xf32, #tpu.memory_space<vmem>>) offsets(%dma_start3A_325 : memref<125xi32, #tpu.memory_space<vmem>>) semaphore(%arg24 : memref<!tpu.dma_semaphore, #tpu.memory_space<semaphore_mem>>)
      } else {
      }
    }
    %scan3A_66 = arith.constant 10 : i32
    %dma_wait3A = arith.constant 72 : i32
    %dma_wait3A_67 = arith.constant 0 : i32
    %dma_wait3A_68 = tpu.memref_slice %arg8[%dma_wait3A, %dma_wait3A_67] : memref<80x125xi32, #tpu.memory_space<vmem>> -> memref<1x125xi32, #tpu.memory_space<vmem>>
    %dma_wait3A_69 = tpu.memref_squeeze %dma_wait3A_68 : memref<1x125xi32, #tpu.memory_space<vmem>> -> memref<125xi32, #tpu.memory_space<vmem>>
    %dma_wait3A_70 = arith.constant 0 : i32
    %dma_wait3A_71 = arith.constant 0 : i32
    %dma_wait3A_72 = tpu.memref_slice %arg33[%dma_wait3A_70, %dma_wait3A_71] : memref<10000x40xf32, #tpu.memory_space<vmem_shared>> -> memref<10000x40xf32, #tpu.memory_space<vmem_shared>>
    tpu.wait_indirect_dma semaphore(%arg25 : memref<!tpu.dma_semaphore, #tpu.memory_space<semaphore_mem>>) src(%arg9 : memref<125x40xf32, #tpu.memory_space<vmem>>) dst(%dma_wait3A_72 : memref<10000x40xf32, #tpu.memory_space<vmem_shared>>)
    %dma_wait3A_73 = arith.constant 73 : i32
    %dma_wait3A_74 = arith.constant 0 : i32
    %dma_wait3A_75 = tpu.memref_slice %arg8[%dma_wait3A_73, %dma_wait3A_74] : memref<80x125xi32, #tpu.memory_space<vmem>> -> memref<1x125xi32, #tpu.memory_space<vmem>>
    %dma_wait3A_76 = tpu.memref_squeeze %dma_wait3A_75 : memref<1x125xi32, #tpu.memory_space<vmem>> -> memref<125xi32, #tpu.memory_space<vmem>>
    %dma_wait3A_77 = arith.constant 0 : i32
    %dma_wait3A_78 = arith.constant 0 : i32
    %dma_wait3A_79 = tpu.memref_slice %arg33[%dma_wait3A_77, %dma_wait3A_78] : memref<10000x40xf32, #tpu.memory_space<vmem_shared>> -> memref<10000x40xf32, #tpu.memory_space<vmem_shared>>
    tpu.wait_indirect_dma semaphore(%arg26 : memref<!tpu.dma_semaphore, #tpu.memory_space<semaphore_mem>>) src(%arg10 : memref<125x40xf32, #tpu.memory_space<vmem>>) dst(%dma_wait3A_79 : memref<10000x40xf32, #tpu.memory_space<vmem_shared>>)
    %dma_wait3A_80 = arith.constant 74 : i32
    %dma_wait3A_81 = arith.constant 0 : i32
    %dma_wait3A_82 = tpu.memref_slice %arg8[%dma_wait3A_80, %dma_wait3A_81] : memref<80x125xi32, #tpu.memory_space<vmem>> -> memref<1x125xi32, #tpu.memory_space<vmem>>
    %dma_wait3A_83 = tpu.memref_squeeze %dma_wait3A_82 : memref<1x125xi32, #tpu.memory_space<vmem>> -> memref<125xi32, #tpu.memory_space<vmem>>
    %dma_wait3A_84 = arith.constant 0 : i32
    %dma_wait3A_85 = arith.constant 0 : i32
    %dma_wait3A_86 = tpu.memref_slice %arg33[%dma_wait3A_84, %dma_wait3A_85] : memref<10000x40xf32, #tpu.memory_space<vmem_shared>> -> memref<10000x40xf32, #tpu.memory_space<vmem_shared>>
    tpu.wait_indirect_dma semaphore(%arg27 : memref<!tpu.dma_semaphore, #tpu.memory_space<semaphore_mem>>) src(%arg11 : memref<125x40xf32, #tpu.memory_space<vmem>>) dst(%dma_wait3A_86 : memref<10000x40xf32, #tpu.memory_space<vmem_shared>>)
    %dma_wait3A_87 = arith.constant 75 : i32
    %dma_wait3A_88 = arith.constant 0 : i32
    %dma_wait3A_89 = tpu.memref_slice %arg8[%dma_wait3A_87, %dma_wait3A_88] : memref<80x125xi32, #tpu.memory_space<vmem>> -> memref<1x125xi32, #tpu.memory_space<vmem>>
    %dma_wait3A_90 = tpu.memref_squeeze %dma_wait3A_89 : memref<1x125xi32, #tpu.memory_space<vmem>> -> memref<125xi32, #tpu.memory_space<vmem>>
    %dma_wait3A_91 = arith.constant 0 : i32
    %dma_wait3A_92 = arith.constant 0 : i32
    %dma_wait3A_93 = tpu.memref_slice %arg33[%dma_wait3A_91, %dma_wait3A_92] : memref<10000x40xf32, #tpu.memory_space<vmem_shared>> -> memref<10000x40xf32, #tpu.memory_space<vmem_shared>>
    tpu.wait_indirect_dma semaphore(%arg28 : memref<!tpu.dma_semaphore, #tpu.memory_space<semaphore_mem>>) src(%arg12 : memref<125x40xf32, #tpu.memory_space<vmem>>) dst(%dma_wait3A_93 : memref<10000x40xf32, #tpu.memory_space<vmem_shared>>)
    %dma_wait3A_94 = arith.constant 76 : i32
    %dma_wait3A_95 = arith.constant 0 : i32
    %dma_wait3A_96 = tpu.memref_slice %arg8[%dma_wait3A_94, %dma_wait3A_95] : memref<80x125xi32, #tpu.memory_space<vmem>> -> memref<1x125xi32, #tpu.memory_space<vmem>>
    %dma_wait3A_97 = tpu.memref_squeeze %dma_wait3A_96 : memref<1x125xi32, #tpu.memory_space<vmem>> -> memref<125xi32, #tpu.memory_space<vmem>>
    %dma_wait3A_98 = arith.constant 0 : i32
    %dma_wait3A_99 = arith.constant 0 : i32
    %dma_wait3A_100 = tpu.memref_slice %arg33[%dma_wait3A_98, %dma_wait3A_99] : memref<10000x40xf32, #tpu.memory_space<vmem_shared>> -> memref<10000x40xf32, #tpu.memory_space<vmem_shared>>
    tpu.wait_indirect_dma semaphore(%arg29 : memref<!tpu.dma_semaphore, #tpu.memory_space<semaphore_mem>>) src(%arg13 : memref<125x40xf32, #tpu.memory_space<vmem>>) dst(%dma_wait3A_100 : memref<10000x40xf32, #tpu.memory_space<vmem_shared>>)
    %dma_wait3A_101 = arith.constant 77 : i32
    %dma_wait3A_102 = arith.constant 0 : i32
    %dma_wait3A_103 = tpu.memref_slice %arg8[%dma_wait3A_101, %dma_wait3A_102] : memref<80x125xi32, #tpu.memory_space<vmem>> -> memref<1x125xi32, #tpu.memory_space<vmem>>
    %dma_wait3A_104 = tpu.memref_squeeze %dma_wait3A_103 : memref<1x125xi32, #tpu.memory_space<vmem>> -> memref<125xi32, #tpu.memory_space<vmem>>
    %dma_wait3A_105 = arith.constant 0 : i32
    %dma_wait3A_106 = arith.constant 0 : i32
    %dma_wait3A_107 = tpu.memref_slice %arg33[%dma_wait3A_105, %dma_wait3A_106] : memref<10000x40xf32, #tpu.memory_space<vmem_shared>> -> memref<10000x40xf32, #tpu.memory_space<vmem_shared>>
    tpu.wait_indirect_dma semaphore(%arg30 : memref<!tpu.dma_semaphore, #tpu.memory_space<semaphore_mem>>) src(%arg14 : memref<125x40xf32, #tpu.memory_space<vmem>>) dst(%dma_wait3A_107 : memref<10000x40xf32, #tpu.memory_space<vmem_shared>>)
    %dma_wait3A_108 = arith.constant 78 : i32
    %dma_wait3A_109 = arith.constant 0 : i32
    %dma_wait3A_110 = tpu.memref_slice %arg8[%dma_wait3A_108, %dma_wait3A_109] : memref<80x125xi32, #tpu.memory_space<vmem>> -> memref<1x125xi32, #tpu.memory_space<vmem>>
    %dma_wait3A_111 = tpu.memref_squeeze %dma_wait3A_110 : memref<1x125xi32, #tpu.memory_space<vmem>> -> memref<125xi32, #tpu.memory_space<vmem>>
    %dma_wait3A_112 = arith.constant 0 : i32
    %dma_wait3A_113 = arith.constant 0 : i32
    %dma_wait3A_114 = tpu.memref_slice %arg33[%dma_wait3A_112, %dma_wait3A_113] : memref<10000x40xf32, #tpu.memory_space<vmem_shared>> -> memref<10000x40xf32, #tpu.memory_space<vmem_shared>>
    tpu.wait_indirect_dma semaphore(%arg31 : memref<!tpu.dma_semaphore, #tpu.memory_space<semaphore_mem>>) src(%arg15 : memref<125x40xf32, #tpu.memory_space<vmem>>) dst(%dma_wait3A_114 : memref<10000x40xf32, #tpu.memory_space<vmem_shared>>)
    %dma_wait3A_115 = arith.constant 79 : i32
    %dma_wait3A_116 = arith.constant 0 : i32
    %dma_wait3A_117 = tpu.memref_slice %arg8[%dma_wait3A_115, %dma_wait3A_116] : memref<80x125xi32, #tpu.memory_space<vmem>> -> memref<1x125xi32, #tpu.memory_space<vmem>>
    %dma_wait3A_118 = tpu.memref_squeeze %dma_wait3A_117 : memref<1x125xi32, #tpu.memory_space<vmem>> -> memref<125xi32, #tpu.memory_space<vmem>>
    %dma_wait3A_119 = arith.constant 0 : i32
    %dma_wait3A_120 = arith.constant 0 : i32
    %dma_wait3A_121 = tpu.memref_slice %arg33[%dma_wait3A_119, %dma_wait3A_120] : memref<10000x40xf32, #tpu.memory_space<vmem_shared>> -> memref<10000x40xf32, #tpu.memory_space<vmem_shared>>
    tpu.wait_indirect_dma semaphore(%arg32 : memref<!tpu.dma_semaphore, #tpu.memory_space<semaphore_mem>>) src(%arg16 : memref<125x40xf32, #tpu.memory_space<vmem>>) dst(%dma_wait3A_121 : memref<10000x40xf32, #tpu.memory_space<vmem_shared>>)
    %barrier3A_122 = arith.constant 0 : index
    tpu.barrier barrier_id(%barrier3A_122)
    %lt3A_123 = arith.constant 10 : i32
    %lt3A_124 = arith.cmpi slt, %arg1, %lt3A_123 : i32
    %convert_element_type3A_125 = arith.extui %lt3A_124 : i1 to i32
    %cond3A_126 = arith.constant 0 : i32
    %cond3A_127 = arith.cmpi ne, %convert_element_type3A_125, %cond3A_126 : i32
    scf.if %cond3A_127 {
      %mul3A_128 = arith.constant 1000 : i32
      %mul3A_129 = arith.muli %arg1, %mul3A_128 : i32
      %mul3A_130 = arith.constant 1000 : i32
      %mul3A_131 = arith.muli %arg1, %mul3A_130 : i32
      "tpu.region"() ({
        %run_scoped3A = tpu.sem_alloc : memref<!tpu.dma_semaphore, #tpu.memory_space<semaphore_mem>>
        %dma_start3A_132 = arith.constant 0 : i32
        %dma_start3A_133 = arith.constant 0 : i32
        %dma_start3A_134 = tpu.memref_slice %arg6[%arg0, %dma_start3A_132, %dma_start3A_133] : memref<2x10000x40xf32, #tpu.memory_space<hbm>> -> memref<1x10000x40xf32, #tpu.memory_space<hbm>>
        %dma_start3A_135 = tpu.memref_squeeze %dma_start3A_134 : memref<1x10000x40xf32, #tpu.memory_space<hbm>> -> memref<10000x40xf32, #tpu.memory_space<hbm>>
        %dma_start3A_136 = arith.constant 0 : i32
        %dma_start3A_137 = tpu.memref_slice %dma_start3A_135[%mul3A_131, %dma_start3A_136] : memref<10000x40xf32, #tpu.memory_space<hbm>> -> memref<1000x40xf32, #tpu.memory_space<hbm>>
        %dma_start3A_138 = arith.constant 0 : i32
        %dma_start3A_139 = tpu.memref_slice %arg33[%mul3A_129, %dma_start3A_138] : memref<10000x40xf32, #tpu.memory_space<vmem_shared>> -> memref<1000x40xf32, #tpu.memory_space<vmem_shared>>
        tpu.enqueue_dma source(%dma_start3A_139 : memref<1000x40xf32, #tpu.memory_space<vmem_shared>>) target(%dma_start3A_137 : memref<1000x40xf32, #tpu.memory_space<hbm>>) target_semaphore(%run_scoped3A : memref<!tpu.dma_semaphore, #tpu.memory_space<semaphore_mem>>)
        %dma_wait3A_140 = arith.constant 0 : i32
        %dma_wait3A_141 = arith.constant 0 : i32
        %dma_wait3A_142 = tpu.memref_slice %arg6[%arg0, %dma_wait3A_140, %dma_wait3A_141] : memref<2x10000x40xf32, #tpu.memory_space<hbm>> -> memref<1x10000x40xf32, #tpu.memory_space<hbm>>
        %dma_wait3A_143 = tpu.memref_squeeze %dma_wait3A_142 : memref<1x10000x40xf32, #tpu.memory_space<hbm>> -> memref<10000x40xf32, #tpu.memory_space<hbm>>
        %dma_wait3A_144 = arith.constant 0 : i32
        %dma_wait3A_145 = tpu.memref_slice %dma_wait3A_143[%mul3A_131, %dma_wait3A_144] : memref<10000x40xf32, #tpu.memory_space<hbm>> -> memref<1000x40xf32, #tpu.memory_space<hbm>>
        %dma_wait3A_146 = arith.constant 0 : i32
        %dma_wait3A_147 = tpu.memref_slice %arg33[%mul3A_129, %dma_wait3A_146] : memref<10000x40xf32, #tpu.memory_space<vmem_shared>> -> memref<1000x40xf32, #tpu.memory_space<vmem_shared>>
        tpu.wait_dma2 semaphore(%run_scoped3A : memref<!tpu.dma_semaphore, #tpu.memory_space<semaphore_mem>>) src(%dma_wait3A_147 : memref<1000x40xf32, #tpu.memory_space<vmem_shared>>) dst(%dma_wait3A_145 : memref<1000x40xf32, #tpu.memory_space<hbm>>)
        tpu.yield
      }) : () -> ()
    } else {
    }
    return
  }
}

module attributes {stable_mosaic.version = 14 : i64} {
  func.func @body(%arg0: memref<10000x128xf32, #tpu.memory_space<vmem>>, %arg1: memref<128x16xf32, #tpu.memory_space<vmem>>, %arg2: memref<10000x16xf32, #tpu.memory_space<vmem>>) attributes {dimension_semantics = [], scalar_prefetch = 0 : i64, scratch_operands = 0 : i64, tpu.core_type = #tpu.core_type<tc>} {
    %get3A = arith.constant 0 : index
    %get3A_0 = arith.constant 0 : index
    %get3A_1 = vector.load %arg0[%get3A, %get3A_0] : memref<10000x128xf32, #tpu.memory_space<vmem>>, vector<10000x128xf32>
    %get3A_2 = arith.constant 0 : index
    %get3A_3 = arith.constant 0 : index
    %get3A_4 = vector.load %arg1[%get3A_2, %get3A_3] : memref<128x16xf32, #tpu.memory_space<vmem>>, vector<128x16xf32>
    %dot_general3A = arith.constant dense<0.000000e+00> : vector<10000x16xf32>
    %dot_general3A_5 = tpu.matmul %get3A_1, %get3A_4, %dot_general3A {dimension_numbers = #tpu.dot_dimension_numbers<[1], [0], [0], [1], [0, 0, 1, 1], [], []>, transpose_lhs_hint = false} : vector<10000x128xf32>, vector<128x16xf32>, vector<10000x16xf32> -> vector<10000x16xf32>
    %swap3A = arith.constant 0 : index
    %swap3A_6 = arith.constant 0 : index
    %swap3A_7 = vector.load %arg2[%swap3A, %swap3A_6] : memref<10000x16xf32, #tpu.memory_space<vmem>>, vector<10000x16xf32>
    tpu.vector_store %arg2[%swap3A, %swap3A_6], %dot_general3A_5 {strides = array<i32>} : memref<10000x16xf32, #tpu.memory_space<vmem>>, vector<10000x16xf32>,
    return
  }
}

module attributes {stable_mosaic.version = 14 : i64} {
  func.func @body(%arg0: memref<10000x16xf32, #tpu.memory_space<vmem>>, %arg1: memref<2x10000x16xf32, #tpu.memory_space<vmem>>, %arg2: memref<10000x16xf32, #tpu.memory_space<vmem>>) attributes {dimension_semantics = [], scalar_prefetch = 0 : i64, scratch_operands = 0 : i64, tpu.core_type = #tpu.core_type<tc>} {
    %get3A = arith.constant 0 : index
    %get3A_0 = arith.constant 0 : index
    %get3A_1 = vector.load %arg0[%get3A, %get3A_0] : memref<10000x16xf32, #tpu.memory_space<vmem>>, vector<10000x16xf32>
    %get3A_2 = arith.constant 0 : index
    %get3A_3 = arith.constant 0 : index
    %get3A_4 = arith.constant 0 : index
    %get3A_5 = vector.load %arg1[%get3A_2, %get3A_3, %get3A_4] : memref<2x10000x16xf32, #tpu.memory_space<vmem>>, vector<1x10000x16xf32>
    %get3A_6 = vector.shape_cast %get3A_5 : vector<1x10000x16xf32> to vector<10000x16xf32>
    %get3A_7 = arith.constant 1 : index
    %get3A_8 = arith.constant 0 : index
    %get3A_9 = arith.constant 0 : index
    %get3A_10 = vector.load %arg1[%get3A_7, %get3A_8, %get3A_9] : memref<2x10000x16xf32, #tpu.memory_space<vmem>>, vector<1x10000x16xf32>
    %get3A_11 = vector.shape_cast %get3A_10 : vector<1x10000x16xf32> to vector<10000x16xf32>
    %add3A = arith.addf %get3A_6, %get3A_11 : vector<10000x16xf32>
    %add3A_12 = arith.constant 1.000000e+00 : f32
    %add3A_13 = vector.broadcast %add3A_12 : f32 to vector<10000x16xf32>
    %add3A_14 = arith.addf %add3A, %add3A_13 : vector<10000x16xf32>
    %rsqrt3A = math.rsqrt %add3A_14 : vector<10000x16xf32>
    %mul3A = arith.mulf %get3A_1, %rsqrt3A : vector<10000x16xf32>
    %swap3A = arith.constant 0 : index
    %swap3A_15 = arith.constant 0 : index
    %swap3A_16 = vector.load %arg2[%swap3A, %swap3A_15] : memref<10000x16xf32, #tpu.memory_space<vmem>>, vector<10000x16xf32>
    tpu.vector_store %arg2[%swap3A, %swap3A_15], %mul3A {strides = array<i32>} : memref<10000x16xf32, #tpu.memory_space<vmem>>, vector<10000x16xf32>,
    return
  }
}

module attributes {stable_mosaic.version = 14 : i64} {
  func.func @body(%arg0: memref<2x10000x16xf32, #tpu.memory_space<vmem>>, %arg1: memref<10000x16xf32, #tpu.memory_space<vmem>>, %arg2: memref<2x10000x16xf32, #tpu.memory_space<vmem>>, %arg3: memref<16x40xf32, #tpu.memory_space<vmem>>, %arg4: memref<1x16xf32, #tpu.memory_space<vmem>>, %arg5: memref<10000x40xf32, #tpu.memory_space<vmem>>) attributes {dimension_semantics = [], scalar_prefetch = 0 : i64, scratch_operands = 0 : i64, tpu.core_type = #tpu.core_type<tc>} {
    %get3A = arith.constant 0 : index
    %get3A_0 = arith.constant 0 : index
    %get3A_1 = arith.constant 0 : index
    %get3A_2 = vector.load %arg2[%get3A, %get3A_0, %get3A_1] : memref<2x10000x16xf32, #tpu.memory_space<vmem>>, vector<1x10000x16xf32>
    %get3A_3 = vector.shape_cast %get3A_2 : vector<1x10000x16xf32> to vector<10000x16xf32>
    %get3A_4 = arith.constant 1 : index
    %get3A_5 = arith.constant 0 : index
    %get3A_6 = arith.constant 0 : index
    %get3A_7 = vector.load %arg2[%get3A_4, %get3A_5, %get3A_6] : memref<2x10000x16xf32, #tpu.memory_space<vmem>>, vector<1x10000x16xf32>
    %get3A_8 = vector.shape_cast %get3A_7 : vector<1x10000x16xf32> to vector<10000x16xf32>
    %add3A = arith.addf %get3A_3, %get3A_8 : vector<10000x16xf32>
    %add3A_9 = arith.constant 1.000000e+00 : f32
    %add3A_10 = vector.broadcast %add3A_9 : f32 to vector<10000x16xf32>
    %add3A_11 = arith.addf %add3A, %add3A_10 : vector<10000x16xf32>
    %rsqrt3A = math.rsqrt %add3A_11 : vector<10000x16xf32>
    %get3A_12 = arith.constant 0 : index
    %get3A_13 = arith.constant 0 : index
    %get3A_14 = arith.constant 0 : index
    %get3A_15 = vector.load %arg0[%get3A_12, %get3A_13, %get3A_14] : memref<2x10000x16xf32, #tpu.memory_space<vmem>>, vector<1x10000x16xf32>
    %get3A_16 = vector.shape_cast %get3A_15 : vector<1x10000x16xf32> to vector<10000x16xf32>
    %get3A_17 = arith.constant 1 : index
    %get3A_18 = arith.constant 0 : index
    %get3A_19 = arith.constant 0 : index
    %get3A_20 = vector.load %arg0[%get3A_17, %get3A_18, %get3A_19] : memref<2x10000x16xf32, #tpu.memory_space<vmem>>, vector<1x10000x16xf32>
    %get3A_21 = vector.shape_cast %get3A_20 : vector<1x10000x16xf32> to vector<10000x16xf32>
    %add3A_22 = arith.addf %get3A_16, %get3A_21 : vector<10000x16xf32>
    %get3A_23 = arith.constant 0 : index
    %get3A_24 = arith.constant 0 : index
    %get3A_25 = vector.load %arg1[%get3A_23, %get3A_24] : memref<10000x16xf32, #tpu.memory_space<vmem>>, vector<10000x16xf32>
    %add3A_26 = arith.addf %add3A_22, %get3A_25 : vector<10000x16xf32>
    %mul3A = arith.mulf %add3A_26, %rsqrt3A : vector<10000x16xf32>
    %get3A_27 = arith.constant 0 : index
    %get3A_28 = arith.constant 0 : index
    %get3A_29 = vector.load %arg4[%get3A_27, %get3A_28] : memref<1x16xf32, #tpu.memory_space<vmem>>, vector<1x16xf32>
    %add3A_30 = vector.broadcast %get3A_29 : vector<1x16xf32> to vector<10000x16xf32>
    %add3A_31 = arith.addf %mul3A, %add3A_30 : vector<10000x16xf32>
    %gt3A = arith.constant 0.000000e+00 : f32
    %gt3A_32 = vector.broadcast %gt3A : f32 to vector<10000x16xf32>
    %gt3A_33 = arith.cmpf ogt, %add3A_31, %gt3A_32 : vector<10000x16xf32>
    %min3A = arith.constant 0.000000e+00 : f32
    %min3A_34 = vector.broadcast %min3A : f32 to vector<10000x16xf32>
    %min3A_35 = arith.minimumf %add3A_31, %min3A_34 : vector<10000x16xf32>
    %exp3A = math.exp %min3A_35 : vector<10000x16xf32>
    %sub3A = arith.constant 1.000000e+00 : f32
    %sub3A_36 = vector.broadcast %sub3A : f32 to vector<10000x16xf32>
    %sub3A_37 = arith.subf %exp3A, %sub3A_36 : vector<10000x16xf32>
    %select_n3A = arith.select %gt3A_33, %add3A_31, %sub3A_37 : vector<10000x16xi1>, vector<10000x16xf32>
    %get3A_38 = arith.constant 0 : index
    %get3A_39 = arith.constant 0 : index
    %get3A_40 = vector.load %arg3[%get3A_38, %get3A_39] : memref<16x40xf32, #tpu.memory_space<vmem>>, vector<16x40xf32>
    %dot_general3A = arith.constant dense<0.000000e+00> : vector<10000x40xf32>
    %dot_general3A_41 = tpu.matmul %select_n3A, %get3A_40, %dot_general3A {dimension_numbers = #tpu.dot_dimension_numbers<[1], [0], [0], [1], [0, 0, 1, 1], [], []>, transpose_lhs_hint = false} : vector<10000x16xf32>, vector<16x40xf32>, vector<10000x40xf32> -> vector<10000x40xf32>
    %slice3A = vector.extract_strided_slice %rsqrt3A {offsets = [0, 0], sizes = [10000, 1], strides = [1, 1]} : vector<10000x16xf32> to vector<10000x1xf32>
    %mul3A_42 = vector.broadcast %slice3A : vector<10000x1xf32> to vector<10000x40xf32>
    %mul3A_43 = arith.mulf %dot_general3A_41, %mul3A_42 : vector<10000x40xf32>
    %swap3A = arith.constant 0 : index
    %swap3A_44 = arith.constant 0 : index
    %swap3A_45 = vector.load %arg5[%swap3A, %swap3A_44] : memref<10000x40xf32, #tpu.memory_space<vmem>>, vector<10000x40xf32>
    tpu.vector_store %arg5[%swap3A, %swap3A_44], %mul3A_43 {strides = array<i32>} : memref<10000x40xf32, #tpu.memory_space<vmem>>, vector<10000x40xf32>,
    return
  }
}

module attributes {stable_mosaic.version = 14 : i64} {
  func.func @body(%arg0: memref<2x10000x40xf32, #tpu.memory_space<vmem>>, %arg1: memref<10000x40xf32, #tpu.memory_space<vmem>>, %arg2: memref<2x10000x16xf32, #tpu.memory_space<vmem>>, %arg3: memref<1x40xf32, #tpu.memory_space<vmem>>, %arg4: memref<10000x40xf32, #tpu.memory_space<vmem>>) attributes {dimension_semantics = [], scalar_prefetch = 0 : i64, scratch_operands = 0 : i64, tpu.core_type = #tpu.core_type<tc>} {
    %get3A = arith.constant 0 : index
    %get3A_0 = arith.constant 0 : index
    %get3A_1 = arith.constant 0 : index
    %get3A_2 = vector.load %arg2[%get3A, %get3A_0, %get3A_1] : memref<2x10000x16xf32, #tpu.memory_space<vmem>>, vector<1x10000x16xf32>
    %get3A_3 = vector.shape_cast %get3A_2 : vector<1x10000x16xf32> to vector<10000x16xf32>
    %get3A_4 = arith.constant 1 : index
    %get3A_5 = arith.constant 0 : index
    %get3A_6 = arith.constant 0 : index
    %get3A_7 = vector.load %arg2[%get3A_4, %get3A_5, %get3A_6] : memref<2x10000x16xf32, #tpu.memory_space<vmem>>, vector<1x10000x16xf32>
    %get3A_8 = vector.shape_cast %get3A_7 : vector<1x10000x16xf32> to vector<10000x16xf32>
    %add3A = arith.addf %get3A_3, %get3A_8 : vector<10000x16xf32>
    %add3A_9 = arith.constant 1.000000e+00 : f32
    %add3A_10 = vector.broadcast %add3A_9 : f32 to vector<10000x16xf32>
    %add3A_11 = arith.addf %add3A, %add3A_10 : vector<10000x16xf32>
    %rsqrt3A = math.rsqrt %add3A_11 : vector<10000x16xf32>
    %get3A_12 = arith.constant 0 : index
    %get3A_13 = arith.constant 0 : index
    %get3A_14 = arith.constant 0 : index
    %get3A_15 = vector.load %arg0[%get3A_12, %get3A_13, %get3A_14] : memref<2x10000x40xf32, #tpu.memory_space<vmem>>, vector<1x10000x40xf32>
    %get3A_16 = vector.shape_cast %get3A_15 : vector<1x10000x40xf32> to vector<10000x40xf32>
    %get3A_17 = arith.constant 1 : index
    %get3A_18 = arith.constant 0 : index
    %get3A_19 = arith.constant 0 : index
    %get3A_20 = vector.load %arg0[%get3A_17, %get3A_18, %get3A_19] : memref<2x10000x40xf32, #tpu.memory_space<vmem>>, vector<1x10000x40xf32>
    %get3A_21 = vector.shape_cast %get3A_20 : vector<1x10000x40xf32> to vector<10000x40xf32>
    %add3A_22 = arith.addf %get3A_16, %get3A_21 : vector<10000x40xf32>
    %get3A_23 = arith.constant 0 : index
    %get3A_24 = arith.constant 0 : index
    %get3A_25 = vector.load %arg1[%get3A_23, %get3A_24] : memref<10000x40xf32, #tpu.memory_space<vmem>>, vector<10000x40xf32>
    %add3A_26 = arith.addf %add3A_22, %get3A_25 : vector<10000x40xf32>
    %slice3A = vector.extract_strided_slice %rsqrt3A {offsets = [0, 0], sizes = [10000, 1], strides = [1, 1]} : vector<10000x16xf32> to vector<10000x1xf32>
    %mul3A = vector.broadcast %slice3A : vector<10000x1xf32> to vector<10000x40xf32>
    %mul3A_27 = arith.mulf %add3A_26, %mul3A : vector<10000x40xf32>
    %get3A_28 = arith.constant 0 : index
    %get3A_29 = arith.constant 0 : index
    %get3A_30 = vector.load %arg3[%get3A_28, %get3A_29] : memref<1x40xf32, #tpu.memory_space<vmem>>, vector<1x40xf32>
    %add3A_31 = vector.broadcast %get3A_30 : vector<1x40xf32> to vector<10000x40xf32>
    %add3A_32 = arith.addf %mul3A_27, %add3A_31 : vector<10000x40xf32>
    %iota3A = tpu.iota {dimensions = array<i32: 1>} : vector<10000x40xi32>
    %lt3A = arith.constant 40 : i32
    %lt3A_33 = vector.broadcast %lt3A : i32 to vector<10000x40xi32>
    %lt3A_34 = arith.cmpi slt, %iota3A, %lt3A_33 : vector<10000x40xi32>
    %jit3A = arith.constant -1.000000e+30 : f32
    %broadcast_in_dim3A = vector.broadcast %jit3A : f32 to vector<10000x40xf32>
    %select_n3A = arith.select %lt3A_34, %add3A_32, %broadcast_in_dim3A : vector<10000x40xi1>, vector<10000x40xf32>
    %reduce_max3A = arith.constant dense<0xFF800000> : vector<10000xf32>
    %reduce_max3A_35 = vector.multi_reduction <maximumf>, %select_n3A, %reduce_max3A [1] : vector<10000x40xf32> to vector<10000xf32>
    %broadcast_in_dim3A_36 = vector.shape_cast %reduce_max3A_35 : vector<10000xf32> to vector<10000x1xf32>
    %sub3A = vector.broadcast %broadcast_in_dim3A_36 : vector<10000x1xf32> to vector<10000x40xf32>
    %sub3A_37 = arith.subf %select_n3A, %sub3A : vector<10000x40xf32>
    %exp3A = math.exp %sub3A_37 : vector<10000x40xf32>
    %reduce_sum3A = arith.constant dense<0.000000e+00> : vector<10000xf32>
    %reduce_sum3A_38 = vector.multi_reduction <add>, %exp3A, %reduce_sum3A [1] : vector<10000x40xf32> to vector<10000xf32>
    %broadcast_in_dim3A_39 = vector.shape_cast %reduce_sum3A_38 : vector<10000xf32> to vector<10000x1xf32>
    %log3A = math.log %broadcast_in_dim3A_39 : vector<10000x1xf32>
    %sub3A_40 = vector.broadcast %broadcast_in_dim3A_36 : vector<10000x1xf32> to vector<10000x40xf32>
    %sub3A_41 = arith.subf %add3A_32, %sub3A_40 : vector<10000x40xf32>
    %sub3A_42 = vector.broadcast %log3A : vector<10000x1xf32> to vector<10000x40xf32>
    %sub3A_43 = arith.subf %sub3A_41, %sub3A_42 : vector<10000x40xf32>
    %swap3A = arith.constant 0 : index
    %swap3A_44 = arith.constant 0 : index
    %swap3A_45 = vector.load %arg4[%swap3A, %swap3A_44] : memref<10000x40xf32, #tpu.memory_space<vmem>>, vector<10000x40xf32>
    tpu.vector_store %arg4[%swap3A, %swap3A_44], %sub3A_43 {strides = array<i32>} : memref<10000x40xf32, #tpu.memory_space<vmem>>, vector<10000x40xf32>,
    return
  }
}

</mosaic_0001>

<sc_bundles>
// kernel: kernel.12.cloned.1.call-start
scs
__scs_entry_jumppad:
0x0: {  	(pc) =	sbr.rel $0x88, $3  }
0x1: {  	(tag) =	ssettag $0x0;
	lr =	simm.s32 $0x1  }
0x2: {  	[smem:$0x3F9B] =	sst lr;
	_ =	strace $0xD0000000  }
0x3: {  	_ = 	snop  }
0x4: {  	_ = 	snop  }
0x5: {  	_ = 	snop  }
0x6: {  	_ = 	snop  }
0x7: {  	_ = 	snop  }
__scs_overlays_trampoline_lowered:
0x8: {  	[smem:$0x3FAA] =	sst s0  }
0x9: {  	[smem:$0x3FAB] =	sst s1  }
0xa: {  	[smem:$0x3FAC] =	sst s2  }
0xb: {  	[smem:$0x3FAD] =	sst s3  }
0xc: {  	[smem:$0x3FAE] =	sst s4  }
0xd: {  	[smem:$0x3FAF] =	sst s5  }
0xe: {  	[smem:$0x3FB0] =	sst s6  }
0xf: {  	[smem:$0x3FB1] =	sst s7  }
0x10: {  	[smem:$0x3FB2] =	sst s8  }
0x11: {  	[smem:$0x3FB3] =	sst s9;
	s0 =	simm.s32 @!p0 $0x0  }
0x12: {  	s1 =	sld [smem:$0x3F99];
	s0 =	simm.s32 @p0 $0x1  }
0x13: {  	[smem:$0x3FB4] =	sst s0;
	s0 =	simm.s32 @!p1 $0x0  }
0x14: {  	s2 =	sld [smem:$0x3F98];
	s0 =	simm.s32 @p1 $0x1  }
0x15: {  	[smem:$0x3FB5] =	sst s0;
	s0 =	simm.s32 @!p2 $0x0  }
0x16: {  	s3 =	sld [smem:$0x3FDB];
	s0 =	simm.s32 @p2 $0x1  }
0x17: {  	s4 =	simm.s32 $0x1BF5;
	[smem:$0x3FB7] =	sst s0  }
0x18: {  	s0 =	sld [smem:$0x3F9A];
	_ =	swait.ge [sflag:s4], $0x0  }
0x19: {  	s7 =	sld [smem:$0x3F9B]  }
0x1a: {  	s8 =	sadd.s32 $0xFFFFE003, lr  }
0x1b: {  	s9 =	sadd.s32 $0xFFFFFEF7, lr;
	s5 =	simm.s32 $0xFFFFFFFF;
	p2 =	slt.u32 s8, $0xFFFFF086  }
0x1c: {  	p1 =	slt.u32 s9, $0xF7A;
	s5 =	simm.s32 @!p2 $0x0  }
0x1d: {  	s5 =	simm.s32 @p1 $0x1;
	p0 =	seq.s32 s7, s2  }
0x1e: {  	s7 =	smul.u32 @!p0 $0xF7A, s2;
	p2 =	seq.s32 @!p0 s5, $0x0  }
0x1f: {  	s9 =	smul.u32 $0xF7A, s1;
	s8 =	simm.s32 @!p0 $0x1BF5;
	p2 =	por !p2, p0  }
0x20: {  	[sflag:s8] =	ssyncset.s32 @!p0 $0xFFFFF086;
	s6 =	sadd.s32 @!p0 s3, s7;
	s7 =	simm.s32 @!p0 $0x108  }
0x21: {  	s3 =	sadd.s32 s3, s9;
	s6 =	sadd.s32 @!p0 $0x88, s6;
	s7 =	simm.s32 @p2 $0x1082  }
0x22: {  	[simem:s7], [sflag:s8] =	dma.local @!p0 [hbm:s6], $0xF7A  }
0x23: {  	s9 =	sor.u32 $0xD0000000, s2;
	s6 =	simm.s32 $0x108;
	_ =	swait.ge @!p0 [sflag:s8], $0x0  }
0x24: {  	s3 =	sadd.s32 $0x88, s3;
	s6 =	simm.s32 @!p1 $0x1082;
	[sflag:s4] =	ssyncset.s32 $0xFFFFF086  }
0x25: {  	[simem:s6], [sflag:s4] =	dma.local [hbm:s3], $0xF7A  }
0x26: {  	[smem:$0x3F9B] =	sst s1;
	(tag) =	ssettag s2;
	_ =	strace s9  }
0x27: {  	s1 =	sld [smem:$0x3FAB]  }
0x28: {  	s2 =	sld [smem:$0x3FAC]  }
0x29: {  	s4 =	sld [smem:$0x3FAE]  }
0x2a: {  	p0 =	seq.s32 s5, $0x0;
	s5 =	sld [smem:$0x3FAF]  }
0x2b: {  	s6 =	sld [smem:$0x3FB0]  }
0x2c: {  	s7 =	sld [smem:$0x3FB1]  }
0x2d: {  	s3 =	simm.s32 $0x108;
	s8 =	sld [smem:$0x3FB2]  }
0x2e: {  	s3 =	simm.s32 @!p0 $0x1082;
	s9 =	sld [smem:$0x3FB3]  }
0x2f: {  	lr =	sadd.s32 s0, s3;
	s0 =	sld [smem:$0x3FAA]  }
0x30: {  	s3 =	sld [smem:$0x3FAD]  }
0x31: {  	[smem:$0x3FB6] =	sst s10  }
0x32: {  	s10 =	sld [smem:$0x3FB4];
	_ =	sdelay $0x3  }
0x33: {  	p0 =	seq.s32 s10, $0x1;
	s10 =	sld [smem:$0x3FB6];
	_ =	sdelay $0x3  }
0x34: {  	[smem:$0x3FB6] =	sst s10  }
0x35: {  	s10 =	sld [smem:$0x3FB5];
	_ =	sdelay $0x3  }
0x36: {  	p1 =	seq.s32 s10, $0x1;
	s10 =	sld [smem:$0x3FB6];
	_ =	sdelay $0x3  }
0x37: {  	[smem:$0x3FB6] =	sst s10  }
0x38: {  	s10 =	sld [smem:$0x3FB7]  }
0x39: {  	_ = 	snop;
	(pc) =	sbr.ind lr, $3  }
0x3a: {  	_ = 	snop  }
0x3b: {  	_ = 	snop  }
0x3c: {  	p2 =	seq.s32 s10, $0x1;
	s10 =	sld [smem:$0x3FB6]  }
0x3d: {  	_ =	shalt  }
0x3e: {  	_ =	shalt  }
0x3f: {  	_ =	shalt  }
0x40: {  	_ =	shalt  }
0x41: {  	_ =	shalt  }
0x42: {  	_ =	shalt  }
0x43: {  	_ =	shalt  }
0x44: {  	_ =	shalt  }
0x45: {  	_ =	shalt  }
0x46: {  	_ =	shalt  }
0x47: {  	_ =	shalt  }
0x48: {  	_ =	shalt  }
0x49: {  	_ =	shalt  }
0x4a: {  	_ =	shalt  }
0x4b: {  	_ =	shalt  }
0x4c: {  	_ =	shalt  }
0x4d: {  	_ =	shalt  }
0x4e: {  	_ =	shalt  }
0x4f: {  	_ =	shalt  }
0x50: {  	_ =	shalt  }
0x51: {  	_ =	shalt  }
0x52: {  	_ =	shalt  }
0x53: {  	_ =	shalt  }
0x54: {  	_ =	shalt  }
0x55: {  	_ =	shalt  }
0x56: {  	_ =	shalt  }
0x57: {  	_ =	shalt  }
0x58: {  	_ =	shalt  }
0x59: {  	_ =	shalt  }
0x5a: {  	_ =	shalt  }
0x5b: {  	_ =	shalt  }
0x5c: {  	_ =	shalt  }
0x5d: {  	_ =	shalt  }
0x5e: {  	_ =	shalt  }
0x5f: {  	_ =	shalt  }
0x60: {  	_ =	shalt  }
0x61: {  	_ =	shalt  }
0x62: {  	_ =	shalt  }
0x63: {  	_ =	shalt  }
0x64: {  	_ =	shalt  }
0x65: {  	_ =	shalt  }
0x66: {  	_ =	shalt  }
0x67: {  	_ =	shalt  }
0x68: {  	_ =	shalt  }
0x69: {  	_ =	shalt  }
0x6a: {  	_ =	shalt  }
0x6b: {  	_ =	shalt  }
0x6c: {  	_ =	shalt  }
0x6d: {  	_ =	shalt  }
0x6e: {  	_ =	shalt  }
0x6f: {  	_ =	shalt  }
0x70: {  	_ =	shalt  }
0x71: {  	_ =	shalt  }
0x72: {  	_ =	shalt  }
0x73: {  	_ =	shalt  }
0x74: {  	_ =	shalt  }
0x75: {  	_ =	shalt  }
0x76: {  	_ =	shalt  }
0x77: {  	_ =	shalt  }
0x78: {  	_ =	shalt  }
0x79: {  	_ =	shalt  }
0x7a: {  	_ =	shalt  }
0x7b: {  	_ =	shalt  }
0x7c: {  	_ =	shalt  }
0x7d: {  	_ =	shalt  }
0x7e: {  	_ =	shalt  }
0x7f: {  	_ =	shalt  }
0x80: {  	_ =	shalt  }
0x81: {  	_ =	shalt  }
0x82: {  	_ =	shalt  }
0x83: {  	_ =	shalt  }
0x84: {  	_ =	shalt  }
0x85: {  	_ =	shalt  }
0x86: {  	_ =	shalt  }
0x87: {  	_ =	shalt  }
.Lfunc_end0:
.L_simem_size_0:
called_computation.1_lowered:
.L_overlay_start_0:
0x88: {  	s2 =	sld [smem:$0x3FD9]  }
0x89: {  	s3 =	sld [smem:$0x3FFE];
	_ =	sdelay $0x1  }
0x8a: {  	s1 =	srdreg.scid  }
0x8b: {  	s0 =	sand.u32 $0x1, s1  }
0x8c: {  	s17 =	sshll.u32 s0, $0xA;
	s2 =	sadd.s32 s3, s2  }
0x8d: {  	s2 =	sadd.s32 s2, s17  }
0x8e: {  	[smem:$0x3FC2] =	sst s2  }
0x8f: {  	_ = 	snop  }
0x90: {  	s2 =	sld [smem:$0x3FD0];
	(tm) =	ssettm $0x1  }
0x91: {  	s18 =	sld [smem:$0x3FFB];
	_ =	sdelay $0x3  }
0x92: {  	_ =	strace s18  }
0x93: {  	s3 =	sld [smem:$0x3FFC];
	_ =	sdelay $0x3  }
0x94: {  	_ =	strace s3  }
0x95: {  	s3 =	sld [smem:$0x3FFD];
	_ =	sdelay $0x3  }
0x96: {  	_ =	strace s3  }
0x97: {  	_ =	strace $0x8FFFFFFF  }
0x98: {  	s19 =	sld [smem:$0x3FDB];
	_ =	sdelay $0x1  }
0x99: {  	s4 =	simm.s32 $_scs_section_size  }
0x9a: {  	s5 =	simm.s32 $_size__tile_overlayer_lowered;
	s6 =	simm.s32 $_tile_overlayer_lowered  }
0x9b: {  	s22 =	simm.s32 $0x1BFF;
	s21 =	sshll.u32 s6, $0x1;
	s3 =	sadd.s32 s4, s19  }
0x9c: {  	s7 =	simm.s32 $0x0;
	s20 =	sshll.u32 s5, $0x1;
	s5 =	sadd.s32 s21, s3  }
0x9d: {  	[timem:s7], [sflag:s22] =	dma.local [hbm:s5], s20  }
0x9e: {  	_ =	swait.ge [sflag:s22], s20  }
0x9f: {  	s4 =	ssub.s32 $0x0, s20;
	[sflag:s22] =	ssyncset.done $0x0  }
0xa0: {  	[sflag:s22] =	ssyncadd.s32 s4;
	_ =	sdelay $0x1  }
0xa1: {  	s23 =	simm.s32 $0x1B8B  }
0xa2: {  	_ =	swait.ge [sflag:s23], $0x1  }
0xa3: {  	[sflag:s23] =	ssyncset.done $0x0  }
0xa4: {  	s25 =	simm.s32 $0x1B8E;
	s24 =	sld [smem:$0x3FFE];
	[sflag:s23] =	ssyncadd.s32 $0xFFFFFFFF  }
0xa5: {  	s26 =	simm.s32 $execute0_lowered;
	[smem:$0x3FD2] =	sst s25  }
0xa6: {  	s5 =	sshll.u32 s26, $0x1;
	_ =	strace $0x80000049;
	[dreg:$0x1] =	wrdreg $0xFFFFFFFF  }
0xa7: {  	s28 =	simm.s32 $_size_execute0_lowered;
	s3 =	sadd.s32 s3, s5;
	[dreg:$0x0] =	wrdreg $0x0  }
0xa8: {  	s5 =	sshll.u32 s28, $0x1;
	[dreg:$0x2] =	wrdreg s3  }
0xa9: {  	[dreg:$0x3] =	wrdreg s5  }
0xaa: {  	[dreg:$0x4] =	wrdreg $0xC0  }
0xab: {  	_ =	task [dreg:s7], $0x5FFFF  }
0xac: {  	[dreg:$0x1] =	wrdreg $0xFFFFFFFF  }
0xad: {  	[dreg:$0x0] =	wrdreg $0x60  }
0xae: {  	[dreg:$0x2] =	wrdreg s24  }
0xaf: {  	[dreg:$0x3] =	wrdreg s2  }
0xb0: {  	[dreg:$0x4] =	wrdreg $0x8E800  }
0xb1: {  	[dreg:$0x5] =	wrdreg $0x9  }
0xb2: {  	_ =	task.clear_ibuf [dreg:s7], $0x6FFFF;
	_ =	strace $0x90000049  }
0xb3: {  	s29 =	simm.s32 $0x9;
	_ =	strace $0x8000004B  }
0xb4: {  	_ =	swait.ge [sflag:s29], $0x1  }
0xb5: {  	[sflag:s29] =	ssyncadd.s32 $0xFFFFFFFF  }
0xb6: {  	_ =	strace $0x9000004B  }
0xb7: {  	_ =	sfence  }
0xb8: {  	s30 =	sld [smem:$0x0];
	_ =	sdelay $0x2  }
0xb9: {  	s31 =	sshll.u32 s1, $0xD;
	s1 =	sshrl.u32 s1, $0x2  }
0xba: {  	s3 =	sand.u32 $0x4000, s31;
	s1 =	sadd.s32 s1, s30  }
0xbb: {  	s0 =	sor.u32 s3, s0;
	s1 =	sshll.u32 s1, $0x11  }
0xbc: {  	s0 =	sor.u32 s1, s0  }
0xbd: {  	s0 =	sadd.s32 $0x8F2B, s0  }
0xbe: {  	[sflag:s0] =	ssyncadd.remote.s32 $0x1  }
0xbf: {  	_ =	sfence.sel $0xFFFF  }
0xc0: {  	[dreg:$0x0] =	wrdreg $0xFFFFFFFF;
	(pc) =	sbr.abs _section_cstart, $3  }
0xc1: {  	[dreg:$0x1] =	wrdreg $0xFFFFFFFF  }
0xc2: {  	_ =	task.clear_ibuf [dreg:s7], $0x2FFFF;
	_ =	strace $0x9FFFFFFF  }
0xc3: {  	(tm) =	ssettm $0x7FFFFFFF  }
tec
execute0_lowered:
.L_overlay_start_1:
0x0: {  	(tag) =	ssettag $0x1  }
0x1: {  	s1 =	rddreg [dreg:$0x0]  }
0x2: {  	s0 =	srdreg.scid;
	s3 =	rddreg [dreg:$0x1]  }
0x3: {  	s10 =	stileid.u32;
	s2 =	rddreg [dreg:$0x2];
	s6 =	simm.s32 $0x0  }
0x4: {  	s13 =	simm.s32 $0x7D;
	s14 =	simm.s32 $0x5000;
	s16 =	simm.s32 $0x57D0  }
0x5: {  	s18 =	simm.s32 $0x5FA0;
	s20 =	simm.s32 $0x6770;
	s22 =	simm.s32 $0x6F40  }
0x6: {  	s28 =	simm.s32 $0x7EE0;
	s30 =	simm.s32 $0x86B0;
	s31 =	simm.s32 $0x1  }
0x7: {  	s15 =	simm.s32 $0x5;
	s17 =	simm.s32 $0x6;
	s19 =	simm.s32 $0x7  }
0x8: {  	s21 =	simm.s32 $0x8;
	s23 =	simm.s32 $0x9;
	s29 =	simm.s32 $0xB  }
0x9: {  	s24 =	simm.s32 $0x10;
	s11 =	simm.s32 $0x0;
	s0 =	sand.u32 $0x1, s0  }
0xa: {  	[smem:$0x7FF] =	sst s6;
	s25 =	smul.u32 $0x3E80, s10;
	p0 =	sgt.u32 s10, $0x9  }
0xb: {  	s6 =	simm.s32 $0xD;
	s4 =	sshll.u32 s0, $0x4;
	_ =	strace $0x8000004A  }
0xc: {  	s7 =	ssub.s32 $0x2, s0;
	s0 =	smul.u32 $0x4E20, s0;
	[dreg:$0xb] =	wrdreg s11  }
0xd: {  	s4 =	sor.u32 s10, s4;
	s8 =	sshrl.u32 s25, $0x3;
	s9 =	sshrl.u32 s7, $0x1  }
0xe: {  	s5 =	smul.u32 $0x500, s4;
	s7 =	ssub.s32 s7, s9;
	s0 =	sadd.s32 s3, s0  }
0xf: {  	s4 =	sadd.s32 $0x90000, s1;
	s9 =	smax.u32 s7, $0x1;
	s0 =	sadd.s32 @!p0 s8, s0  }
0x10: {  	s7 =	simm.s32 $0xE;
	s5 =	sadd.s32 s5, s1;
	[dreg:$0x7] =	wrdreg s9  }
0x11: {  	s1 =	sadd.s32 s8, s1;
	[dreg:$0xa] =	wrdreg s0;
	s26 =	sadd.s32 $0x10C00, s5  }
0x12: {  	s0 =	simm.s32 $0x3;
	s5 =	sadd.s32 $0x1A00, s5;
	[dreg:$0x4] =	wrdreg s26  }
0x13: {  	s8 =	simm.s32 $0xF;
	s1 =	sadd.s32 $0xBA00, s1;
	[dreg:$0x5] =	wrdreg s5  }
0x14: {  	s5 =	sadd.s32 s25, s2;
	[dreg:$0x6] =	wrdreg s1;
	s1 =	sshll.u32 @!p0 s10, $0x6  }
0x15: {  	s25 =	simm.s32 $0x7710;
	s10 =	simm.s32 $0x4;
	s1 =	sor.u32 @!p0 $0x1C11, s1  }
0x16: {  	s26 =	simm.s32 $0xA;
	s12 =	sshrl.u32 @!p0 s5, $0x3;
	[dreg:$0x9] =	wrdreg s1  }
0x17: {  	s5 =	simm.s32 $0xC;
	s1 =	simm.s32 $0x2;
	[dreg:$0x8] =	wrdreg s12  }
.LBB2_1:
0x18: {  	s3 =	simm.s32 $0x0;
	s11 =	rddreg [dreg:$0x4];
	s12 =	simm.s32 $0x11  }
0x19: {  	[tilespmem:s3], [sflag:$0x11] =	stream.linear.gather [hbm4b:s11+s3], $0x2800, $0x38;
	[tilespmem:$0xB590] =	vst v63  }
0x1a: {  	_ =	swait.ge [sflag:s12], $0x2800  }
0x1b: {  	s9 =	simm.s32 $0x0;
	[sflag:s12] =	ssyncset.done $0x0  }
0x1c: {  	s3 =	simm.s32 $0x2800;
	s11 =	rddreg [dreg:$0x5];
	[sflag:s12] =	ssyncadd.s32 $0xFFFFD800  }
0x1d: {  	[tilespmem:s3], [sflag:$0x11] =	stream.linear.gather [hbm4b:s11+s9], $0x2800, $0x38;
	[tilespmem:$0xB590] =	vst v63  }
0x1e: {  	s3 =	rddreg [dreg:$0x9];
	_ =	swait.ge [sflag:s12], $0x2800  }
0x1f: {  	[sflag:s12] =	ssyncset.done $0x0;
	s11 =	rddreg [dreg:$0x6]  }
0x20: {  	[sflag:s12] =	ssyncadd.s32 $0xFFFFD800;
	s12 =	rddreg [dreg:$0x8]  }
0x21: {  	[spmem:s12], [sflag:s3] =	dma.local @!p0 [hbm:s11], $0x7D0  }
0x22: {  	s11 =	simm.s32 @!p0 $0x11  }
0x23: {  	_ =	swait.ge @!p0 [sflag:s11], $0x7D0  }
0x24: {  	[sflag:s11] =	ssyncset.done @!p0 $0x0  }
0x25: {  	[sflag:s11] =	ssyncadd.s32 @!p0 $0xFFFFF830  }
0x26: {  	s9 =	simm.s32 $0x0;
	[bflag:$0x0] =	sbarrier.arrive $0xFFFF  }
0x27: {  	[tilespmem:s14], [sflag:$0x1] =	stream.indirect.gather [hbm4b:s4+s13], $0x10, s9, s13, $0xb8;
	[tilespmem:$0xB590] =	vst v63  }
0x28: {  	s12 =	simm.s32 $0x80  }
0x29: {  	[tilespmem:s16], [sflag:$0x2] =	stream.indirect.gather [hbm4b:s4+s13], $0x10, s12, s13, $0xb8;
	[tilespmem:$0xB590] =	vst v63  }
0x2a: {  	s3 =	simm.s32 $0x100  }
0x2b: {  	[tilespmem:s18], [sflag:$0x3] =	stream.indirect.gather [hbm4b:s4+s13], $0x10, s3, s13, $0xb8;
	[tilespmem:$0xB590] =	vst v63  }
0x2c: {  	s11 =	simm.s32 $0x180  }
0x2d: {  	[tilespmem:s20], [sflag:$0x4] =	stream.indirect.gather [hbm4b:s4+s13], $0x10, s11, s13, $0xb8;
	[tilespmem:$0xB590] =	vst v63  }
0x2e: {  	s12 =	simm.s32 $0x200  }
0x2f: {  	[tilespmem:s22], [sflag:$0x5] =	stream.indirect.gather [hbm4b:s4+s13], $0x10, s12, s13, $0xb8;
	[tilespmem:$0xB590] =	vst v63  }
0x30: {  	s3 =	simm.s32 $0x280  }
0x31: {  	[tilespmem:s25], [sflag:$0x6] =	stream.indirect.gather [hbm4b:s4+s13], $0x10, s3, s13, $0xb8;
	[tilespmem:$0xB590] =	vst v63  }
0x32: {  	s11 =	simm.s32 $0x300  }
0x33: {  	[tilespmem:s28], [sflag:$0x7] =	stream.indirect.gather [hbm4b:s4+s13], $0x10, s11, s13, $0xb8;
	[tilespmem:$0xB590] =	vst v63  }
0x34: {  	s12 =	simm.s32 $0x380  }
0x35: {  	[tilespmem:s30], [sflag:$0x8] =	stream.indirect.gather [hbm4b:s4+s13], $0x10, s12, s13, $0xb8;
	[tilespmem:$0xB590] =	vst v63  }
0x36: {  	_ =	swait.ge [sflag:s31], $0x7D0  }
0x37: {  	[sflag:s31] =	ssyncset.done $0x0  }
0x38: {  	s3 =	simm.s32 $0x2800;
	[sflag:s31] =	ssyncadd.s32 $0xFFFFF830  }
0x39: {  	[spmem:s2] =	stream.indirect.scatter.add.f32 [tilespmem:s14], [sflag:$0x9], $0x10, s3, s13, $0xb8;
	[tilespmem:$0xB590] =	vst v63  }
0x3a: {  	_ =	swait.ge [sflag:s1], $0x7D0  }
0x3b: {  	[sflag:s1] =	ssyncset.done $0x0  }
0x3c: {  	s9 =	simm.s32 $0x2880;
	[sflag:s1] =	ssyncadd.s32 $0xFFFFF830  }
0x3d: {  	[spmem:s2] =	stream.indirect.scatter.add.f32 [tilespmem:s16], [sflag:$0xA], $0x10, s9, s13, $0xb8;
	[tilespmem:$0xB590] =	vst v63  }
0x3e: {  	_ =	swait.ge [sflag:s0], $0x7D0  }
0x3f: {  	[sflag:s0] =	ssyncset.done $0x0  }
0x40: {  	s12 =	simm.s32 $0x2900;
	[sflag:s0] =	ssyncadd.s32 $0xFFFFF830  }
0x41: {  	[spmem:s2] =	stream.indirect.scatter.add.f32 [tilespmem:s18], [sflag:$0xB], $0x10, s12, s13, $0xb8;
	[tilespmem:$0xB590] =	vst v63  }
0x42: {  	_ =	swait.ge [sflag:s10], $0x7D0  }
0x43: {  	[sflag:s10] =	ssyncset.done $0x0  }
0x44: {  	s3 =	simm.s32 $0x2980;
	[sflag:s10] =	ssyncadd.s32 $0xFFFFF830  }
0x45: {  	[spmem:s2] =	stream.indirect.scatter.add.f32 [tilespmem:s20], [sflag:$0xC], $0x10, s3, s13, $0xb8;
	[tilespmem:$0xB590] =	vst v63  }
0x46: {  	_ =	swait.ge [sflag:s15], $0x7D0  }
0x47: {  	[sflag:s15] =	ssyncset.done $0x0  }
0x48: {  	s9 =	simm.s32 $0x2A00;
	[sflag:s15] =	ssyncadd.s32 $0xFFFFF830  }
0x49: {  	[spmem:s2] =	stream.indirect.scatter.add.f32 [tilespmem:s22], [sflag:$0xD], $0x10, s9, s13, $0xb8;
	[tilespmem:$0xB590] =	vst v63  }
0x4a: {  	_ =	swait.ge [sflag:s17], $0x7D0  }
0x4b: {  	[sflag:s17] =	ssyncset.done $0x0  }
0x4c: {  	s12 =	simm.s32 $0x2A80;
	[sflag:s17] =	ssyncadd.s32 $0xFFFFF830  }
0x4d: {  	[spmem:s2] =	stream.indirect.scatter.add.f32 [tilespmem:s25], [sflag:$0xE], $0x10, s12, s13, $0xb8;
	[tilespmem:$0xB590] =	vst v63  }
0x4e: {  	_ =	swait.ge [sflag:s19], $0x7D0  }
0x4f: {  	[sflag:s19] =	ssyncset.done $0x0  }
0x50: {  	s3 =	simm.s32 $0x2B00;
	[sflag:s19] =	ssyncadd.s32 $0xFFFFF830  }
0x51: {  	[spmem:s2] =	stream.indirect.scatter.add.f32 [tilespmem:s28], [sflag:$0xF], $0x10, s3, s13, $0xb8;
	[tilespmem:$0xB590] =	vst v63  }
0x52: {  	_ =	swait.ge [sflag:s21], $0x7D0  }
0x53: {  	[sflag:s21] =	ssyncset.done $0x0  }
0x54: {  	s9 =	simm.s32 $0x2B80;
	[sflag:s21] =	ssyncadd.s32 $0xFFFFF830  }
0x55: {  	[spmem:s2] =	stream.indirect.scatter.add.f32 [tilespmem:s30], [sflag:$0x10], $0x10, s9, s13, $0xb8;
	[tilespmem:$0xB590] =	vst v63  }
0x56: {  	_ =	swait.ge [sflag:s23], $0x7D0  }
0x57: {  	[sflag:s23] =	ssyncset.done $0x0  }
0x58: {  	s12 =	simm.s32 $0x400;
	[sflag:s23] =	ssyncadd.s32 $0xFFFFF830  }
0x59: {  	[tilespmem:s14], [sflag:$0x1] =	stream.indirect.gather [hbm4b:s4+s13], $0x10, s12, s13, $0xb8;
	[tilespmem:$0xB590] =	vst v63  }
0x5a: {  	_ =	swait.ge [sflag:s26], $0x7D0  }
0x5b: {  	[sflag:s26] =	ssyncset.done $0x0  }
0x5c: {  	s3 =	simm.s32 $0x480;
	[sflag:s26] =	ssyncadd.s32 $0xFFFFF830  }
0x5d: {  	[tilespmem:s16], [sflag:$0x2] =	stream.indirect.gather [hbm4b:s4+s13], $0x10, s3, s13, $0xb8;
	[tilespmem:$0xB590] =	vst v63  }
0x5e: {  	_ =	swait.ge [sflag:s29], $0x7D0  }
0x5f: {  	[sflag:s29] =	ssyncset.done $0x0  }
0x60: {  	s9 =	simm.s32 $0x500;
	[sflag:s29] =	ssyncadd.s32 $0xFFFFF830  }
0x61: {  	[tilespmem:s18], [sflag:$0x3] =	stream.indirect.gather [hbm4b:s4+s13], $0x10, s9, s13, $0xb8;
	[tilespmem:$0xB590] =	vst v63  }
0x62: {  	_ =	swait.ge [sflag:s5], $0x7D0  }
0x63: {  	[sflag:s5] =	ssyncset.done $0x0  }
0x64: {  	s12 =	simm.s32 $0x580;
	[sflag:s5] =	ssyncadd.s32 $0xFFFFF830  }
0x65: {  	[tilespmem:s20], [sflag:$0x4] =	stream.indirect.gather [hbm4b:s4+s13], $0x10, s12, s13, $0xb8;
	[tilespmem:$0xB590] =	vst v63  }
0x66: {  	_ =	swait.ge [sflag:s6], $0x7D0  }
0x67: {  	[sflag:s6] =	ssyncset.done $0x0  }
0x68: {  	s3 =	simm.s32 $0x600;
	[sflag:s6] =	ssyncadd.s32 $0xFFFFF830  }
0x69: {  	[tilespmem:s22], [sflag:$0x5] =	stream.indirect.gather [hbm4b:s4+s13], $0x10, s3, s13, $0xb8;
	[tilespmem:$0xB590] =	vst v63  }
0x6a: {  	_ =	swait.ge [sflag:s7], $0x7D0  }
0x6b: {  	[sflag:s7] =	ssyncset.done $0x0  }
0x6c: {  	s9 =	simm.s32 $0x680;
	[sflag:s7] =	ssyncadd.s32 $0xFFFFF830  }
0x6d: {  	[tilespmem:s25], [sflag:$0x6] =	stream.indirect.gather [hbm4b:s4+s13], $0x10, s9, s13, $0xb8;
	[tilespmem:$0xB590] =	vst v63  }
0x6e: {  	_ =	swait.ge [sflag:s8], $0x7D0  }
0x6f: {  	[sflag:s8] =	ssyncset.done $0x0  }
0x70: {  	s12 =	simm.s32 $0x700;
	[sflag:s8] =	ssyncadd.s32 $0xFFFFF830  }
0x71: {  	[tilespmem:s28], [sflag:$0x7] =	stream.indirect.gather [hbm4b:s4+s13], $0x10, s12, s13, $0xb8;
	[tilespmem:$0xB590] =	vst v63  }
0x72: {  	_ =	swait.ge [sflag:s24], $0x7D0  }
0x73: {  	[sflag:s24] =	ssyncset.done $0x0  }
0x74: {  	s11 =	simm.s32 $0x1000;
	s12 =	simm.s32 $0x780;
	[sflag:s24] =	ssyncadd.s32 $0xFFFFF830  }
.LBB2_2:
0x75: {  	[tilespmem:s30], [sflag:$0x8] =	stream.indirect.gather [hbm4b:s4+s13], $0x10, s12, s13, $0xb8;
	[tilespmem:$0xB590] =	vst v63  }
0x76: {  	s12 =	smov.u32 s11  }
0x77: {  	p1 =	sne.s32 s11, $0x8000;
	s11 =	sadd.s32 $0x1000, s11;
	_ =	swait.ge [sflag:s31], $0x7D0  }
0x78: {  	s12 =	sshra.s32 s12, $0x2;
	[sflag:s31] =	ssyncset.done $0x0  }
0x79: {  	s9 =	sadd.s32 $0x2800, s12;
	[sflag:s31] =	ssyncadd.s32 $0xFFFFF830  }
0x7a: {  	[spmem:s2] =	stream.indirect.scatter.add.f32 [tilespmem:s14], [sflag:$0x9], $0x10, s9, s13, $0xb8;
	[tilespmem:$0xB590] =	vst v63  }
0x7b: {  	_ =	swait.ge [sflag:s1], $0x7D0  }
0x7c: {  	[sflag:s1] =	ssyncset.done $0x0  }
0x7d: {  	s9 =	sadd.s32 $0x2880, s12;
	[sflag:s1] =	ssyncadd.s32 $0xFFFFF830  }
0x7e: {  	[spmem:s2] =	stream.indirect.scatter.add.f32 [tilespmem:s16], [sflag:$0xA], $0x10, s9, s13, $0xb8;
	[tilespmem:$0xB590] =	vst v63  }
0x7f: {  	_ =	swait.ge [sflag:s0], $0x7D0  }
0x80: {  	[sflag:s0] =	ssyncset.done $0x0  }
0x81: {  	s9 =	sadd.s32 $0x2900, s12;
	[sflag:s0] =	ssyncadd.s32 $0xFFFFF830  }
0x82: {  	[spmem:s2] =	stream.indirect.scatter.add.f32 [tilespmem:s18], [sflag:$0xB], $0x10, s9, s13, $0xb8;
	[tilespmem:$0xB590] =	vst v63  }
0x83: {  	_ =	swait.ge [sflag:s10], $0x7D0  }
0x84: {  	[sflag:s10] =	ssyncset.done $0x0  }
0x85: {  	s9 =	sadd.s32 $0x2980, s12;
	[sflag:s10] =	ssyncadd.s32 $0xFFFFF830  }
0x86: {  	[spmem:s2] =	stream.indirect.scatter.add.f32 [tilespmem:s20], [sflag:$0xC], $0x10, s9, s13, $0xb8;
	[tilespmem:$0xB590] =	vst v63  }
0x87: {  	_ =	swait.ge [sflag:s15], $0x7D0  }
0x88: {  	[sflag:s15] =	ssyncset.done $0x0  }
0x89: {  	s9 =	sadd.s32 $0x2A00, s12;
	[sflag:s15] =	ssyncadd.s32 $0xFFFFF830  }
0x8a: {  	[spmem:s2] =	stream.indirect.scatter.add.f32 [tilespmem:s22], [sflag:$0xD], $0x10, s9, s13, $0xb8;
	[tilespmem:$0xB590] =	vst v63  }
0x8b: {  	_ =	swait.ge [sflag:s17], $0x7D0  }
0x8c: {  	[sflag:s17] =	ssyncset.done $0x0  }
0x8d: {  	s9 =	sadd.s32 $0x2A80, s12;
	[sflag:s17] =	ssyncadd.s32 $0xFFFFF830  }
0x8e: {  	[spmem:s2] =	stream.indirect.scatter.add.f32 [tilespmem:s25], [sflag:$0xE], $0x10, s9, s13, $0xb8;
	[tilespmem:$0xB590] =	vst v63  }
0x8f: {  	_ =	swait.ge [sflag:s19], $0x7D0  }
0x90: {  	[sflag:s19] =	ssyncset.done $0x0  }
0x91: {  	s9 =	sadd.s32 $0x2B00, s12;
	[sflag:s19] =	ssyncadd.s32 $0xFFFFF830  }
0x92: {  	[spmem:s2] =	stream.indirect.scatter.add.f32 [tilespmem:s28], [sflag:$0xF], $0x10, s9, s13, $0xb8;
	[tilespmem:$0xB590] =	vst v63  }
0x93: {  	_ =	swait.ge [sflag:s21], $0x7D0  }
0x94: {  	[sflag:s21] =	ssyncset.done $0x0  }
0x95: {  	s9 =	sadd.s32 $0x2B80, s12;
	[sflag:s21] =	ssyncadd.s32 $0xFFFFF830  }
0x96: {  	[spmem:s2] =	stream.indirect.scatter.add.f32 [tilespmem:s30], [sflag:$0x10], $0x10, s9, s13, $0xb8;
	[tilespmem:$0xB590] =	vst v63  }
0x97: {  	_ =	swait.ge [sflag:s23], $0x7D0  }
0x98: {  	[sflag:s23] =	ssyncset.done $0x0  }
0x99: {  	s9 =	sadd.s32 $0x400, s12;
	[sflag:s23] =	ssyncadd.s32 $0xFFFFF830  }
0x9a: {  	[tilespmem:s14], [sflag:$0x1] =	stream.indirect.gather [hbm4b:s4+s13], $0x10, s9, s13, $0xb8;
	[tilespmem:$0xB590] =	vst v63  }
0x9b: {  	_ =	swait.ge [sflag:s26], $0x7D0  }
0x9c: {  	[sflag:s26] =	ssyncset.done $0x0  }
0x9d: {  	s9 =	sadd.s32 $0x480, s12;
	[sflag:s26] =	ssyncadd.s32 $0xFFFFF830  }
0x9e: {  	[tilespmem:s16], [sflag:$0x2] =	stream.indirect.gather [hbm4b:s4+s13], $0x10, s9, s13, $0xb8;
	[tilespmem:$0xB590] =	vst v63  }
0x9f: {  	_ =	swait.ge [sflag:s29], $0x7D0  }
0xa0: {  	[sflag:s29] =	ssyncset.done $0x0  }
0xa1: {  	s9 =	sadd.s32 $0x500, s12;
	[sflag:s29] =	ssyncadd.s32 $0xFFFFF830  }
0xa2: {  	[tilespmem:s18], [sflag:$0x3] =	stream.indirect.gather [hbm4b:s4+s13], $0x10, s9, s13, $0xb8;
	[tilespmem:$0xB590] =	vst v63  }
0xa3: {  	_ =	swait.ge [sflag:s5], $0x7D0  }
0xa4: {  	[sflag:s5] =	ssyncset.done $0x0  }
0xa5: {  	s9 =	sadd.s32 $0x580, s12;
	[sflag:s5] =	ssyncadd.s32 $0xFFFFF830  }
0xa6: {  	[tilespmem:s20], [sflag:$0x4] =	stream.indirect.gather [hbm4b:s4+s13], $0x10, s9, s13, $0xb8;
	[tilespmem:$0xB590] =	vst v63  }
0xa7: {  	_ =	swait.ge [sflag:s6], $0x7D0  }
0xa8: {  	[sflag:s6] =	ssyncset.done $0x0  }
0xa9: {  	s9 =	sadd.s32 $0x600, s12;
	[sflag:s6] =	ssyncadd.s32 $0xFFFFF830  }
0xaa: {  	[tilespmem:s22], [sflag:$0x5] =	stream.indirect.gather [hbm4b:s4+s13], $0x10, s9, s13, $0xb8;
	[tilespmem:$0xB590] =	vst v63  }
0xab: {  	_ =	swait.ge [sflag:s7], $0x7D0  }
0xac: {  	[sflag:s7] =	ssyncset.done $0x0  }
0xad: {  	s9 =	sadd.s32 $0x680, s12;
	[sflag:s7] =	ssyncadd.s32 $0xFFFFF830  }
0xae: {  	[tilespmem:s25], [sflag:$0x6] =	stream.indirect.gather [hbm4b:s4+s13], $0x10, s9, s13, $0xb8;
	[tilespmem:$0xB590] =	vst v63  }
0xaf: {  	_ =	swait.ge [sflag:s8], $0x7D0  }
0xb0: {  	[sflag:s8] =	ssyncset.done $0x0  }
.Ltmp0:
0xb1: {  	s9 =	sadd.s32 $0x700, s12;
	[sflag:s8] =	ssyncadd.s32 $0xFFFFF830;
	(pc) =	sbr.rel @p1 .LBB2_2-.Ltmp0, $4  }
0xb2: {  	[tilespmem:s28], [sflag:$0x7] =	stream.indirect.gather [hbm4b:s4+s13], $0x10, s9, s13, $0xb8;
	[tilespmem:$0xB590] =	vst v63  }
0xb3: {  	_ =	swait.ge [sflag:s24], $0x7D0  }
0xb4: {  	[sflag:s24] =	ssyncset.done $0x0  }
0xb5: {  	s12 =	sadd.s32 $0x780, s12;
	[sflag:s24] =	ssyncadd.s32 $0xFFFFF830  }
0xb6: {  	[tilespmem:s30], [sflag:$0x8] =	stream.indirect.gather [hbm4b:s4+s13], $0x10, s12, s13, $0xb8;
	[tilespmem:$0xB590] =	vst v63  }
0xb7: {  	_ =	swait.ge [sflag:s31], $0x7D0  }
0xb8: {  	[sflag:s31] =	ssyncset.done $0x0  }
0xb9: {  	s9 =	simm.s32 $0x4C00;
	[sflag:s31] =	ssyncadd.s32 $0xFFFFF830  }
0xba: {  	[spmem:s2] =	stream.indirect.scatter.add.f32 [tilespmem:s14], [sflag:$0x9], $0x10, s9, s13, $0xb8;
	[tilespmem:$0xB590] =	vst v63  }
0xbb: {  	_ =	swait.ge [sflag:s1], $0x7D0  }
0xbc: {  	[sflag:s1] =	ssyncset.done $0x0  }
0xbd: {  	s11 =	simm.s32 $0x4C80;
	[sflag:s1] =	ssyncadd.s32 $0xFFFFF830  }
0xbe: {  	[spmem:s2] =	stream.indirect.scatter.add.f32 [tilespmem:s16], [sflag:$0xA], $0x10, s11, s13, $0xb8;
	[tilespmem:$0xB590] =	vst v63  }
0xbf: {  	_ =	swait.ge [sflag:s0], $0x7D0  }
0xc0: {  	[sflag:s0] =	ssyncset.done $0x0  }
0xc1: {  	s12 =	simm.s32 $0x4D00;
	[sflag:s0] =	ssyncadd.s32 $0xFFFFF830  }
0xc2: {  	[spmem:s2] =	stream.indirect.scatter.add.f32 [tilespmem:s18], [sflag:$0xB], $0x10, s12, s13, $0xb8;
	[tilespmem:$0xB590] =	vst v63  }
0xc3: {  	_ =	swait.ge [sflag:s10], $0x7D0  }
0xc4: {  	[sflag:s10] =	ssyncset.done $0x0  }
0xc5: {  	s3 =	simm.s32 $0x4D80;
	[sflag:s10] =	ssyncadd.s32 $0xFFFFF830  }
0xc6: {  	[spmem:s2] =	stream.indirect.scatter.add.f32 [tilespmem:s20], [sflag:$0xC], $0x10, s3, s13, $0xb8;
	[tilespmem:$0xB590] =	vst v63  }
0xc7: {  	_ =	swait.ge [sflag:s15], $0x7D0  }
0xc8: {  	[sflag:s15] =	ssyncset.done $0x0  }
0xc9: {  	s11 =	simm.s32 $0x4E00;
	[sflag:s15] =	ssyncadd.s32 $0xFFFFF830  }
0xca: {  	[spmem:s2] =	stream.indirect.scatter.add.f32 [tilespmem:s22], [sflag:$0xD], $0x10, s11, s13, $0xb8;
	[tilespmem:$0xB590] =	vst v63  }
0xcb: {  	_ =	swait.ge [sflag:s17], $0x7D0  }
0xcc: {  	[sflag:s17] =	ssyncset.done $0x0  }
0xcd: {  	s12 =	simm.s32 $0x4E80;
	[sflag:s17] =	ssyncadd.s32 $0xFFFFF830  }
0xce: {  	[spmem:s2] =	stream.indirect.scatter.add.f32 [tilespmem:s25], [sflag:$0xE], $0x10, s12, s13, $0xb8;
	[tilespmem:$0xB590] =	vst v63  }
0xcf: {  	_ =	swait.ge [sflag:s19], $0x7D0  }
0xd0: {  	[sflag:s19] =	ssyncset.done $0x0  }
0xd1: {  	s3 =	simm.s32 $0x4F00;
	[sflag:s19] =	ssyncadd.s32 $0xFFFFF830  }
0xd2: {  	[spmem:s2] =	stream.indirect.scatter.add.f32 [tilespmem:s28], [sflag:$0xF], $0x10, s3, s13, $0xb8;
	[tilespmem:$0xB590] =	vst v63  }
0xd3: {  	_ =	swait.ge [sflag:s21], $0x7D0  }
0xd4: {  	[sflag:s21] =	ssyncset.done $0x0  }
0xd5: {  	s11 =	simm.s32 $0x4F80;
	[sflag:s21] =	ssyncadd.s32 $0xFFFFF830  }
0xd6: {  	[spmem:s2] =	stream.indirect.scatter.add.f32 [tilespmem:s30], [sflag:$0x10], $0x10, s11, s13, $0xb8;
	[tilespmem:$0xB590] =	vst v63  }
0xd7: {  	_ =	swait.ge [sflag:s23], $0x7D0  }
0xd8: {  	[sflag:s23] =	ssyncset.done $0x0  }
0xd9: {  	[sflag:s23] =	ssyncadd.s32 $0xFFFFF830  }
0xda: {  	_ =	swait.ge [sflag:s26], $0x7D0  }
0xdb: {  	[sflag:s26] =	ssyncset.done $0x0  }
0xdc: {  	[sflag:s26] =	ssyncadd.s32 $0xFFFFF830  }
0xdd: {  	_ =	swait.ge [sflag:s29], $0x7D0  }
0xde: {  	[sflag:s29] =	ssyncset.done $0x0  }
0xdf: {  	[sflag:s29] =	ssyncadd.s32 $0xFFFFF830  }
0xe0: {  	_ =	swait.ge [sflag:s5], $0x7D0  }
0xe1: {  	[sflag:s5] =	ssyncset.done $0x0  }
0xe2: {  	[sflag:s5] =	ssyncadd.s32 $0xFFFFF830  }
0xe3: {  	_ =	swait.ge [sflag:s6], $0x7D0  }
0xe4: {  	[sflag:s6] =	ssyncset.done $0x0  }
0xe5: {  	[sflag:s6] =	ssyncadd.s32 $0xFFFFF830  }
0xe6: {  	_ =	swait.ge [sflag:s7], $0x7D0  }
0xe7: {  	[sflag:s7] =	ssyncset.done $0x0  }
0xe8: {  	[sflag:s7] =	ssyncadd.s32 $0xFFFFF830  }
0xe9: {  	_ =	swait.ge [sflag:s8], $0x7D0  }
0xea: {  	[sflag:s8] =	ssyncset.done $0x0  }
0xeb: {  	[sflag:s8] =	ssyncadd.s32 $0xFFFFF830  }
0xec: {  	_ =	swait.ge [sflag:s24], $0x7D0  }
0xed: {  	[sflag:s24] =	ssyncset.done $0x0  }
0xee: {  	[sflag:s24] =	ssyncadd.s32 $0xFFFFF830  }
0xef: {  	[bflag:$0x0] =	sbarrier.arrive $0xFFFF  }
0xf0: {  	s12 =	rddreg [dreg:$0x8]  }
0xf1: {  	s9 =	rddreg [dreg:$0xa]  }
0xf2: {  	s3 =	rddreg [dreg:$0x9]  }
0xf3: {  	[hbm:s9], [sflag:s3] =	dma.local @!p0 [spmem:s12], $0x7D0  }
0xf4: {  	s9 =	simm.s32 @!p0 $0x11  }
0xf5: {  	_ =	swait.ge @!p0 [sflag:s9], $0x7D0  }
0xf6: {  	s12 =	rddreg [dreg:$0xb]  }
0xf7: {  	s11 =	rddreg [dreg:$0x7];
	s3 =	sadd.s32 $0x1, s12  }
0xf8: {  	p1 =	sne.s32 s3, s11  }
.Ltmp1:
0xf9: {  	_ = 	snop;
	(pc) =	sbr.rel @p1 .LBB2_1-.Ltmp1, $3  }
0xfa: {  	_ =	sdelay $0x1  }
0xfb: {  	[sflag:s9] =	ssyncset.done @!p0 $0x0  }
0xfc: {  	[sflag:s9] =	ssyncadd.s32 @!p0 $0xFFFFF830;
	[dreg:$0xb] =	wrdreg s3  }
0xfd: {  	_ =	sfence.sel $0x180000  }
0xfe: {  	[bflag:$0x0] =	sbarrier.arrive $0xFFFF  }
0xff: {  	_ =	strace $0x9000004A  }
0x100: {  	s0 =	stileid.u32;
	[bflag:$0x2] =	sbarrier.arrive $0xFFFF  }
0x101: {  	p0 =	sne.s32 s0, $0x0;
	s0 =	rddreg [dreg:$0x3]  }
0x102: {  	s0 =	sadd.s32 @!p0 $0x100000, s0  }
0x103: {  	[sflag:s0] =	ssyncadd.tile.s32 @!p0 $0x1;
	_ =	shalt  }
.Lfunc_end2:
_tile_overlayer_lowered:
.L_overlay_start_2:
0x104: {  	(tag) =	ssettag $0x2  }
0x105: {  	s0 =	rddreg [dreg:$0x0];
	s2 =	stileid.u32  }
0x106: {  	s1 =	rddreg [dreg:$0x1];
	p0 =	sne.s32 s2, $0x0  }
0x107: {  	s3 =	rddreg [dreg:$0x2];
	[bflag:$0x3] =	sbarrier.arrive $0xFFFF;
	s2 =	simm.s32 @!p0 $0x1C11  }
0x108: {  	[timem:s3], [sflag:s2] =	dma.local @!p0 [hbm:s0], s1  }
0x109: {  	s0 =	simm.s32 @!p0 $0x11  }
0x10a: {  	_ =	swait.ge @!p0 [sflag:s0], s1  }
0x10b: {  	s1 =	ssub.s32 @!p0 $0x0, s1;
	[sflag:s0] =	ssyncset.done @!p0 $0x0  }
0x10c: {  	[sflag:s0] =	ssyncadd.s32 @!p0 s1  }
0x10d: {  	[bflag:$0x3] =	sbarrier.arrive $0xFFFF  }
0x10e: {  	_ =	shalt  }

// kernel: kernel.15.cloned.1.call-start
scs
__scs_entry_jumppad:
0x0: {  	(pc) =	sbr.rel $0x88, $3  }
0x1: {  	(tag) =	ssettag $0x0;
	lr =	simm.s32 $0x1  }
0x2: {  	[smem:$0x3F9B] =	sst lr;
	_ =	strace $0xD0000000  }
0x3: {  	_ = 	snop  }
0x4: {  	_ = 	snop  }
0x5: {  	_ = 	snop  }
0x6: {  	_ = 	snop  }
0x7: {  	_ = 	snop  }
__scs_overlays_trampoline_lowered:
0x8: {  	[smem:$0x3FAA] =	sst s0  }
0x9: {  	[smem:$0x3FAB] =	sst s1  }
0xa: {  	[smem:$0x3FAC] =	sst s2  }
0xb: {  	[smem:$0x3FAD] =	sst s3  }
0xc: {  	[smem:$0x3FAE] =	sst s4  }
0xd: {  	[smem:$0x3FAF] =	sst s5  }
0xe: {  	[smem:$0x3FB0] =	sst s6  }
0xf: {  	[smem:$0x3FB1] =	sst s7  }
0x10: {  	[smem:$0x3FB2] =	sst s8  }
0x11: {  	[smem:$0x3FB3] =	sst s9;
	s0 =	simm.s32 @!p0 $0x0  }
0x12: {  	s1 =	sld [smem:$0x3F99];
	s0 =	simm.s32 @p0 $0x1  }
0x13: {  	[smem:$0x3FB4] =	sst s0;
	s0 =	simm.s32 @!p1 $0x0  }
0x14: {  	s2 =	sld [smem:$0x3F98];
	s0 =	simm.s32 @p1 $0x1  }
0x15: {  	[smem:$0x3FB5] =	sst s0;
	s0 =	simm.s32 @!p2 $0x0  }
0x16: {  	s3 =	sld [smem:$0x3FDB];
	s0 =	simm.s32 @p2 $0x1  }
0x17: {  	s4 =	simm.s32 $0x1BF5;
	[smem:$0x3FB7] =	sst s0  }
0x18: {  	s0 =	sld [smem:$0x3F9A];
	_ =	swait.ge [sflag:s4], $0x0  }
0x19: {  	s7 =	sld [smem:$0x3F9B]  }
0x1a: {  	s8 =	sadd.s32 $0xFFFFE003, lr  }
0x1b: {  	s9 =	sadd.s32 $0xFFFFFEF7, lr;
	s5 =	simm.s32 $0xFFFFFFFF;
	p2 =	slt.u32 s8, $0xFFFFF086  }
0x1c: {  	p1 =	slt.u32 s9, $0xF7A;
	s5 =	simm.s32 @!p2 $0x0  }
0x1d: {  	s5 =	simm.s32 @p1 $0x1;
	p0 =	seq.s32 s7, s2  }
0x1e: {  	s7 =	smul.u32 @!p0 $0xF7A, s2;
	p2 =	seq.s32 @!p0 s5, $0x0  }
0x1f: {  	s9 =	smul.u32 $0xF7A, s1;
	s8 =	simm.s32 @!p0 $0x1BF5;
	p2 =	por !p2, p0  }
0x20: {  	[sflag:s8] =	ssyncset.s32 @!p0 $0xFFFFF086;
	s6 =	sadd.s32 @!p0 s3, s7;
	s7 =	simm.s32 @!p0 $0x108  }
0x21: {  	s3 =	sadd.s32 s3, s9;
	s6 =	sadd.s32 @!p0 $0x88, s6;
	s7 =	simm.s32 @p2 $0x1082  }
0x22: {  	[simem:s7], [sflag:s8] =	dma.local @!p0 [hbm:s6], $0xF7A  }
0x23: {  	s9 =	sor.u32 $0xD0000000, s2;
	s6 =	simm.s32 $0x108;
	_ =	swait.ge @!p0 [sflag:s8], $0x0  }
0x24: {  	s3 =	sadd.s32 $0x88, s3;
	s6 =	simm.s32 @!p1 $0x1082;
	[sflag:s4] =	ssyncset.s32 $0xFFFFF086  }
0x25: {  	[simem:s6], [sflag:s4] =	dma.local [hbm:s3], $0xF7A  }
0x26: {  	[smem:$0x3F9B] =	sst s1;
	(tag) =	ssettag s2;
	_ =	strace s9  }
0x27: {  	s1 =	sld [smem:$0x3FAB]  }
0x28: {  	s2 =	sld [smem:$0x3FAC]  }
0x29: {  	s4 =	sld [smem:$0x3FAE]  }
0x2a: {  	p0 =	seq.s32 s5, $0x0;
	s5 =	sld [smem:$0x3FAF]  }
0x2b: {  	s6 =	sld [smem:$0x3FB0]  }
0x2c: {  	s7 =	sld [smem:$0x3FB1]  }
0x2d: {  	s3 =	simm.s32 $0x108;
	s8 =	sld [smem:$0x3FB2]  }
0x2e: {  	s3 =	simm.s32 @!p0 $0x1082;
	s9 =	sld [smem:$0x3FB3]  }
0x2f: {  	lr =	sadd.s32 s0, s3;
	s0 =	sld [smem:$0x3FAA]  }
0x30: {  	s3 =	sld [smem:$0x3FAD]  }
0x31: {  	[smem:$0x3FB6] =	sst s10  }
0x32: {  	s10 =	sld [smem:$0x3FB4];
	_ =	sdelay $0x3  }
0x33: {  	p0 =	seq.s32 s10, $0x1;
	s10 =	sld [smem:$0x3FB6];
	_ =	sdelay $0x3  }
0x34: {  	[smem:$0x3FB6] =	sst s10  }
0x35: {  	s10 =	sld [smem:$0x3FB5];
	_ =	sdelay $0x3  }
0x36: {  	p1 =	seq.s32 s10, $0x1;
	s10 =	sld [smem:$0x3FB6];
	_ =	sdelay $0x3  }
0x37: {  	[smem:$0x3FB6] =	sst s10  }
0x38: {  	s10 =	sld [smem:$0x3FB7]  }
0x39: {  	_ = 	snop;
	(pc) =	sbr.ind lr, $3  }
0x3a: {  	_ = 	snop  }
0x3b: {  	_ = 	snop  }
0x3c: {  	p2 =	seq.s32 s10, $0x1;
	s10 =	sld [smem:$0x3FB6]  }
0x3d: {  	_ =	shalt  }
0x3e: {  	_ =	shalt  }
0x3f: {  	_ =	shalt  }
0x40: {  	_ =	shalt  }
0x41: {  	_ =	shalt  }
0x42: {  	_ =	shalt  }
0x43: {  	_ =	shalt  }
0x44: {  	_ =	shalt  }
0x45: {  	_ =	shalt  }
0x46: {  	_ =	shalt  }
0x47: {  	_ =	shalt  }
0x48: {  	_ =	shalt  }
0x49: {  	_ =	shalt  }
0x4a: {  	_ =	shalt  }
0x4b: {  	_ =	shalt  }
0x4c: {  	_ =	shalt  }
0x4d: {  	_ =	shalt  }
0x4e: {  	_ =	shalt  }
0x4f: {  	_ =	shalt  }
0x50: {  	_ =	shalt  }
0x51: {  	_ =	shalt  }
0x52: {  	_ =	shalt  }
0x53: {  	_ =	shalt  }
0x54: {  	_ =	shalt  }
0x55: {  	_ =	shalt  }
0x56: {  	_ =	shalt  }
0x57: {  	_ =	shalt  }
0x58: {  	_ =	shalt  }
0x59: {  	_ =	shalt  }
0x5a: {  	_ =	shalt  }
0x5b: {  	_ =	shalt  }
0x5c: {  	_ =	shalt  }
0x5d: {  	_ =	shalt  }
0x5e: {  	_ =	shalt  }
0x5f: {  	_ =	shalt  }
0x60: {  	_ =	shalt  }
0x61: {  	_ =	shalt  }
0x62: {  	_ =	shalt  }
0x63: {  	_ =	shalt  }
0x64: {  	_ =	shalt  }
0x65: {  	_ =	shalt  }
0x66: {  	_ =	shalt  }
0x67: {  	_ =	shalt  }
0x68: {  	_ =	shalt  }
0x69: {  	_ =	shalt  }
0x6a: {  	_ =	shalt  }
0x6b: {  	_ =	shalt  }
0x6c: {  	_ =	shalt  }
0x6d: {  	_ =	shalt  }
0x6e: {  	_ =	shalt  }
0x6f: {  	_ =	shalt  }
0x70: {  	_ =	shalt  }
0x71: {  	_ =	shalt  }
0x72: {  	_ =	shalt  }
0x73: {  	_ =	shalt  }
0x74: {  	_ =	shalt  }
0x75: {  	_ =	shalt  }
0x76: {  	_ =	shalt  }
0x77: {  	_ =	shalt  }
0x78: {  	_ =	shalt  }
0x79: {  	_ =	shalt  }
0x7a: {  	_ =	shalt  }
0x7b: {  	_ =	shalt  }
0x7c: {  	_ =	shalt  }
0x7d: {  	_ =	shalt  }
0x7e: {  	_ =	shalt  }
0x7f: {  	_ =	shalt  }
0x80: {  	_ =	shalt  }
0x81: {  	_ =	shalt  }
0x82: {  	_ =	shalt  }
0x83: {  	_ =	shalt  }
0x84: {  	_ =	shalt  }
0x85: {  	_ =	shalt  }
0x86: {  	_ =	shalt  }
0x87: {  	_ =	shalt  }
.Lfunc_end0:
.L_simem_size_0:
called_computation.2_lowered:
.L_overlay_start_0:
0x88: {  	s2 =	sld [smem:$0x3FD9]  }
0x89: {  	s3 =	sld [smem:$0x3FFE];
	_ =	sdelay $0x1  }
0x8a: {  	s1 =	srdreg.scid  }
0x8b: {  	s0 =	sand.u32 $0x1, s1  }
0x8c: {  	s17 =	sshll.u32 s0, $0xA;
	s2 =	sadd.s32 s3, s2  }
0x8d: {  	s2 =	sadd.s32 s2, s17  }
0x8e: {  	[smem:$0x3FC2] =	sst s2  }
0x8f: {  	_ = 	snop  }
0x90: {  	s2 =	sld [smem:$0x3FD0];
	(tm) =	ssettm $0x1  }
0x91: {  	s18 =	sld [smem:$0x3FFB];
	_ =	sdelay $0x3  }
0x92: {  	_ =	strace s18  }
0x93: {  	s3 =	sld [smem:$0x3FFC];
	_ =	sdelay $0x3  }
0x94: {  	_ =	strace s3  }
0x95: {  	s3 =	sld [smem:$0x3FFD];
	_ =	sdelay $0x3  }
0x96: {  	_ =	strace s3  }
0x97: {  	_ =	strace $0x8FFFFFFF  }
0x98: {  	s19 =	sld [smem:$0x3FDB];
	_ =	sdelay $0x1  }
0x99: {  	s4 =	simm.s32 $_scs_section_size  }
0x9a: {  	s5 =	simm.s32 $_size__tile_overlayer_lowered;
	s6 =	simm.s32 $_tile_overlayer_lowered  }
0x9b: {  	s22 =	simm.s32 $0x1BFF;
	s21 =	sshll.u32 s6, $0x1;
	s3 =	sadd.s32 s4, s19  }
0x9c: {  	s7 =	simm.s32 $0x0;
	s20 =	sshll.u32 s5, $0x1;
	s5 =	sadd.s32 s21, s3  }
0x9d: {  	[timem:s7], [sflag:s22] =	dma.local [hbm:s5], s20  }
0x9e: {  	_ =	swait.ge [sflag:s22], s20  }
0x9f: {  	s4 =	ssub.s32 $0x0, s20;
	[sflag:s22] =	ssyncset.done $0x0  }
0xa0: {  	[sflag:s22] =	ssyncadd.s32 s4;
	_ =	sdelay $0x1  }
0xa1: {  	s23 =	simm.s32 $0x1B8B  }
0xa2: {  	_ =	swait.ge [sflag:s23], $0x1  }
0xa3: {  	[sflag:s23] =	ssyncset.done $0x0  }
0xa4: {  	s25 =	simm.s32 $0x1B8E;
	s24 =	sld [smem:$0x3FFE];
	[sflag:s23] =	ssyncadd.s32 $0xFFFFFFFF  }
0xa5: {  	s26 =	simm.s32 $execute0_lowered;
	[smem:$0x3FD2] =	sst s25  }
0xa6: {  	s5 =	sshll.u32 s26, $0x1;
	_ =	strace $0x8000004C;
	[dreg:$0x1] =	wrdreg $0xFFFFFFFF  }
0xa7: {  	s28 =	simm.s32 $_size_execute0_lowered;
	s3 =	sadd.s32 s3, s5;
	[dreg:$0x0] =	wrdreg $0x0  }
0xa8: {  	s5 =	sshll.u32 s28, $0x1;
	[dreg:$0x2] =	wrdreg s3  }
0xa9: {  	[dreg:$0x3] =	wrdreg s5  }
0xaa: {  	[dreg:$0x4] =	wrdreg $0xC0  }
0xab: {  	_ =	task [dreg:s7], $0x5FFFF  }
0xac: {  	[dreg:$0x1] =	wrdreg $0xFFFFFFFF  }
0xad: {  	[dreg:$0x0] =	wrdreg $0x60  }
0xae: {  	[dreg:$0x2] =	wrdreg s2  }
0xaf: {  	[dreg:$0x3] =	wrdreg s24  }
0xb0: {  	[dreg:$0x4] =	wrdreg $0xEC400  }
0xb1: {  	[dreg:$0x5] =	wrdreg $0x9  }
0xb2: {  	_ =	task.clear_ibuf [dreg:s7], $0x6FFFF;
	_ =	strace $0x9000004C  }
0xb3: {  	s29 =	simm.s32 $0x9;
	_ =	strace $0x8000004E  }
0xb4: {  	_ =	swait.ge [sflag:s29], $0x1  }
0xb5: {  	[sflag:s29] =	ssyncadd.s32 $0xFFFFFFFF  }
0xb6: {  	_ =	strace $0x9000004E  }
0xb7: {  	_ =	sfence  }
0xb8: {  	s30 =	sld [smem:$0x0];
	_ =	sdelay $0x2  }
0xb9: {  	s31 =	sshll.u32 s1, $0xD;
	s1 =	sshrl.u32 s1, $0x2  }
0xba: {  	s3 =	sand.u32 $0x4000, s31;
	s1 =	sadd.s32 s1, s30  }
0xbb: {  	s0 =	sor.u32 s3, s0;
	s1 =	sshll.u32 s1, $0x11  }
0xbc: {  	s0 =	sor.u32 s1, s0  }
0xbd: {  	s0 =	sadd.s32 $0x8F2B, s0  }
0xbe: {  	[sflag:s0] =	ssyncadd.remote.s32 $0x1  }
0xbf: {  	_ =	sfence.sel $0xFFFF  }
0xc0: {  	[dreg:$0x0] =	wrdreg $0xFFFFFFFF;
	(pc) =	sbr.abs _section_cstart, $3  }
0xc1: {  	[dreg:$0x1] =	wrdreg $0xFFFFFFFF  }
0xc2: {  	_ =	task.clear_ibuf [dreg:s7], $0x2FFFF;
	_ =	strace $0x9FFFFFFF  }
0xc3: {  	(tm) =	ssettm $0x7FFFFFFF  }
tec
execute0_lowered:
.L_overlay_start_1:
0x0: {  	(tag) =	ssettag $0x1  }
0x1: {  	s1 =	rddreg [dreg:$0x0]  }
0x2: {  	s0 =	srdreg.scid;
	s2 =	rddreg [dreg:$0x1]  }
0x3: {  	s10 =	stileid.u32;
	s3 =	rddreg [dreg:$0x2];
	s5 =	simm.s32 $0x0  }
0x4: {  	s13 =	simm.s32 $0x7D;
	s14 =	simm.s32 $0x5000;
	s16 =	simm.s32 $0x6388  }
0x5: {  	s18 =	simm.s32 $0x7710;
	s20 =	simm.s32 $0x8A98;
	s22 =	simm.s32 $0x9E20  }
0x6: {  	s25 =	simm.s32 $0xB1A8;
	s28 =	simm.s32 $0xC530;
	s30 =	simm.s32 $0xD8B8  }
0x7: {  	s31 =	simm.s32 $0x1;
	s15 =	simm.s32 $0x5;
	s17 =	simm.s32 $0x6  }
0x8: {  	s19 =	simm.s32 $0x7;
	s21 =	simm.s32 $0x8;
	s23 =	simm.s32 $0x9  }
0x9: {  	s29 =	simm.s32 $0xB;
	s24 =	simm.s32 $0x10;
	s11 =	simm.s32 $0x0  }
0xa: {  	s0 =	sand.u32 $0x1, s0;
	[smem:$0x7FF] =	sst s5;
	s26 =	smul.u32 $0x9C40, s10  }
0xb: {  	p0 =	sgt.u32 s10, $0x9;
	s5 =	simm.s32 $0xC;
	s4 =	sshll.u32 s0, $0x4  }
0xc: {  	_ =	strace $0x8000004D;
	s6 =	smul.u32 $0xC350, s0;
	s0 =	ssub.s32 $0x2, s0  }
0xd: {  	s4 =	sor.u32 s10, s4;
	s7 =	sshrl.u32 s26, $0x3;
	s8 =	sshrl.u32 s0, $0x1  }
0xe: {  	s4 =	smul.u32 $0x500, s4;
	s9 =	sadd.s32 s7, s2;
	s0 =	ssub.s32 s0, s8  }
0xf: {  	[dreg:$0xa] =	wrdreg s11;
	s9 =	sadd.s32 $0x68E00, s9;
	s0 =	smax.u32 s0, $0x1  }
0x10: {  	s4 =	sadd.s32 s4, s2;
	s2 =	sadd.s32 s6, s2;
	[dreg:$0x6] =	wrdreg s9  }
0x11: {  	[dreg:$0x7] =	wrdreg s0;
	s0 =	sshll.u32 @!p0 s10, $0x6;
	s10 =	simm.s32 $0x4  }
0x12: {  	s6 =	simm.s32 $0xD;
	s8 =	sadd.s32 $0x10C00, s4;
	s4 =	sadd.s32 $0x1A00, s4  }
0x13: {  	s2 =	sadd.s32 $0x75200, s2;
	s9 =	sor.u32 @!p0 $0x1C11, s0;
	[dreg:$0x4] =	wrdreg s8  }
0x14: {  	[dreg:$0x5] =	wrdreg s4;
	s4 =	sadd.s32 s26, s3;
	s0 =	sadd.s32 @!p0 s7, s2  }
0x15: {  	s2 =	simm.s32 $0x2;
	s26 =	simm.s32 $0xA;
	[dreg:$0xb] =	wrdreg s9  }
0x16: {  	s7 =	simm.s32 $0xE;
	s12 =	sshrl.u32 @!p0 s4, $0x3;
	[dreg:$0x9] =	wrdreg s0  }
0x17: {  	s8 =	simm.s32 $0xF;
	s0 =	simm.s32 $0x3;
	[dreg:$0x8] =	wrdreg s12  }
.LBB2_1:
0x18: {  	s4 =	simm.s32 $0x0;
	s11 =	rddreg [dreg:$0x4];
	s12 =	simm.s32 $0x11  }
0x19: {  	[tilespmem:s4], [sflag:$0x11] =	stream.linear.gather [hbm4b:s11+s4], $0x2800, $0x38;
	[tilespmem:$0x14DE8] =	vst v63  }
0x1a: {  	_ =	swait.ge [sflag:s12], $0x2800  }
0x1b: {  	s9 =	simm.s32 $0x0;
	[sflag:s12] =	ssyncset.done $0x0  }
0x1c: {  	s4 =	simm.s32 $0x2800;
	s11 =	rddreg [dreg:$0x5];
	[sflag:s12] =	ssyncadd.s32 $0xFFFFD800  }
0x1d: {  	[tilespmem:s4], [sflag:$0x11] =	stream.linear.gather [hbm4b:s11+s9], $0x2800, $0x38;
	[tilespmem:$0x14DE8] =	vst v63  }
0x1e: {  	_ =	swait.ge [sflag:s12], $0x2800  }
0x1f: {  	s11 =	rddreg [dreg:$0x6]  }
0x20: {  	[sflag:s12] =	ssyncset.done $0x0;
	s4 =	rddreg [dreg:$0xb]  }
0x21: {  	[sflag:s12] =	ssyncadd.s32 $0xFFFFD800;
	s12 =	rddreg [dreg:$0x8]  }
0x22: {  	[spmem:s12], [sflag:s4] =	dma.local @!p0 [hbm:s11], $0x1388  }
0x23: {  	s11 =	simm.s32 @!p0 $0x11  }
0x24: {  	_ =	swait.ge @!p0 [sflag:s11], $0x1388  }
0x25: {  	[sflag:s11] =	ssyncset.done @!p0 $0x0  }
0x26: {  	[sflag:s11] =	ssyncadd.s32 @!p0 $0xFFFFEC78  }
0x27: {  	s9 =	simm.s32 $0x0;
	[bflag:$0x0] =	sbarrier.arrive $0xFFFF  }
0x28: {  	[tilespmem:s14], [sflag:$0x1] =	stream.indirect.gather [hbm4b:s1+s13], $0x28, s9, s13, $0xb8;
	[tilespmem:$0x14DE8] =	vst v63  }
0x29: {  	s12 =	simm.s32 $0x80  }
0x2a: {  	[tilespmem:s16], [sflag:$0x2] =	stream.indirect.gather [hbm4b:s1+s13], $0x28, s12, s13, $0xb8;
	[tilespmem:$0x14DE8] =	vst v63  }
0x2b: {  	s9 =	simm.s32 $0x100  }
0x2c: {  	[tilespmem:s18], [sflag:$0x3] =	stream.indirect.gather [hbm4b:s1+s13], $0x28, s9, s13, $0xb8;
	[tilespmem:$0x14DE8] =	vst v63  }
0x2d: {  	s11 =	simm.s32 $0x180  }
0x2e: {  	[tilespmem:s20], [sflag:$0x4] =	stream.indirect.gather [hbm4b:s1+s13], $0x28, s11, s13, $0xb8;
	[tilespmem:$0x14DE8] =	vst v63  }
0x2f: {  	s12 =	simm.s32 $0x200  }
0x30: {  	[tilespmem:s22], [sflag:$0x5] =	stream.indirect.gather [hbm4b:s1+s13], $0x28, s12, s13, $0xb8;
	[tilespmem:$0x14DE8] =	vst v63  }
0x31: {  	s9 =	simm.s32 $0x280  }
0x32: {  	[tilespmem:s25], [sflag:$0x6] =	stream.indirect.gather [hbm4b:s1+s13], $0x28, s9, s13, $0xb8;
	[tilespmem:$0x14DE8] =	vst v63  }
0x33: {  	s11 =	simm.s32 $0x300  }
0x34: {  	[tilespmem:s28], [sflag:$0x7] =	stream.indirect.gather [hbm4b:s1+s13], $0x28, s11, s13, $0xb8;
	[tilespmem:$0x14DE8] =	vst v63  }
0x35: {  	s12 =	simm.s32 $0x380  }
0x36: {  	[tilespmem:s30], [sflag:$0x8] =	stream.indirect.gather [hbm4b:s1+s13], $0x28, s12, s13, $0xb8;
	[tilespmem:$0x14DE8] =	vst v63  }
0x37: {  	_ =	swait.ge [sflag:s31], $0x1388  }
0x38: {  	[sflag:s31] =	ssyncset.done $0x0  }
0x39: {  	s4 =	simm.s32 $0x2800;
	[sflag:s31] =	ssyncadd.s32 $0xFFFFEC78  }
0x3a: {  	[spmem:s3] =	stream.indirect.scatter.add.f32 [tilespmem:s14], [sflag:$0x9], $0x28, s4, s13, $0xb8;
	[tilespmem:$0x14DE8] =	vst v63  }
0x3b: {  	_ =	swait.ge [sflag:s2], $0x1388  }
0x3c: {  	[sflag:s2] =	ssyncset.done $0x0  }
0x3d: {  	s9 =	simm.s32 $0x2880;
	[sflag:s2] =	ssyncadd.s32 $0xFFFFEC78  }
0x3e: {  	[spmem:s3] =	stream.indirect.scatter.add.f32 [tilespmem:s16], [sflag:$0xA], $0x28, s9, s13, $0xb8;
	[tilespmem:$0x14DE8] =	vst v63  }
0x3f: {  	_ =	swait.ge [sflag:s0], $0x1388  }
0x40: {  	[sflag:s0] =	ssyncset.done $0x0  }
0x41: {  	s12 =	simm.s32 $0x2900;
	[sflag:s0] =	ssyncadd.s32 $0xFFFFEC78  }
0x42: {  	[spmem:s3] =	stream.indirect.scatter.add.f32 [tilespmem:s18], [sflag:$0xB], $0x28, s12, s13, $0xb8;
	[tilespmem:$0x14DE8] =	vst v63  }
0x43: {  	_ =	swait.ge [sflag:s10], $0x1388  }
0x44: {  	[sflag:s10] =	ssyncset.done $0x0  }
0x45: {  	s4 =	simm.s32 $0x2980;
	[sflag:s10] =	ssyncadd.s32 $0xFFFFEC78  }
0x46: {  	[spmem:s3] =	stream.indirect.scatter.add.f32 [tilespmem:s20], [sflag:$0xC], $0x28, s4, s13, $0xb8;
	[tilespmem:$0x14DE8] =	vst v63  }
0x47: {  	_ =	swait.ge [sflag:s15], $0x1388  }
0x48: {  	[sflag:s15] =	ssyncset.done $0x0  }
0x49: {  	s9 =	simm.s32 $0x2A00;
	[sflag:s15] =	ssyncadd.s32 $0xFFFFEC78  }
0x4a: {  	[spmem:s3] =	stream.indirect.scatter.add.f32 [tilespmem:s22], [sflag:$0xD], $0x28, s9, s13, $0xb8;
	[tilespmem:$0x14DE8] =	vst v63  }
0x4b: {  	_ =	swait.ge [sflag:s17], $0x1388  }
0x4c: {  	[sflag:s17] =	ssyncset.done $0x0  }
0x4d: {  	s12 =	simm.s32 $0x2A80;
	[sflag:s17] =	ssyncadd.s32 $0xFFFFEC78  }
0x4e: {  	[spmem:s3] =	stream.indirect.scatter.add.f32 [tilespmem:s25], [sflag:$0xE], $0x28, s12, s13, $0xb8;
	[tilespmem:$0x14DE8] =	vst v63  }
0x4f: {  	_ =	swait.ge [sflag:s19], $0x1388  }
0x50: {  	[sflag:s19] =	ssyncset.done $0x0  }
0x51: {  	s4 =	simm.s32 $0x2B00;
	[sflag:s19] =	ssyncadd.s32 $0xFFFFEC78  }
0x52: {  	[spmem:s3] =	stream.indirect.scatter.add.f32 [tilespmem:s28], [sflag:$0xF], $0x28, s4, s13, $0xb8;
	[tilespmem:$0x14DE8] =	vst v63  }
0x53: {  	_ =	swait.ge [sflag:s21], $0x1388  }
0x54: {  	[sflag:s21] =	ssyncset.done $0x0  }
0x55: {  	s9 =	simm.s32 $0x2B80;
	[sflag:s21] =	ssyncadd.s32 $0xFFFFEC78  }
0x56: {  	[spmem:s3] =	stream.indirect.scatter.add.f32 [tilespmem:s30], [sflag:$0x10], $0x28, s9, s13, $0xb8;
	[tilespmem:$0x14DE8] =	vst v63  }
0x57: {  	_ =	swait.ge [sflag:s23], $0x1388  }
0x58: {  	[sflag:s23] =	ssyncset.done $0x0  }
0x59: {  	s12 =	simm.s32 $0x400;
	[sflag:s23] =	ssyncadd.s32 $0xFFFFEC78  }
0x5a: {  	[tilespmem:s14], [sflag:$0x1] =	stream.indirect.gather [hbm4b:s1+s13], $0x28, s12, s13, $0xb8;
	[tilespmem:$0x14DE8] =	vst v63  }
0x5b: {  	_ =	swait.ge [sflag:s26], $0x1388  }
0x5c: {  	[sflag:s26] =	ssyncset.done $0x0  }
0x5d: {  	s4 =	simm.s32 $0x480;
	[sflag:s26] =	ssyncadd.s32 $0xFFFFEC78  }
0x5e: {  	[tilespmem:s16], [sflag:$0x2] =	stream.indirect.gather [hbm4b:s1+s13], $0x28, s4, s13, $0xb8;
	[tilespmem:$0x14DE8] =	vst v63  }
0x5f: {  	_ =	swait.ge [sflag:s29], $0x1388  }
0x60: {  	[sflag:s29] =	ssyncset.done $0x0  }
0x61: {  	s9 =	simm.s32 $0x500;
	[sflag:s29] =	ssyncadd.s32 $0xFFFFEC78  }
0x62: {  	[tilespmem:s18], [sflag:$0x3] =	stream.indirect.gather [hbm4b:s1+s13], $0x28, s9, s13, $0xb8;
	[tilespmem:$0x14DE8] =	vst v63  }
0x63: {  	_ =	swait.ge [sflag:s5], $0x1388  }
0x64: {  	[sflag:s5] =	ssyncset.done $0x0  }
0x65: {  	s12 =	simm.s32 $0x580;
	[sflag:s5] =	ssyncadd.s32 $0xFFFFEC78  }
0x66: {  	[tilespmem:s20], [sflag:$0x4] =	stream.indirect.gather [hbm4b:s1+s13], $0x28, s12, s13, $0xb8;
	[tilespmem:$0x14DE8] =	vst v63  }
0x67: {  	_ =	swait.ge [sflag:s6], $0x1388  }
0x68: {  	[sflag:s6] =	ssyncset.done $0x0  }
0x69: {  	s4 =	simm.s32 $0x600;
	[sflag:s6] =	ssyncadd.s32 $0xFFFFEC78  }
0x6a: {  	[tilespmem:s22], [sflag:$0x5] =	stream.indirect.gather [hbm4b:s1+s13], $0x28, s4, s13, $0xb8;
	[tilespmem:$0x14DE8] =	vst v63  }
0x6b: {  	_ =	swait.ge [sflag:s7], $0x1388  }
0x6c: {  	[sflag:s7] =	ssyncset.done $0x0  }
0x6d: {  	s9 =	simm.s32 $0x680;
	[sflag:s7] =	ssyncadd.s32 $0xFFFFEC78  }
0x6e: {  	[tilespmem:s25], [sflag:$0x6] =	stream.indirect.gather [hbm4b:s1+s13], $0x28, s9, s13, $0xb8;
	[tilespmem:$0x14DE8] =	vst v63  }
0x6f: {  	_ =	swait.ge [sflag:s8], $0x1388  }
0x70: {  	[sflag:s8] =	ssyncset.done $0x0  }
0x71: {  	s12 =	simm.s32 $0x700;
	[sflag:s8] =	ssyncadd.s32 $0xFFFFEC78  }
0x72: {  	[tilespmem:s28], [sflag:$0x7] =	stream.indirect.gather [hbm4b:s1+s13], $0x28, s12, s13, $0xb8;
	[tilespmem:$0x14DE8] =	vst v63  }
0x73: {  	_ =	swait.ge [sflag:s24], $0x1388  }
0x74: {  	s11 =	simm.s32 $0x1000;
	[sflag:s24] =	ssyncset.done $0x0  }
0x75: {  	s12 =	simm.s32 $0x780;
	s4 =	rddreg [dreg:$0xb];
	[sflag:s24] =	ssyncadd.s32 $0xFFFFEC78  }
.LBB2_2:
0x76: {  	[tilespmem:s30], [sflag:$0x8] =	stream.indirect.gather [hbm4b:s1+s13], $0x28, s12, s13, $0xb8;
	[tilespmem:$0x14DE8] =	vst v63  }
0x77: {  	s12 =	smov.u32 s11  }
0x78: {  	p1 =	sne.s32 s11, $0x8000;
	s11 =	sadd.s32 $0x1000, s11;
	_ =	swait.ge [sflag:s31], $0x1388  }
0x79: {  	s12 =	sshra.s32 s12, $0x2;
	[sflag:s31] =	ssyncset.done $0x0  }
0x7a: {  	s9 =	sadd.s32 $0x2800, s12;
	[sflag:s31] =	ssyncadd.s32 $0xFFFFEC78  }
0x7b: {  	[spmem:s3] =	stream.indirect.scatter.add.f32 [tilespmem:s14], [sflag:$0x9], $0x28, s9, s13, $0xb8;
	[tilespmem:$0x14DE8] =	vst v63  }
0x7c: {  	_ =	swait.ge [sflag:s2], $0x1388  }
0x7d: {  	[sflag:s2] =	ssyncset.done $0x0  }
0x7e: {  	s9 =	sadd.s32 $0x2880, s12;
	[sflag:s2] =	ssyncadd.s32 $0xFFFFEC78  }
0x7f: {  	[spmem:s3] =	stream.indirect.scatter.add.f32 [tilespmem:s16], [sflag:$0xA], $0x28, s9, s13, $0xb8;
	[tilespmem:$0x14DE8] =	vst v63  }
0x80: {  	_ =	swait.ge [sflag:s0], $0x1388  }
0x81: {  	[sflag:s0] =	ssyncset.done $0x0  }
0x82: {  	s9 =	sadd.s32 $0x2900, s12;
	[sflag:s0] =	ssyncadd.s32 $0xFFFFEC78  }
0x83: {  	[spmem:s3] =	stream.indirect.scatter.add.f32 [tilespmem:s18], [sflag:$0xB], $0x28, s9, s13, $0xb8;
	[tilespmem:$0x14DE8] =	vst v63  }
0x84: {  	_ =	swait.ge [sflag:s10], $0x1388  }
0x85: {  	[sflag:s10] =	ssyncset.done $0x0  }
0x86: {  	s9 =	sadd.s32 $0x2980, s12;
	[sflag:s10] =	ssyncadd.s32 $0xFFFFEC78  }
0x87: {  	[spmem:s3] =	stream.indirect.scatter.add.f32 [tilespmem:s20], [sflag:$0xC], $0x28, s9, s13, $0xb8;
	[tilespmem:$0x14DE8] =	vst v63  }
0x88: {  	_ =	swait.ge [sflag:s15], $0x1388  }
0x89: {  	[sflag:s15] =	ssyncset.done $0x0  }
0x8a: {  	s9 =	sadd.s32 $0x2A00, s12;
	[sflag:s15] =	ssyncadd.s32 $0xFFFFEC78  }
0x8b: {  	[spmem:s3] =	stream.indirect.scatter.add.f32 [tilespmem:s22], [sflag:$0xD], $0x28, s9, s13, $0xb8;
	[tilespmem:$0x14DE8] =	vst v63  }
0x8c: {  	_ =	swait.ge [sflag:s17], $0x1388  }
0x8d: {  	[sflag:s17] =	ssyncset.done $0x0  }
0x8e: {  	s9 =	sadd.s32 $0x2A80, s12;
	[sflag:s17] =	ssyncadd.s32 $0xFFFFEC78  }
0x8f: {  	[spmem:s3] =	stream.indirect.scatter.add.f32 [tilespmem:s25], [sflag:$0xE], $0x28, s9, s13, $0xb8;
	[tilespmem:$0x14DE8] =	vst v63  }
0x90: {  	_ =	swait.ge [sflag:s19], $0x1388  }
0x91: {  	[sflag:s19] =	ssyncset.done $0x0  }
0x92: {  	s9 =	sadd.s32 $0x2B00, s12;
	[sflag:s19] =	ssyncadd.s32 $0xFFFFEC78  }
0x93: {  	[spmem:s3] =	stream.indirect.scatter.add.f32 [tilespmem:s28], [sflag:$0xF], $0x28, s9, s13, $0xb8;
	[tilespmem:$0x14DE8] =	vst v63  }
0x94: {  	_ =	swait.ge [sflag:s21], $0x1388  }
0x95: {  	[sflag:s21] =	ssyncset.done $0x0  }
0x96: {  	s9 =	sadd.s32 $0x2B80, s12;
	[sflag:s21] =	ssyncadd.s32 $0xFFFFEC78  }
0x97: {  	[spmem:s3] =	stream.indirect.scatter.add.f32 [tilespmem:s30], [sflag:$0x10], $0x28, s9, s13, $0xb8;
	[tilespmem:$0x14DE8] =	vst v63  }
0x98: {  	_ =	swait.ge [sflag:s23], $0x1388  }
0x99: {  	[sflag:s23] =	ssyncset.done $0x0  }
0x9a: {  	s9 =	sadd.s32 $0x400, s12;
	[sflag:s23] =	ssyncadd.s32 $0xFFFFEC78  }
0x9b: {  	[tilespmem:s14], [sflag:$0x1] =	stream.indirect.gather [hbm4b:s1+s13], $0x28, s9, s13, $0xb8;
	[tilespmem:$0x14DE8] =	vst v63  }
0x9c: {  	_ =	swait.ge [sflag:s26], $0x1388  }
0x9d: {  	[sflag:s26] =	ssyncset.done $0x0  }
0x9e: {  	s9 =	sadd.s32 $0x480, s12;
	[sflag:s26] =	ssyncadd.s32 $0xFFFFEC78  }
0x9f: {  	[tilespmem:s16], [sflag:$0x2] =	stream.indirect.gather [hbm4b:s1+s13], $0x28, s9, s13, $0xb8;
	[tilespmem:$0x14DE8] =	vst v63  }
0xa0: {  	_ =	swait.ge [sflag:s29], $0x1388  }
0xa1: {  	[sflag:s29] =	ssyncset.done $0x0  }
0xa2: {  	s9 =	sadd.s32 $0x500, s12;
	[sflag:s29] =	ssyncadd.s32 $0xFFFFEC78  }
0xa3: {  	[tilespmem:s18], [sflag:$0x3] =	stream.indirect.gather [hbm4b:s1+s13], $0x28, s9, s13, $0xb8;
	[tilespmem:$0x14DE8] =	vst v63  }
0xa4: {  	_ =	swait.ge [sflag:s5], $0x1388  }
0xa5: {  	[sflag:s5] =	ssyncset.done $0x0  }
0xa6: {  	s9 =	sadd.s32 $0x580, s12;
	[sflag:s5] =	ssyncadd.s32 $0xFFFFEC78  }
0xa7: {  	[tilespmem:s20], [sflag:$0x4] =	stream.indirect.gather [hbm4b:s1+s13], $0x28, s9, s13, $0xb8;
	[tilespmem:$0x14DE8] =	vst v63  }
0xa8: {  	_ =	swait.ge [sflag:s6], $0x1388  }
0xa9: {  	[sflag:s6] =	ssyncset.done $0x0  }
0xaa: {  	s9 =	sadd.s32 $0x600, s12;
	[sflag:s6] =	ssyncadd.s32 $0xFFFFEC78  }
0xab: {  	[tilespmem:s22], [sflag:$0x5] =	stream.indirect.gather [hbm4b:s1+s13], $0x28, s9, s13, $0xb8;
	[tilespmem:$0x14DE8] =	vst v63  }
0xac: {  	_ =	swait.ge [sflag:s7], $0x1388  }
0xad: {  	[sflag:s7] =	ssyncset.done $0x0  }
0xae: {  	s9 =	sadd.s32 $0x680, s12;
	[sflag:s7] =	ssyncadd.s32 $0xFFFFEC78  }
0xaf: {  	[tilespmem:s25], [sflag:$0x6] =	stream.indirect.gather [hbm4b:s1+s13], $0x28, s9, s13, $0xb8;
	[tilespmem:$0x14DE8] =	vst v63  }
0xb0: {  	_ =	swait.ge [sflag:s8], $0x1388  }
0xb1: {  	[sflag:s8] =	ssyncset.done $0x0  }
.Ltmp0:
0xb2: {  	s9 =	sadd.s32 $0x700, s12;
	[sflag:s8] =	ssyncadd.s32 $0xFFFFEC78;
	(pc) =	sbr.rel @p1 .LBB2_2-.Ltmp0, $4  }
0xb3: {  	[tilespmem:s28], [sflag:$0x7] =	stream.indirect.gather [hbm4b:s1+s13], $0x28, s9, s13, $0xb8;
	[tilespmem:$0x14DE8] =	vst v63  }
0xb4: {  	_ =	swait.ge [sflag:s24], $0x1388  }
0xb5: {  	[sflag:s24] =	ssyncset.done $0x0  }
0xb6: {  	s12 =	sadd.s32 $0x780, s12;
	[sflag:s24] =	ssyncadd.s32 $0xFFFFEC78  }
0xb7: {  	[tilespmem:s30], [sflag:$0x8] =	stream.indirect.gather [hbm4b:s1+s13], $0x28, s12, s13, $0xb8;
	[tilespmem:$0x14DE8] =	vst v63  }
0xb8: {  	_ =	swait.ge [sflag:s31], $0x1388  }
0xb9: {  	[sflag:s31] =	ssyncset.done $0x0  }
0xba: {  	s9 =	simm.s32 $0x4C00;
	[sflag:s31] =	ssyncadd.s32 $0xFFFFEC78  }
0xbb: {  	[spmem:s3] =	stream.indirect.scatter.add.f32 [tilespmem:s14], [sflag:$0x9], $0x28, s9, s13, $0xb8;
	[tilespmem:$0x14DE8] =	vst v63  }
0xbc: {  	_ =	swait.ge [sflag:s2], $0x1388  }
0xbd: {  	[sflag:s2] =	ssyncset.done $0x0  }
0xbe: {  	s12 =	simm.s32 $0x4C80;
	[sflag:s2] =	ssyncadd.s32 $0xFFFFEC78  }
0xbf: {  	[spmem:s3] =	stream.indirect.scatter.add.f32 [tilespmem:s16], [sflag:$0xA], $0x28, s12, s13, $0xb8;
	[tilespmem:$0x14DE8] =	vst v63  }
0xc0: {  	_ =	swait.ge [sflag:s0], $0x1388  }
0xc1: {  	[sflag:s0] =	ssyncset.done $0x0  }
0xc2: {  	s11 =	simm.s32 $0x4D00;
	[sflag:s0] =	ssyncadd.s32 $0xFFFFEC78  }
0xc3: {  	[spmem:s3] =	stream.indirect.scatter.add.f32 [tilespmem:s18], [sflag:$0xB], $0x28, s11, s13, $0xb8;
	[tilespmem:$0x14DE8] =	vst v63  }
0xc4: {  	_ =	swait.ge [sflag:s10], $0x1388  }
0xc5: {  	[sflag:s10] =	ssyncset.done $0x0  }
0xc6: {  	s12 =	simm.s32 $0x4D80;
	[sflag:s10] =	ssyncadd.s32 $0xFFFFEC78  }
0xc7: {  	[spmem:s3] =	stream.indirect.scatter.add.f32 [tilespmem:s20], [sflag:$0xC], $0x28, s12, s13, $0xb8;
	[tilespmem:$0x14DE8] =	vst v63  }
0xc8: {  	_ =	swait.ge [sflag:s15], $0x1388  }
0xc9: {  	[sflag:s15] =	ssyncset.done $0x0  }
0xca: {  	s11 =	simm.s32 $0x4E00;
	[sflag:s15] =	ssyncadd.s32 $0xFFFFEC78  }
0xcb: {  	[spmem:s3] =	stream.indirect.scatter.add.f32 [tilespmem:s22], [sflag:$0xD], $0x28, s11, s13, $0xb8;
	[tilespmem:$0x14DE8] =	vst v63  }
0xcc: {  	_ =	swait.ge [sflag:s17], $0x1388  }
0xcd: {  	[sflag:s17] =	ssyncset.done $0x0  }
0xce: {  	s12 =	simm.s32 $0x4E80;
	[sflag:s17] =	ssyncadd.s32 $0xFFFFEC78  }
0xcf: {  	[spmem:s3] =	stream.indirect.scatter.add.f32 [tilespmem:s25], [sflag:$0xE], $0x28, s12, s13, $0xb8;
	[tilespmem:$0x14DE8] =	vst v63  }
0xd0: {  	_ =	swait.ge [sflag:s19], $0x1388  }
0xd1: {  	[sflag:s19] =	ssyncset.done $0x0  }
0xd2: {  	s11 =	simm.s32 $0x4F00;
	[sflag:s19] =	ssyncadd.s32 $0xFFFFEC78  }
0xd3: {  	[spmem:s3] =	stream.indirect.scatter.add.f32 [tilespmem:s28], [sflag:$0xF], $0x28, s11, s13, $0xb8;
	[tilespmem:$0x14DE8] =	vst v63  }
0xd4: {  	_ =	swait.ge [sflag:s21], $0x1388  }
0xd5: {  	[sflag:s21] =	ssyncset.done $0x0  }
0xd6: {  	s12 =	simm.s32 $0x4F80;
	[sflag:s21] =	ssyncadd.s32 $0xFFFFEC78  }
0xd7: {  	[spmem:s3] =	stream.indirect.scatter.add.f32 [tilespmem:s30], [sflag:$0x10], $0x28, s12, s13, $0xb8;
	[tilespmem:$0x14DE8] =	vst v63  }
0xd8: {  	_ =	swait.ge [sflag:s23], $0x1388  }
0xd9: {  	[sflag:s23] =	ssyncset.done $0x0  }
0xda: {  	[sflag:s23] =	ssyncadd.s32 $0xFFFFEC78  }
0xdb: {  	_ =	swait.ge [sflag:s26], $0x1388  }
0xdc: {  	[sflag:s26] =	ssyncset.done $0x0  }
0xdd: {  	[sflag:s26] =	ssyncadd.s32 $0xFFFFEC78  }
0xde: {  	_ =	swait.ge [sflag:s29], $0x1388  }
0xdf: {  	[sflag:s29] =	ssyncset.done $0x0  }
0xe0: {  	[sflag:s29] =	ssyncadd.s32 $0xFFFFEC78  }
0xe1: {  	_ =	swait.ge [sflag:s5], $0x1388  }
0xe2: {  	[sflag:s5] =	ssyncset.done $0x0  }
0xe3: {  	[sflag:s5] =	ssyncadd.s32 $0xFFFFEC78  }
0xe4: {  	_ =	swait.ge [sflag:s6], $0x1388  }
0xe5: {  	[sflag:s6] =	ssyncset.done $0x0  }
0xe6: {  	[sflag:s6] =	ssyncadd.s32 $0xFFFFEC78  }
0xe7: {  	_ =	swait.ge [sflag:s7], $0x1388  }
0xe8: {  	[sflag:s7] =	ssyncset.done $0x0  }
0xe9: {  	[sflag:s7] =	ssyncadd.s32 $0xFFFFEC78  }
0xea: {  	_ =	swait.ge [sflag:s8], $0x1388  }
0xeb: {  	[sflag:s8] =	ssyncset.done $0x0  }
0xec: {  	[sflag:s8] =	ssyncadd.s32 $0xFFFFEC78  }
0xed: {  	_ =	swait.ge [sflag:s24], $0x1388  }
0xee: {  	[sflag:s24] =	ssyncset.done $0x0  }
0xef: {  	[sflag:s24] =	ssyncadd.s32 $0xFFFFEC78  }
0xf0: {  	[bflag:$0x0] =	sbarrier.arrive $0xFFFF  }
0xf1: {  	s12 =	rddreg [dreg:$0x8]  }
0xf2: {  	s11 =	simm.s32 @!p0 $0x11;
	s9 =	rddreg [dreg:$0x9]  }
0xf3: {  	[hbm:s9], [sflag:s4] =	dma.local @!p0 [spmem:s12], $0x1388  }
0xf4: {  	_ =	swait.ge @!p0 [sflag:s11], $0x1388  }
0xf5: {  	s9 =	rddreg [dreg:$0xa]  }
0xf6: {  	s12 =	rddreg [dreg:$0x7];
	s4 =	sadd.s32 $0x1, s9  }
0xf7: {  	p1 =	sne.s32 s4, s12  }
.Ltmp1:
0xf8: {  	_ = 	snop;
	(pc) =	sbr.rel @p1 .LBB2_1-.Ltmp1, $3  }
0xf9: {  	_ =	sdelay $0x1  }
0xfa: {  	[sflag:s11] =	ssyncset.done @!p0 $0x0;
	[dreg:$0xa] =	wrdreg s4;
	s4 =	simm.s32 @!p0 $0x11  }
0xfb: {  	[sflag:s4] =	ssyncadd.s32 @!p0 $0xFFFFEC78  }
0xfc: {  	_ =	sfence.sel $0x180000  }
0xfd: {  	[bflag:$0x0] =	sbarrier.arrive $0xFFFF  }
0xfe: {  	_ =	strace $0x9000004D  }
0xff: {  	s0 =	stileid.u32;
	[bflag:$0x2] =	sbarrier.arrive $0xFFFF  }
0x100: {  	p0 =	sne.s32 s0, $0x0;
	s0 =	rddreg [dreg:$0x3]  }
0x101: {  	s0 =	sadd.s32 @!p0 $0x100000, s0  }
0x102: {  	[sflag:s0] =	ssyncadd.tile.s32 @!p0 $0x1;
	_ =	shalt  }
.Lfunc_end2:
_tile_overlayer_lowered:
.L_overlay_start_2:
0x103: {  	(tag) =	ssettag $0x2  }
0x104: {  	s0 =	rddreg [dreg:$0x0];
	s2 =	stileid.u32  }
0x105: {  	s1 =	rddreg [dreg:$0x1];
	p0 =	sne.s32 s2, $0x0  }
0x106: {  	s3 =	rddreg [dreg:$0x2];
	[bflag:$0x3] =	sbarrier.arrive $0xFFFF;
	s2 =	simm.s32 @!p0 $0x1C11  }
0x107: {  	[timem:s3], [sflag:s2] =	dma.local @!p0 [hbm:s0], s1  }
0x108: {  	s0 =	simm.s32 @!p0 $0x11  }
0x109: {  	_ =	swait.ge @!p0 [sflag:s0], s1  }
0x10a: {  	s1 =	ssub.s32 @!p0 $0x0, s1;
	[sflag:s0] =	ssyncset.done @!p0 $0x0  }
0x10b: {  	[sflag:s0] =	ssyncadd.s32 @!p0 s1  }
0x10c: {  	[bflag:$0x3] =	sbarrier.arrive $0xFFFF  }
0x10d: {  	_ =	shalt  }

// kernel: kernel.9.cloned.1.call-start
scs
__scs_entry_jumppad:
0x0: {  	(pc) =	sbr.rel $0x88, $3  }
0x1: {  	(tag) =	ssettag $0x0;
	lr =	simm.s32 $0x1  }
0x2: {  	[smem:$0x3F9B] =	sst lr;
	_ =	strace $0xD0000000  }
0x3: {  	_ = 	snop  }
0x4: {  	_ = 	snop  }
0x5: {  	_ = 	snop  }
0x6: {  	_ = 	snop  }
0x7: {  	_ = 	snop  }
__scs_overlays_trampoline_lowered:
0x8: {  	[smem:$0x3FAA] =	sst s0  }
0x9: {  	[smem:$0x3FAB] =	sst s1  }
0xa: {  	[smem:$0x3FAC] =	sst s2  }
0xb: {  	[smem:$0x3FAD] =	sst s3  }
0xc: {  	[smem:$0x3FAE] =	sst s4  }
0xd: {  	[smem:$0x3FAF] =	sst s5  }
0xe: {  	[smem:$0x3FB0] =	sst s6  }
0xf: {  	[smem:$0x3FB1] =	sst s7  }
0x10: {  	[smem:$0x3FB2] =	sst s8  }
0x11: {  	[smem:$0x3FB3] =	sst s9;
	s0 =	simm.s32 @!p0 $0x0  }
0x12: {  	s1 =	sld [smem:$0x3F99];
	s0 =	simm.s32 @p0 $0x1  }
0x13: {  	[smem:$0x3FB4] =	sst s0;
	s0 =	simm.s32 @!p1 $0x0  }
0x14: {  	s2 =	sld [smem:$0x3F98];
	s0 =	simm.s32 @p1 $0x1  }
0x15: {  	[smem:$0x3FB5] =	sst s0;
	s0 =	simm.s32 @!p2 $0x0  }
0x16: {  	s3 =	sld [smem:$0x3FDB];
	s0 =	simm.s32 @p2 $0x1  }
0x17: {  	s4 =	simm.s32 $0x1BF5;
	[smem:$0x3FB7] =	sst s0  }
0x18: {  	s0 =	sld [smem:$0x3F9A];
	_ =	swait.ge [sflag:s4], $0x0  }
0x19: {  	s7 =	sld [smem:$0x3F9B]  }
0x1a: {  	s8 =	sadd.s32 $0xFFFFE003, lr  }
0x1b: {  	s9 =	sadd.s32 $0xFFFFFEF7, lr;
	s5 =	simm.s32 $0xFFFFFFFF;
	p2 =	slt.u32 s8, $0xFFFFF086  }
0x1c: {  	p1 =	slt.u32 s9, $0xF7A;
	s5 =	simm.s32 @!p2 $0x0  }
0x1d: {  	s5 =	simm.s32 @p1 $0x1;
	p0 =	seq.s32 s7, s2  }
0x1e: {  	s7 =	smul.u32 @!p0 $0xF7A, s2;
	p2 =	seq.s32 @!p0 s5, $0x0  }
0x1f: {  	s9 =	smul.u32 $0xF7A, s1;
	s8 =	simm.s32 @!p0 $0x1BF5;
	p2 =	por !p2, p0  }
0x20: {  	[sflag:s8] =	ssyncset.s32 @!p0 $0xFFFFF086;
	s6 =	sadd.s32 @!p0 s3, s7;
	s7 =	simm.s32 @!p0 $0x108  }
0x21: {  	s3 =	sadd.s32 s3, s9;
	s6 =	sadd.s32 @!p0 $0x88, s6;
	s7 =	simm.s32 @p2 $0x1082  }
0x22: {  	[simem:s7], [sflag:s8] =	dma.local @!p0 [hbm:s6], $0xF7A  }
0x23: {  	s9 =	sor.u32 $0xD0000000, s2;
	s6 =	simm.s32 $0x108;
	_ =	swait.ge @!p0 [sflag:s8], $0x0  }
0x24: {  	s3 =	sadd.s32 $0x88, s3;
	s6 =	simm.s32 @!p1 $0x1082;
	[sflag:s4] =	ssyncset.s32 $0xFFFFF086  }
0x25: {  	[simem:s6], [sflag:s4] =	dma.local [hbm:s3], $0xF7A  }
0x26: {  	[smem:$0x3F9B] =	sst s1;
	(tag) =	ssettag s2;
	_ =	strace s9  }
0x27: {  	s1 =	sld [smem:$0x3FAB]  }
0x28: {  	s2 =	sld [smem:$0x3FAC]  }
0x29: {  	s4 =	sld [smem:$0x3FAE]  }
0x2a: {  	p0 =	seq.s32 s5, $0x0;
	s5 =	sld [smem:$0x3FAF]  }
0x2b: {  	s6 =	sld [smem:$0x3FB0]  }
0x2c: {  	s7 =	sld [smem:$0x3FB1]  }
0x2d: {  	s3 =	simm.s32 $0x108;
	s8 =	sld [smem:$0x3FB2]  }
0x2e: {  	s3 =	simm.s32 @!p0 $0x1082;
	s9 =	sld [smem:$0x3FB3]  }
0x2f: {  	lr =	sadd.s32 s0, s3;
	s0 =	sld [smem:$0x3FAA]  }
0x30: {  	s3 =	sld [smem:$0x3FAD]  }
0x31: {  	[smem:$0x3FB6] =	sst s10  }
0x32: {  	s10 =	sld [smem:$0x3FB4];
	_ =	sdelay $0x3  }
0x33: {  	p0 =	seq.s32 s10, $0x1;
	s10 =	sld [smem:$0x3FB6];
	_ =	sdelay $0x3  }
0x34: {  	[smem:$0x3FB6] =	sst s10  }
0x35: {  	s10 =	sld [smem:$0x3FB5];
	_ =	sdelay $0x3  }
0x36: {  	p1 =	seq.s32 s10, $0x1;
	s10 =	sld [smem:$0x3FB6];
	_ =	sdelay $0x3  }
0x37: {  	[smem:$0x3FB6] =	sst s10  }
0x38: {  	s10 =	sld [smem:$0x3FB7]  }
0x39: {  	_ = 	snop;
	(pc) =	sbr.ind lr, $3  }
0x3a: {  	_ = 	snop  }
0x3b: {  	_ = 	snop  }
0x3c: {  	p2 =	seq.s32 s10, $0x1;
	s10 =	sld [smem:$0x3FB6]  }
0x3d: {  	_ =	shalt  }
0x3e: {  	_ =	shalt  }
0x3f: {  	_ =	shalt  }
0x40: {  	_ =	shalt  }
0x41: {  	_ =	shalt  }
0x42: {  	_ =	shalt  }
0x43: {  	_ =	shalt  }
0x44: {  	_ =	shalt  }
0x45: {  	_ =	shalt  }
0x46: {  	_ =	shalt  }
0x47: {  	_ =	shalt  }
0x48: {  	_ =	shalt  }
0x49: {  	_ =	shalt  }
0x4a: {  	_ =	shalt  }
0x4b: {  	_ =	shalt  }
0x4c: {  	_ =	shalt  }
0x4d: {  	_ =	shalt  }
0x4e: {  	_ =	shalt  }
0x4f: {  	_ =	shalt  }
0x50: {  	_ =	shalt  }
0x51: {  	_ =	shalt  }
0x52: {  	_ =	shalt  }
0x53: {  	_ =	shalt  }
0x54: {  	_ =	shalt  }
0x55: {  	_ =	shalt  }
0x56: {  	_ =	shalt  }
0x57: {  	_ =	shalt  }
0x58: {  	_ =	shalt  }
0x59: {  	_ =	shalt  }
0x5a: {  	_ =	shalt  }
0x5b: {  	_ =	shalt  }
0x5c: {  	_ =	shalt  }
0x5d: {  	_ =	shalt  }
0x5e: {  	_ =	shalt  }
0x5f: {  	_ =	shalt  }
0x60: {  	_ =	shalt  }
0x61: {  	_ =	shalt  }
0x62: {  	_ =	shalt  }
0x63: {  	_ =	shalt  }
0x64: {  	_ =	shalt  }
0x65: {  	_ =	shalt  }
0x66: {  	_ =	shalt  }
0x67: {  	_ =	shalt  }
0x68: {  	_ =	shalt  }
0x69: {  	_ =	shalt  }
0x6a: {  	_ =	shalt  }
0x6b: {  	_ =	shalt  }
0x6c: {  	_ =	shalt  }
0x6d: {  	_ =	shalt  }
0x6e: {  	_ =	shalt  }
0x6f: {  	_ =	shalt  }
0x70: {  	_ =	shalt  }
0x71: {  	_ =	shalt  }
0x72: {  	_ =	shalt  }
0x73: {  	_ =	shalt  }
0x74: {  	_ =	shalt  }
0x75: {  	_ =	shalt  }
0x76: {  	_ =	shalt  }
0x77: {  	_ =	shalt  }
0x78: {  	_ =	shalt  }
0x79: {  	_ =	shalt  }
0x7a: {  	_ =	shalt  }
0x7b: {  	_ =	shalt  }
0x7c: {  	_ =	shalt  }
0x7d: {  	_ =	shalt  }
0x7e: {  	_ =	shalt  }
0x7f: {  	_ =	shalt  }
0x80: {  	_ =	shalt  }
0x81: {  	_ =	shalt  }
0x82: {  	_ =	shalt  }
0x83: {  	_ =	shalt  }
0x84: {  	_ =	shalt  }
0x85: {  	_ =	shalt  }
0x86: {  	_ =	shalt  }
0x87: {  	_ =	shalt  }
.Lfunc_end0:
.L_simem_size_0:
called_computation_lowered:
.L_overlay_start_0:
0x88: {  	s2 =	sld [smem:$0x3FD9]  }
0x89: {  	s3 =	sld [smem:$0x3FFE];
	_ =	sdelay $0x1  }
0x8a: {  	s1 =	srdreg.scid  }
0x8b: {  	s0 =	sand.u32 $0x1, s1  }
0x8c: {  	s17 =	sshll.u32 s0, $0xA;
	s2 =	sadd.s32 s3, s2  }
0x8d: {  	s2 =	sadd.s32 s2, s17  }
0x8e: {  	[smem:$0x3FC2] =	sst s2  }
0x8f: {  	_ = 	snop  }
0x90: {  	s2 =	sld [smem:$0x3FD0];
	(tm) =	ssettm $0x1  }
0x91: {  	s18 =	sld [smem:$0x3FFB];
	_ =	sdelay $0x3  }
0x92: {  	_ =	strace s18  }
0x93: {  	s3 =	sld [smem:$0x3FFC];
	_ =	sdelay $0x3  }
0x94: {  	_ =	strace s3  }
0x95: {  	s3 =	sld [smem:$0x3FFD];
	_ =	sdelay $0x3  }
0x96: {  	_ =	strace s3  }
0x97: {  	_ =	strace $0x8FFFFFFF  }
0x98: {  	s19 =	sld [smem:$0x3FDB];
	_ =	sdelay $0x1  }
0x99: {  	s4 =	simm.s32 $_scs_section_size  }
0x9a: {  	s5 =	simm.s32 $_size__tile_overlayer_lowered;
	s6 =	simm.s32 $_tile_overlayer_lowered  }
0x9b: {  	s22 =	simm.s32 $0x1BFF;
	s21 =	sshll.u32 s6, $0x1;
	s3 =	sadd.s32 s4, s19  }
0x9c: {  	s7 =	simm.s32 $0x0;
	s20 =	sshll.u32 s5, $0x1;
	s5 =	sadd.s32 s21, s3  }
0x9d: {  	[timem:s7], [sflag:s22] =	dma.local [hbm:s5], s20  }
0x9e: {  	_ =	swait.ge [sflag:s22], s20  }
0x9f: {  	s4 =	ssub.s32 $0x0, s20;
	[sflag:s22] =	ssyncset.done $0x0  }
0xa0: {  	[sflag:s22] =	ssyncadd.s32 s4;
	_ =	sdelay $0x1  }
0xa1: {  	s23 =	simm.s32 $0x1B8B  }
0xa2: {  	_ =	swait.ge [sflag:s23], $0x1  }
0xa3: {  	[sflag:s23] =	ssyncset.done $0x0  }
0xa4: {  	s25 =	simm.s32 $0x1B8E;
	s24 =	sld [smem:$0x3FFE];
	[sflag:s23] =	ssyncadd.s32 $0xFFFFFFFF  }
0xa5: {  	s26 =	simm.s32 $execute0_lowered;
	[smem:$0x3FD2] =	sst s25  }
0xa6: {  	s5 =	sshll.u32 s26, $0x1;
	_ =	strace $0x80000046;
	[dreg:$0x1] =	wrdreg $0xFFFFFFFF  }
0xa7: {  	s28 =	simm.s32 $_size_execute0_lowered;
	s3 =	sadd.s32 s3, s5;
	[dreg:$0x0] =	wrdreg $0x0  }
0xa8: {  	s5 =	sshll.u32 s28, $0x1;
	[dreg:$0x2] =	wrdreg s3  }
0xa9: {  	[dreg:$0x3] =	wrdreg s5  }
0xaa: {  	[dreg:$0x4] =	wrdreg $0xC0  }
0xab: {  	_ =	task [dreg:s7], $0x5FFFF  }
0xac: {  	[dreg:$0x1] =	wrdreg $0xFFFFFFFF  }
0xad: {  	[dreg:$0x0] =	wrdreg $0x60  }
0xae: {  	[dreg:$0x2] =	wrdreg s24  }
0xaf: {  	[dreg:$0x3] =	wrdreg s2  }
0xb0: {  	[dreg:$0x4] =	wrdreg $0x2FD00  }
0xb1: {  	[dreg:$0x5] =	wrdreg $0x9  }
0xb2: {  	_ =	task.clear_ibuf [dreg:s7], $0x6FFFF;
	_ =	strace $0x90000046  }
0xb3: {  	s29 =	simm.s32 $0x9;
	_ =	strace $0x80000048  }
0xb4: {  	_ =	swait.ge [sflag:s29], $0x1  }
0xb5: {  	[sflag:s29] =	ssyncadd.s32 $0xFFFFFFFF  }
0xb6: {  	_ =	strace $0x90000048  }
0xb7: {  	_ =	sfence  }
0xb8: {  	s30 =	sld [smem:$0x0];
	_ =	sdelay $0x2  }
0xb9: {  	s31 =	sshll.u32 s1, $0xD;
	s1 =	sshrl.u32 s1, $0x2  }
0xba: {  	s3 =	sand.u32 $0x4000, s31;
	s1 =	sadd.s32 s1, s30  }
0xbb: {  	s0 =	sor.u32 s3, s0;
	s1 =	sshll.u32 s1, $0x11  }
0xbc: {  	s0 =	sor.u32 s1, s0  }
0xbd: {  	s0 =	sadd.s32 $0x8F2B, s0  }
0xbe: {  	[sflag:s0] =	ssyncadd.remote.s32 $0x1  }
0xbf: {  	_ =	sfence.sel $0xFFFF  }
0xc0: {  	[dreg:$0x0] =	wrdreg $0xFFFFFFFF;
	(pc) =	sbr.abs _section_cstart, $3  }
0xc1: {  	[dreg:$0x1] =	wrdreg $0xFFFFFFFF  }
0xc2: {  	_ =	task.clear_ibuf [dreg:s7], $0x2FFFF;
	_ =	strace $0x9FFFFFFF  }
0xc3: {  	(tm) =	ssettm $0x7FFFFFFF  }
tec
execute0_lowered:
.L_overlay_start_1:
0x0: {  	(tag) =	ssettag $0x1  }
0x1: {  	s5 =	rddreg [dreg:$0x0]  }
0x2: {  	s7 =	rddreg [dreg:$0x1]  }
0x3: {  	s0 =	srdreg.scid;
	s2 =	rddreg [dreg:$0x2]  }
0x4: {  	s3 =	simm.s32 $0x0;
	s6 =	sand.u32 $0x1, s0;
	s0 =	stileid.u32  }
0x5: {  	[smem:$0x7FF] =	sst s3;
	s1 =	sshll.u32 s6, $0x4;
	s8 =	smul.u32 $0x3E80, s0  }
0x6: {  	s10 =	ssub.s32 $0x2, s6;
	s31 =	smul.u32 $0x4E20, s6;
	p0 =	sgt.u32 s0, $0x9  }
0x7: {  	s4 =	sor.u32 s0, s1;
	s1 =	rddreg [dreg:$0x3];
	_ =	strace $0x80000047  }
0x8: {  	s11 =	sshrl.u32 s10, $0x1;
	s4 =	smul.u32 $0x500, s4;
	s14 =	sshrl.u32 s8, $0x3  }
0x9: {  	s10 =	ssub.s32 s10, s11;
	s13 =	sadd.s32 s8, s2;
	s15 =	sadd.s32 s7, s31  }
0xa: {  	s8 =	simm.s32 $0x2;
	s12 =	sadd.s32 s14, s5;
	s7 =	smax.u32 s10, $0x1  }
0xb: {  	s10 =	sshll.u32 @!p0 s0, $0x6;
	s11 =	sshrl.u32 @!p0 s13, $0x3;
	s13 =	simm.s32 $0x1  }
0xc: {  	s14 =	sadd.s32 @!p0 s14, s15;
	s15 =	simm.s32 $0x0;
	s9 =	sadd.s32 s4, s5  }
0xd: {  	s4 =	sadd.s32 $0x10A00, s5;
	s6 =	sadd.s32 $0xBA00, s12;
	s10 =	sor.u32 @!p0 $0x1C02, s10  }
0xe: {  	s12 =	simm.s32 $0x7D;
	s5 =	sadd.s32 $0x1A00, s9;
	s9 =	simm.s32 $0x2800  }
.LBB2_1:
0xf: {  	[tilespmem:s3], [sflag:$0x2] =	stream.linear.gather [hbm4b:s5+s3], $0x2800, $0x38;
	[tilespmem:$0x56E0] =	vst v63  }
0x10: {  	_ =	swait.ge [sflag:s8], $0x2800  }
0x11: {  	[sflag:s8] =	ssyncset.done $0x0  }
0x12: {  	[sflag:s8] =	ssyncadd.s32 $0xFFFFD800  }
0x13: {  	[tilespmem:s9], [sflag:$0x2] =	stream.linear.gather [hbm4b:s4+s3], $0x7D0, $0x38;
	[tilespmem:$0x56E0] =	vst v63  }
0x14: {  	_ =	swait.ge [sflag:s8], $0x7D0  }
0x15: {  	[sflag:s8] =	ssyncset.done $0x0  }
0x16: {  	s16 =	simm.s32 @!p0 $0x2;
	[sflag:s8] =	ssyncadd.s32 $0xFFFFF830  }
0x17: {  	[spmem:s11], [sflag:s10] =	dma.local @!p0 [hbm:s6], $0x7D0  }
0x18: {  	_ =	swait.ge @!p0 [sflag:s16], $0x7D0  }
0x19: {  	[sflag:s16] =	ssyncset.done @!p0 $0x0  }
0x1a: {  	[sflag:s16] =	ssyncadd.s32 @!p0 $0xFFFFF830  }
0x1b: {  	s16 =	simm.s32 $0x0;
	[bflag:$0x0] =	sbarrier.arrive $0xFFFF  }
.LBB2_2:
0x1c: {  	p1 =	sne.s32 s16, $0x9E00  }
.Ltmp0:
0x1d: {  	_ = 	snop;
	(pc) =	sbr.rel @p1 .LBB2_2-.Ltmp0, $3  }
0x1e: {  	_ =	sdelay $0x1  }
0x1f: {  	s17 =	sshra.s32 s16, $0x2;
	s16 =	sadd.s32 $0x200, s16  }
0x20: {  	[spmem:s2] =	stream.indirect.scatter.add.f32 [tilespmem:s9], [sflag:$0x1], $0x10, s17, s12, $0xb8;
	[tilespmem:$0x56E0] =	vst v63  }
0x21: {  	_ =	swait.ge [sflag:s13], $0x7D0  }
0x22: {  	s16 =	simm.s32 $0x4F;
	[sflag:s13] =	ssyncset.done $0x0  }
.LBB2_4:
0x23: {  	p1 =	sne.s32 s16, $0x1;
	s16 =	sadd.s32 $0xFFFFFFFF, s16;
	[sflag:s13] =	ssyncadd.s32 $0xFFFFF830  }
.Ltmp1:
0x24: {  	(pc) =	sbr.rel @p1 .LBB2_4-.Ltmp1, $3  }
0x25: {  	_ =	sdelay $0x1  }
0x26: {  	_ =	swait.ge [sflag:s13], $0x7D0  }
0x27: {  	[sflag:s13] =	ssyncset.done $0x0  }
0x28: {  	s15 =	sadd.s32 $0x1, s15  }
0x29: {  	[sflag:s13] =	ssyncadd.s32 $0xFFFFF830;
	p1 =	sne.s32 s15, s7  }
.Ltmp2:
0x2a: {  	s16 =	simm.s32 @!p0 $0x2;
	[bflag:$0x0] =	sbarrier.arrive $0xFFFF;
	(pc) =	sbr.rel @p1 .LBB2_1-.Ltmp2, $4  }
0x2b: {  	[hbm:s14], [sflag:s10] =	dma.local @!p0 [spmem:s11], $0x7D0  }
0x2c: {  	_ =	swait.ge @!p0 [sflag:s16], $0x7D0  }
0x2d: {  	[sflag:s16] =	ssyncset.done @!p0 $0x0  }
0x2e: {  	[sflag:s16] =	ssyncadd.s32 @!p0 $0xFFFFF830  }
0x2f: {  	_ =	sfence.sel $0x180000  }
0x30: {  	[bflag:$0x0] =	sbarrier.arrive $0xFFFF  }
0x31: {  	p0 =	sne.s32 s0, $0x0;
	_ =	strace $0x90000047  }
0x32: {  	s0 =	sadd.s32 @!p0 $0x100000, s1;
	[bflag:$0x2] =	sbarrier.arrive $0xFFFF  }
0x33: {  	[sflag:s0] =	ssyncadd.tile.s32 @!p0 $0x1;
	_ =	shalt  }
.Lfunc_end2:
_tile_overlayer_lowered:
.L_overlay_start_2:
0x34: {  	(tag) =	ssettag $0x2  }
0x35: {  	s0 =	rddreg [dreg:$0x0];
	s2 =	stileid.u32  }
0x36: {  	s1 =	rddreg [dreg:$0x1];
	p0 =	sne.s32 s2, $0x0  }
0x37: {  	s3 =	rddreg [dreg:$0x2];
	[bflag:$0x3] =	sbarrier.arrive $0xFFFF;
	s2 =	simm.s32 @!p0 $0x1C02  }
0x38: {  	[timem:s3], [sflag:s2] =	dma.local @!p0 [hbm:s0], s1  }
0x39: {  	s0 =	simm.s32 @!p0 $0x2  }
0x3a: {  	_ =	swait.ge @!p0 [sflag:s0], s1  }
0x3b: {  	s1 =	ssub.s32 @!p0 $0x0, s1;
	[sflag:s0] =	ssyncset.done @!p0 $0x0  }
0x3c: {  	[sflag:s0] =	ssyncadd.s32 @!p0 s1  }
0x3d: {  	[bflag:$0x3] =	sbarrier.arrive $0xFFFF  }
0x3e: {  	_ =	shalt  }

</sc_bundles>
